<compile_context>
chip_gen: v7x
topology: tpu7x:2x2x1
jax: 0.10.2.dev20260603
libtpu: 0.0.44.dev20260713+nightly
codegen_flags: <defaults>
</compile_context>

<pallas_src>
import functools

import jax
import jax.numpy as jnp
from jax import lax
from jax.experimental import pallas as pl
from jax.experimental.pallas import tpu as pltpu
from jax.experimental.pallas import tpu_sc as plsc
import jax.experimental.layout
from jax.experimental.layout import Format, Layout

NC, NS = 2, 16
NW = NC * NS
B = 16384
D = 64
BPW = B // NW
H1, H2 = 128, 64
CHUNK = 2048
IB = 128
NI = BPW // IB
LANES = 16
NB = 1000001
BROWS = 7813
PADW = BROWS * 128
UPAIR = (NB - 1) // 2
RCHUNK = 131072


def _gather_body(uid_hbm, iid_hbm, utab_hbm, itab_hbm, ubias_hbm, ibias_hbm,
                 x_out, bsum_out,
                 uidx_v, iidx_v, ubrow_v, ibrow_v,
                 urows_v, irows_v, brows_v, bsum_v, sem, bsem):
    wid = lax.axis_index("s") * NC + lax.axis_index("c")
    base = wid * BPW
    pltpu.sync_copy(uid_hbm.at[pl.ds(wid * NI, NI)], uidx_v)
    pltpu.sync_copy(iid_hbm.at[pl.ds(wid * NI, NI)], iidx_v)
    for j in range(NI):
        for k in range(IB // LANES):
            sl = pl.ds(k * LANES, LANES)
            ubrow_v[j, sl] = uidx_v[j, sl] >> 7
            ibrow_v[j, sl] = iidx_v[j, sl] >> 7
    cps = []
    for j in range(NI):
        sl = pl.ds(j * IB, IB)
        cps.append(pltpu.async_copy(utab_hbm.at[uidx_v.at[j]], urows_v.at[sl], sem))
        cps.append(pltpu.async_copy(itab_hbm.at[iidx_v.at[j]], irows_v.at[sl], sem))
    for j in range(NI):
        pltpu.async_copy(ubias_hbm.at[ubrow_v.at[j]], brows_v, bsem).wait()
        for k in range(IB // LANES):
            sl = pl.ds(k * LANES, LANES)
            pos = lax.iota(jnp.int32, LANES) + k * LANES
            bsum_v[pl.ds(j * IB + k * LANES, LANES)] = plsc.load_gather(
                brows_v, [pos, uidx_v[j, sl] & 127])
        pltpu.async_copy(ibias_hbm.at[ibrow_v.at[j]], brows_v, bsem).wait()
        for k in range(IB // LANES):
            sl = pl.ds(k * LANES, LANES)
            pos = lax.iota(jnp.int32, LANES) + k * LANES
            dst = pl.ds(j * IB + k * LANES, LANES)
            bsum_v[dst] = bsum_v[dst] + plsc.load_gather(
                brows_v, [pos, iidx_v[j, sl] & 127])
    for cp in cps:
        cp.wait()
    pltpu.sync_copy(urows_v, x_out.at[pl.ds(base, BPW), pl.ds(0, D)])
    pltpu.sync_copy(irows_v, x_out.at[pl.ds(base, BPW), pl.ds(D, D)])
    pltpu.sync_copy(bsum_v, bsum_out.at[pl.ds(base, BPW)])


@functools.cache
def _make_gather():
    return functools.partial(
        pl.kernel,
        out_type=[
            jax.ShapeDtypeStruct((B, 2 * D), jnp.float32),
            jax.ShapeDtypeStruct((B,), jnp.float32),
        ],
        mesh=plsc.VectorSubcoreMesh(core_axis_name="c", subcore_axis_name="s"),
        compiler_params=pltpu.CompilerParams(use_tc_tiling_on_sc=False,
                                             needs_layout_passes=False),
        scratch_types=[
            pltpu.VMEM((NI, IB), jnp.int32),
            pltpu.VMEM((NI, IB), jnp.int32),
            pltpu.VMEM((NI, IB), jnp.int32),
            pltpu.VMEM((NI, IB), jnp.int32),
            pltpu.VMEM((BPW, D), jnp.float32),
            pltpu.VMEM((BPW, D), jnp.float32),
            pltpu.VMEM((IB, 2 * D), jnp.float32),
            pltpu.VMEM((BPW,), jnp.float32),
            pltpu.SemaphoreType.DMA,
            pltpu.SemaphoreType.DMA,
        ],
    )(_gather_body)


def _repack_body(ub_ref, ib_ref, ubo_ref, ibo_ref):
    ubo_ref[...] = ub_ref[...]
    ibo_ref[...] = ib_ref[...]


def _repack(ubf, ibf):
    ngrid = (PADW + RCHUNK - 1) // RCHUNK
    return pl.pallas_call(
        _repack_body,
        grid=(ngrid,),
        in_specs=[pl.BlockSpec((RCHUNK,), lambda b: (b,)),
                  pl.BlockSpec((RCHUNK,), lambda b: (b,))],
        out_specs=[pl.BlockSpec((RCHUNK,), lambda b: (b,)),
                   pl.BlockSpec((RCHUNK,), lambda b: (b,))],
        out_shape=[jax.ShapeDtypeStruct((PADW,), jnp.float32),
                   jax.ShapeDtypeStruct((PADW,), jnp.float32)],
    )(ubf, ibf)


def _mlp_body(x_ref, b_ref, w1_ref, b1_ref,
              w2_ref, b2_ref, w3_ref, b3_ref, o_ref):
    h = jnp.dot(x_ref[...], w1_ref[...], preferred_element_type=jnp.float32)
    h = jnp.maximum(h + b1_ref[...], 0.0)
    h = jnp.maximum(
        jnp.dot(h, w2_ref[...], preferred_element_type=jnp.float32) + b2_ref[...],
        0.0)
    o = jnp.sum(h * w3_ref[...], axis=1, keepdims=True)
    o_ref[...] = o + b3_ref[...] + b_ref[...]


def _mlp(x, bsum, w1, b1, w2, b2, w3, b3):
    full = lambda b: (0, 0)
    return pl.pallas_call(
        _mlp_body,
        grid=(B // CHUNK,),
        in_specs=[
            pl.BlockSpec((CHUNK, 2 * D), lambda b: (b, 0)),
            pl.BlockSpec((CHUNK, 1), lambda b: (b, 0)),
            pl.BlockSpec((2 * D, H1), full),
            pl.BlockSpec((1, H1), full),
            pl.BlockSpec((H1, H2), full),
            pl.BlockSpec((1, H2), full),
            pl.BlockSpec((1, H2), full),
            pl.BlockSpec((1, 1), full),
        ],
        out_specs=pl.BlockSpec((CHUNK, 1), lambda b: (b, 0)),
        out_shape=jax.ShapeDtypeStruct((B, 1), jnp.float32),
    )(x, bsum, w1, b1, w2, b2, w3, b3)


def kernel(user_ids, item_ids, user_table, item_table, user_bias, item_bias,
           W1, b1, W2, b2, W3, b3):
    uid = user_ids.astype(jnp.int32)
    iid = item_ids.astype(jnp.int32)
    ubp, ibp = _repack(user_bias.reshape(-1), item_bias.reshape(-1))
    x, bsum = _make_gather()(
        uid.reshape(B // IB, IB), iid.reshape(B // IB, IB),
        user_table, item_table,
        ubp.reshape(BROWS, 2 * D), ibp.reshape(BROWS, 2 * D))
    out = _mlp(x, bsum.reshape(B, 1), W1.T, b1.reshape(1, H1),
               W2.T, b2.reshape(1, H2), W3, b3.reshape(1, 1))
    return out[:, 0]

# --- scband reference (transcript-rebuilt; emitter-appended) ---
"""Pipeline reference for scband-enhanced-ncf-37726992728094 (READ-ONLY COPY).

The authoritative reference and input builder live on the scoring server;
editing this copy changes nothing except your own understanding.
"""

import jax, jax.numpy as jnp
import numpy as np

NUM_USERS = 1000000
NUM_ITEMS = 1000000
EMBED_DIM = 64
HIDDEN = [128, 64]
BATCH = 16384


def setup_inputs(seed: int = 0) -> dict:
    key = jax.random.key(seed)
    ks = jax.random.split(key, 12)
    user_ids = jax.random.randint(ks[0], (BATCH,), 0, NUM_USERS + 1, dtype=jnp.int64 if jax.config.read('jax_enable_x64') else jnp.int32)
    item_ids = jax.random.randint(ks[1], (BATCH,), 0, NUM_ITEMS + 1, dtype=jnp.int64 if jax.config.read('jax_enable_x64') else jnp.int32)
    user_table = jax.random.normal(ks[2], (NUM_USERS + 1, EMBED_DIM), dtype=jnp.float32) * 0.05
    item_table = jax.random.normal(ks[3], (NUM_ITEMS + 1, EMBED_DIM), dtype=jnp.float32) * 0.05
    user_bias = jax.random.normal(ks[4], (NUM_USERS + 1, 1), dtype=jnp.float32) * 0.05
    item_bias = jax.random.normal(ks[5], (NUM_ITEMS + 1, 1), dtype=jnp.float32) * 0.05
    in_dim = EMBED_DIM * 2
    W1 = jax.random.normal(ks[6], (HIDDEN[0], in_dim), dtype=jnp.float32) * (1.0 / np.sqrt(in_dim))
    b1 = jnp.zeros((HIDDEN[0],), dtype=jnp.float32)
    W2 = jax.random.normal(ks[7], (HIDDEN[1], HIDDEN[0]), dtype=jnp.float32) * (1.0 / np.sqrt(HIDDEN[0]))
    b2 = jnp.zeros((HIDDEN[1],), dtype=jnp.float32)
    W3 = jax.random.normal(ks[8], (1, HIDDEN[1]), dtype=jnp.float32) * (1.0 / np.sqrt(HIDDEN[1]))
    b3 = jnp.zeros((1,), dtype=jnp.float32)
    return {
        'user_ids': user_ids, 'item_ids': item_ids,
        'user_table': user_table, 'item_table': item_table,
        'user_bias': user_bias, 'item_bias': item_bias,
        'W1': W1, 'b1': b1, 'W2': W2, 'b2': b2, 'W3': W3, 'b3': b3,
    }


def reference(user_ids, item_ids, user_table, item_table, user_bias, item_bias, W1, b1, W2, b2, W3, b3):
    user_emb = jnp.take(user_table, user_ids, axis=0)
    item_emb = jnp.take(item_table, item_ids, axis=0)
    user_b = jnp.take(user_bias, user_ids, axis=0).squeeze()
    item_b = jnp.take(item_bias, item_ids, axis=0).squeeze()
    x = jnp.concatenate([user_emb, item_emb], axis=1)
    h = jax.nn.relu(x @ W1.T + b1)
    # dropout is identity in eval mode
    h = jax.nn.relu(h @ W2.T + b2)
    out = (h @ W3.T + b3).squeeze()
    return out + user_b + item_b

if __name__ == "__main__":
    import jax
    _d = setup_inputs()
    print(jax.jit(kernel)(*tuple(_d.values())))

</pallas_src>

<mosaic_0001>
#map = affine_map<(d0, d1) -> (0, 0)>
#map1 = affine_map<(d0, d1) -> (0)>
module attributes {stable_mosaic.version = 14 : i64} {
  func.func @_gather_body(%arg0: i32, %arg1: i32, %arg2: memref<128x128xi32, #tpu.memory_space<hbm>>, %arg3: memref<128x128xi32, #tpu.memory_space<hbm>>, %arg4: memref<1000001x64xf32, #tpu.memory_space<hbm>>, %arg5: memref<1000001x64xf32, #tpu.memory_space<hbm>>, %arg6: memref<7813x128xf32, #tpu.memory_space<hbm>>, %arg7: memref<7813x128xf32, #tpu.memory_space<hbm>>, %arg8: memref<16384x128xf32, #tpu.memory_space<hbm>>, %arg9: memref<16384xf32, #tpu.memory_space<hbm>>, %arg10: memref<4x128xi32, #tpu.memory_space<vmem>>, %arg11: memref<4x128xi32, #tpu.memory_space<vmem>>, %arg12: memref<4x128xi32, #tpu.memory_space<vmem>>, %arg13: memref<4x128xi32, #tpu.memory_space<vmem>>, %arg14: memref<512x64xf32, #tpu.memory_space<vmem>>, %arg15: memref<512x64xf32, #tpu.memory_space<vmem>>, %arg16: memref<128x128xf32, #tpu.memory_space<vmem>>, %arg17: memref<512xf32, #tpu.memory_space<vmem>>, %arg18: memref<!tpu.dma_semaphore, #tpu.memory_space<semaphore_mem>>, %arg19: memref<!tpu.dma_semaphore, #tpu.memory_space<semaphore_mem>>) attributes {dimension_semantics = [#tpu.dimension_semantics<core_parallel>, #tpu.dimension_semantics<subcore_parallel>], iteration_bounds = array<i64: 2, 16>, scalar_prefetch = 0 : i64, scratch_operands = 10 : i64, tpu.core_type = #tpu.core_type<sc_vector_subcore>, window_params = [{transform_indices = #map}, {transform_indices = #map}, {transform_indices = #map}, {transform_indices = #map}, {transform_indices = #map}, {transform_indices = #map}, {transform_indices = #map}, {transform_indices = #map1}]} {
    %mul3A = arith.constant 2 : i32
    %mul3A_0 = arith.muli %arg1, %mul3A : i32
    %add3A = arith.addi %mul3A_0, %arg0 : i32
    %mul3A_1 = arith.constant 512 : i32
    %mul3A_2 = arith.muli %add3A, %mul3A_1 : i32
    %mul3A_3 = arith.constant 4 : i32
    %mul3A_4 = arith.muli %add3A, %mul3A_3 : i32
    "tpu.region"() ({
      %run_scoped3A = tpu.sem_alloc : memref<!tpu.dma_semaphore, #tpu.memory_space<semaphore_mem>>
      %dma_start3A_1967 = arith.constant 0 : i32
      %dma_start3A_1968 = tpu.memref_slice %arg2[%mul3A_4, %dma_start3A_1967] : memref<128x128xi32, #tpu.memory_space<hbm>> -> memref<4x128xi32, #tpu.memory_space<hbm>>
      %dma_start3A_1969 = arith.constant 0 : i32
      %dma_start3A_1970 = tpu.memref_slice %arg2[%mul3A_4, %dma_start3A_1969] : memref<128x128xi32, #tpu.memory_space<hbm>> -> memref<4x128xi32, #tpu.memory_space<hbm>>
      tpu.enqueue_dma source(%dma_start3A_1970 : memref<4x128xi32, #tpu.memory_space<hbm>>) target(%arg10 : memref<4x128xi32, #tpu.memory_space<vmem>>) target_semaphore(%run_scoped3A : memref<!tpu.dma_semaphore, #tpu.memory_space<semaphore_mem>>)
      %dma_wait3A_1971 = arith.constant 0 : i32
      %dma_wait3A_1972 = tpu.memref_slice %arg2[%mul3A_4, %dma_wait3A_1971] : memref<128x128xi32, #tpu.memory_space<hbm>> -> memref<4x128xi32, #tpu.memory_space<hbm>>
      %dma_wait3A_1973 = arith.constant 0 : i32
      %dma_wait3A_1974 = tpu.memref_slice %arg2[%mul3A_4, %dma_wait3A_1973] : memref<128x128xi32, #tpu.memory_space<hbm>> -> memref<4x128xi32, #tpu.memory_space<hbm>>
      tpu.wait_dma2 semaphore(%run_scoped3A : memref<!tpu.dma_semaphore, #tpu.memory_space<semaphore_mem>>) src(%dma_wait3A_1974 : memref<4x128xi32, #tpu.memory_space<hbm>>) dst(%arg10 : memref<4x128xi32, #tpu.memory_space<vmem>>)
      tpu.yield
    }) : () -> ()
    %mul3A_5 = arith.constant 4 : i32
    %mul3A_6 = arith.muli %add3A, %mul3A_5 : i32
    "tpu.region"() ({
      %run_scoped3A = tpu.sem_alloc : memref<!tpu.dma_semaphore, #tpu.memory_space<semaphore_mem>>
      %dma_start3A_1967 = arith.constant 0 : i32
      %dma_start3A_1968 = tpu.memref_slice %arg3[%mul3A_6, %dma_start3A_1967] : memref<128x128xi32, #tpu.memory_space<hbm>> -> memref<4x128xi32, #tpu.memory_space<hbm>>
      %dma_start3A_1969 = arith.constant 0 : i32
      %dma_start3A_1970 = tpu.memref_slice %arg3[%mul3A_6, %dma_start3A_1969] : memref<128x128xi32, #tpu.memory_space<hbm>> -> memref<4x128xi32, #tpu.memory_space<hbm>>
      tpu.enqueue_dma source(%dma_start3A_1970 : memref<4x128xi32, #tpu.memory_space<hbm>>) target(%arg11 : memref<4x128xi32, #tpu.memory_space<vmem>>) target_semaphore(%run_scoped3A : memref<!tpu.dma_semaphore, #tpu.memory_space<semaphore_mem>>)
      %dma_wait3A_1971 = arith.constant 0 : i32
      %dma_wait3A_1972 = tpu.memref_slice %arg3[%mul3A_6, %dma_wait3A_1971] : memref<128x128xi32, #tpu.memory_space<hbm>> -> memref<4x128xi32, #tpu.memory_space<hbm>>
      %dma_wait3A_1973 = arith.constant 0 : i32
      %dma_wait3A_1974 = tpu.memref_slice %arg3[%mul3A_6, %dma_wait3A_1973] : memref<128x128xi32, #tpu.memory_space<hbm>> -> memref<4x128xi32, #tpu.memory_space<hbm>>
      tpu.wait_dma2 semaphore(%run_scoped3A : memref<!tpu.dma_semaphore, #tpu.memory_space<semaphore_mem>>) src(%dma_wait3A_1974 : memref<4x128xi32, #tpu.memory_space<hbm>>) dst(%arg11 : memref<4x128xi32, #tpu.memory_space<vmem>>)
      tpu.yield
    }) : () -> ()
    %get3A = arith.constant 0 : i32
    %get3A_7 = arith.index_cast %get3A : i32 to index
    %get3A_8 = arith.constant 0 : index
    %get3A_9 = tpu.vector_load %arg10[%get3A_7, %get3A_8] {strides = array<i32>} : memref<4x128xi32, #tpu.memory_space<vmem>>, vector<16xi32>,
    %shift_right_arithmetic3A = arith.constant 7 : i32
    %shift_right_arithmetic3A_10 = vector.broadcast %shift_right_arithmetic3A : i32 to vector<16xi32>
    %shift_right_arithmetic3A_11 = arith.shrsi %get3A_9, %shift_right_arithmetic3A_10 : vector<16xi32>
    %swap3A = arith.constant 0 : i32
    %swap3A_12 = arith.index_cast %swap3A : i32 to index
    %swap3A_13 = arith.constant 0 : index
    %swap3A_14 = tpu.vector_load %arg12[%swap3A_12, %swap3A_13] {strides = array<i32>} : memref<4x128xi32, #tpu.memory_space<vmem>>, vector<16xi32>,
    tpu.vector_store %arg12[%swap3A_12, %swap3A_13], %shift_right_arithmetic3A_11 {strides = array<i32>} : memref<4x128xi32, #tpu.memory_space<vmem>>, vector<16xi32>,
    %get3A_15 = arith.constant 0 : i32
    %get3A_16 = arith.index_cast %get3A_15 : i32 to index
    %get3A_17 = arith.constant 0 : index
    %get3A_18 = tpu.vector_load %arg11[%get3A_16, %get3A_17] {strides = array<i32>} : memref<4x128xi32, #tpu.memory_space<vmem>>, vector<16xi32>,
    %shift_right_arithmetic3A_19 = arith.constant 7 : i32
    %shift_right_arithmetic3A_20 = vector.broadcast %shift_right_arithmetic3A_19 : i32 to vector<16xi32>
    %shift_right_arithmetic3A_21 = arith.shrsi %get3A_18, %shift_right_arithmetic3A_20 : vector<16xi32>
    %swap3A_22 = arith.constant 0 : i32
    %swap3A_23 = arith.index_cast %swap3A_22 : i32 to index
    %swap3A_24 = arith.constant 0 : index
    %swap3A_25 = tpu.vector_load %arg13[%swap3A_23, %swap3A_24] {strides = array<i32>} : memref<4x128xi32, #tpu.memory_space<vmem>>, vector<16xi32>,
    tpu.vector_store %arg13[%swap3A_23, %swap3A_24], %shift_right_arithmetic3A_21 {strides = array<i32>} : memref<4x128xi32, #tpu.memory_space<vmem>>, vector<16xi32>,
    %get3A_26 = arith.constant 0 : i32
    %get3A_27 = arith.index_cast %get3A_26 : i32 to index
    %get3A_28 = arith.constant 16 : index
    %get3A_29 = tpu.vector_load %arg10[%get3A_27, %get3A_28] {strides = array<i32>} : memref<4x128xi32, #tpu.memory_space<vmem>>, vector<16xi32>,
    %shift_right_arithmetic3A_30 = arith.constant 7 : i32
    %shift_right_arithmetic3A_31 = vector.broadcast %shift_right_arithmetic3A_30 : i32 to vector<16xi32>
    %shift_right_arithmetic3A_32 = arith.shrsi %get3A_29, %shift_right_arithmetic3A_31 : vector<16xi32>
    %swap3A_33 = arith.constant 0 : i32
    %swap3A_34 = arith.index_cast %swap3A_33 : i32 to index
    %swap3A_35 = arith.constant 16 : index
    %swap3A_36 = tpu.vector_load %arg12[%swap3A_34, %swap3A_35] {strides = array<i32>} : memref<4x128xi32, #tpu.memory_space<vmem>>, vector<16xi32>,
    tpu.vector_store %arg12[%swap3A_34, %swap3A_35], %shift_right_arithmetic3A_32 {strides = array<i32>} : memref<4x128xi32, #tpu.memory_space<vmem>>, vector<16xi32>,
    %get3A_37 = arith.constant 0 : i32
    %get3A_38 = arith.index_cast %get3A_37 : i32 to index
    %get3A_39 = arith.constant 16 : index
    %get3A_40 = tpu.vector_load %arg11[%get3A_38, %get3A_39] {strides = array<i32>} : memref<4x128xi32, #tpu.memory_space<vmem>>, vector<16xi32>,
    %shift_right_arithmetic3A_41 = arith.constant 7 : i32
    %shift_right_arithmetic3A_42 = vector.broadcast %shift_right_arithmetic3A_41 : i32 to vector<16xi32>
    %shift_right_arithmetic3A_43 = arith.shrsi %get3A_40, %shift_right_arithmetic3A_42 : vector<16xi32>
    %swap3A_44 = arith.constant 0 : i32
    %swap3A_45 = arith.index_cast %swap3A_44 : i32 to index
    %swap3A_46 = arith.constant 16 : index
    %swap3A_47 = tpu.vector_load %arg13[%swap3A_45, %swap3A_46] {strides = array<i32>} : memref<4x128xi32, #tpu.memory_space<vmem>>, vector<16xi32>,
    tpu.vector_store %arg13[%swap3A_45, %swap3A_46], %shift_right_arithmetic3A_43 {strides = array<i32>} : memref<4x128xi32, #tpu.memory_space<vmem>>, vector<16xi32>,
    %get3A_48 = arith.constant 0 : i32
    %get3A_49 = arith.index_cast %get3A_48 : i32 to index
    %get3A_50 = arith.constant 32 : index
    %get3A_51 = tpu.vector_load %arg10[%get3A_49, %get3A_50] {strides = array<i32>} : memref<4x128xi32, #tpu.memory_space<vmem>>, vector<16xi32>,
    %shift_right_arithmetic3A_52 = arith.constant 7 : i32
    %shift_right_arithmetic3A_53 = vector.broadcast %shift_right_arithmetic3A_52 : i32 to vector<16xi32>
    %shift_right_arithmetic3A_54 = arith.shrsi %get3A_51, %shift_right_arithmetic3A_53 : vector<16xi32>
    %swap3A_55 = arith.constant 0 : i32
    %swap3A_56 = arith.index_cast %swap3A_55 : i32 to index
    %swap3A_57 = arith.constant 32 : index
    %swap3A_58 = tpu.vector_load %arg12[%swap3A_56, %swap3A_57] {strides = array<i32>} : memref<4x128xi32, #tpu.memory_space<vmem>>, vector<16xi32>,
    tpu.vector_store %arg12[%swap3A_56, %swap3A_57], %shift_right_arithmetic3A_54 {strides = array<i32>} : memref<4x128xi32, #tpu.memory_space<vmem>>, vector<16xi32>,
    %get3A_59 = arith.constant 0 : i32
    %get3A_60 = arith.index_cast %get3A_59 : i32 to index
    %get3A_61 = arith.constant 32 : index
    %get3A_62 = tpu.vector_load %arg11[%get3A_60, %get3A_61] {strides = array<i32>} : memref<4x128xi32, #tpu.memory_space<vmem>>, vector<16xi32>,
    %shift_right_arithmetic3A_63 = arith.constant 7 : i32
    %shift_right_arithmetic3A_64 = vector.broadcast %shift_right_arithmetic3A_63 : i32 to vector<16xi32>
    %shift_right_arithmetic3A_65 = arith.shrsi %get3A_62, %shift_right_arithmetic3A_64 : vector<16xi32>
    %swap3A_66 = arith.constant 0 : i32
    %swap3A_67 = arith.index_cast %swap3A_66 : i32 to index
    %swap3A_68 = arith.constant 32 : index
    %swap3A_69 = tpu.vector_load %arg13[%swap3A_67, %swap3A_68] {strides = array<i32>} : memref<4x128xi32, #tpu.memory_space<vmem>>, vector<16xi32>,
    tpu.vector_store %arg13[%swap3A_67, %swap3A_68], %shift_right_arithmetic3A_65 {strides = array<i32>} : memref<4x128xi32, #tpu.memory_space<vmem>>, vector<16xi32>,
    %get3A_70 = arith.constant 0 : i32
    %get3A_71 = arith.index_cast %get3A_70 : i32 to index
    %get3A_72 = arith.constant 48 : index
    %get3A_73 = tpu.vector_load %arg10[%get3A_71, %get3A_72] {strides = array<i32>} : memref<4x128xi32, #tpu.memory_space<vmem>>, vector<16xi32>,
    %shift_right_arithmetic3A_74 = arith.constant 7 : i32
    %shift_right_arithmetic3A_75 = vector.broadcast %shift_right_arithmetic3A_74 : i32 to vector<16xi32>
    %shift_right_arithmetic3A_76 = arith.shrsi %get3A_73, %shift_right_arithmetic3A_75 : vector<16xi32>
    %swap3A_77 = arith.constant 0 : i32
    %swap3A_78 = arith.index_cast %swap3A_77 : i32 to index
    %swap3A_79 = arith.constant 48 : index
    %swap3A_80 = tpu.vector_load %arg12[%swap3A_78, %swap3A_79] {strides = array<i32>} : memref<4x128xi32, #tpu.memory_space<vmem>>, vector<16xi32>,
    tpu.vector_store %arg12[%swap3A_78, %swap3A_79], %shift_right_arithmetic3A_76 {strides = array<i32>} : memref<4x128xi32, #tpu.memory_space<vmem>>, vector<16xi32>,
    %get3A_81 = arith.constant 0 : i32
    %get3A_82 = arith.index_cast %get3A_81 : i32 to index
    %get3A_83 = arith.constant 48 : index
    %get3A_84 = tpu.vector_load %arg11[%get3A_82, %get3A_83] {strides = array<i32>} : memref<4x128xi32, #tpu.memory_space<vmem>>, vector<16xi32>,
    %shift_right_arithmetic3A_85 = arith.constant 7 : i32
    %shift_right_arithmetic3A_86 = vector.broadcast %shift_right_arithmetic3A_85 : i32 to vector<16xi32>
    %shift_right_arithmetic3A_87 = arith.shrsi %get3A_84, %shift_right_arithmetic3A_86 : vector<16xi32>
    %swap3A_88 = arith.constant 0 : i32
    %swap3A_89 = arith.index_cast %swap3A_88 : i32 to index
    %swap3A_90 = arith.constant 48 : index
    %swap3A_91 = tpu.vector_load %arg13[%swap3A_89, %swap3A_90] {strides = array<i32>} : memref<4x128xi32, #tpu.memory_space<vmem>>, vector<16xi32>,
    tpu.vector_store %arg13[%swap3A_89, %swap3A_90], %shift_right_arithmetic3A_87 {strides = array<i32>} : memref<4x128xi32, #tpu.memory_space<vmem>>, vector<16xi32>,
    %get3A_92 = arith.constant 0 : i32
    %get3A_93 = arith.index_cast %get3A_92 : i32 to index
    %get3A_94 = arith.constant 64 : index
    %get3A_95 = tpu.vector_load %arg10[%get3A_93, %get3A_94] {strides = array<i32>} : memref<4x128xi32, #tpu.memory_space<vmem>>, vector<16xi32>,
    %shift_right_arithmetic3A_96 = arith.constant 7 : i32
    %shift_right_arithmetic3A_97 = vector.broadcast %shift_right_arithmetic3A_96 : i32 to vector<16xi32>
    %shift_right_arithmetic3A_98 = arith.shrsi %get3A_95, %shift_right_arithmetic3A_97 : vector<16xi32>
    %swap3A_99 = arith.constant 0 : i32
    %swap3A_100 = arith.index_cast %swap3A_99 : i32 to index
    %swap3A_101 = arith.constant 64 : index
    %swap3A_102 = tpu.vector_load %arg12[%swap3A_100, %swap3A_101] {strides = array<i32>} : memref<4x128xi32, #tpu.memory_space<vmem>>, vector<16xi32>,
    tpu.vector_store %arg12[%swap3A_100, %swap3A_101], %shift_right_arithmetic3A_98 {strides = array<i32>} : memref<4x128xi32, #tpu.memory_space<vmem>>, vector<16xi32>,
    %get3A_103 = arith.constant 0 : i32
    %get3A_104 = arith.index_cast %get3A_103 : i32 to index
    %get3A_105 = arith.constant 64 : index
    %get3A_106 = tpu.vector_load %arg11[%get3A_104, %get3A_105] {strides = array<i32>} : memref<4x128xi32, #tpu.memory_space<vmem>>, vector<16xi32>,
    %shift_right_arithmetic3A_107 = arith.constant 7 : i32
    %shift_right_arithmetic3A_108 = vector.broadcast %shift_right_arithmetic3A_107 : i32 to vector<16xi32>
    %shift_right_arithmetic3A_109 = arith.shrsi %get3A_106, %shift_right_arithmetic3A_108 : vector<16xi32>
    %swap3A_110 = arith.constant 0 : i32
    %swap3A_111 = arith.index_cast %swap3A_110 : i32 to index
    %swap3A_112 = arith.constant 64 : index
    %swap3A_113 = tpu.vector_load %arg13[%swap3A_111, %swap3A_112] {strides = array<i32>} : memref<4x128xi32, #tpu.memory_space<vmem>>, vector<16xi32>,
    tpu.vector_store %arg13[%swap3A_111, %swap3A_112], %shift_right_arithmetic3A_109 {strides = array<i32>} : memref<4x128xi32, #tpu.memory_space<vmem>>, vector<16xi32>,
    %get3A_114 = arith.constant 0 : i32
    %get3A_115 = arith.index_cast %get3A_114 : i32 to index
    %get3A_116 = arith.constant 80 : index
    %get3A_117 = tpu.vector_load %arg10[%get3A_115, %get3A_116] {strides = array<i32>} : memref<4x128xi32, #tpu.memory_space<vmem>>, vector<16xi32>,
    %shift_right_arithmetic3A_118 = arith.constant 7 : i32
    %shift_right_arithmetic3A_119 = vector.broadcast %shift_right_arithmetic3A_118 : i32 to vector<16xi32>
    %shift_right_arithmetic3A_120 = arith.shrsi %get3A_117, %shift_right_arithmetic3A_119 : vector<16xi32>
    %swap3A_121 = arith.constant 0 : i32
    %swap3A_122 = arith.index_cast %swap3A_121 : i32 to index
    %swap3A_123 = arith.constant 80 : index
    %swap3A_124 = tpu.vector_load %arg12[%swap3A_122, %swap3A_123] {strides = array<i32>} : memref<4x128xi32, #tpu.memory_space<vmem>>, vector<16xi32>,
    tpu.vector_store %arg12[%swap3A_122, %swap3A_123], %shift_right_arithmetic3A_120 {strides = array<i32>} : memref<4x128xi32, #tpu.memory_space<vmem>>, vector<16xi32>,
    %get3A_125 = arith.constant 0 : i32
    %get3A_126 = arith.index_cast %get3A_125 : i32 to index
    %get3A_127 = arith.constant 80 : index
    %get3A_128 = tpu.vector_load %arg11[%get3A_126, %get3A_127] {strides = array<i32>} : memref<4x128xi32, #tpu.memory_space<vmem>>, vector<16xi32>,
    %shift_right_arithmetic3A_129 = arith.constant 7 : i32
    %shift_right_arithmetic3A_130 = vector.broadcast %shift_right_arithmetic3A_129 : i32 to vector<16xi32>
    %shift_right_arithmetic3A_131 = arith.shrsi %get3A_128, %shift_right_arithmetic3A_130 : vector<16xi32>
    %swap3A_132 = arith.constant 0 : i32
    %swap3A_133 = arith.index_cast %swap3A_132 : i32 to index
    %swap3A_134 = arith.constant 80 : index
    %swap3A_135 = tpu.vector_load %arg13[%swap3A_133, %swap3A_134] {strides = array<i32>} : memref<4x128xi32, #tpu.memory_space<vmem>>, vector<16xi32>,
    tpu.vector_store %arg13[%swap3A_133, %swap3A_134], %shift_right_arithmetic3A_131 {strides = array<i32>} : memref<4x128xi32, #tpu.memory_space<vmem>>, vector<16xi32>,
    %get3A_136 = arith.constant 0 : i32
    %get3A_137 = arith.index_cast %get3A_136 : i32 to index
    %get3A_138 = arith.constant 96 : index
    %get3A_139 = tpu.vector_load %arg10[%get3A_137, %get3A_138] {strides = array<i32>} : memref<4x128xi32, #tpu.memory_space<vmem>>, vector<16xi32>,
    %shift_right_arithmetic3A_140 = arith.constant 7 : i32
    %shift_right_arithmetic3A_141 = vector.broadcast %shift_right_arithmetic3A_140 : i32 to vector<16xi32>
    %shift_right_arithmetic3A_142 = arith.shrsi %get3A_139, %shift_right_arithmetic3A_141 : vector<16xi32>
    %swap3A_143 = arith.constant 0 : i32
    %swap3A_144 = arith.index_cast %swap3A_143 : i32 to index
    %swap3A_145 = arith.constant 96 : index
    %swap3A_146 = tpu.vector_load %arg12[%swap3A_144, %swap3A_145] {strides = array<i32>} : memref<4x128xi32, #tpu.memory_space<vmem>>, vector<16xi32>,
    tpu.vector_store %arg12[%swap3A_144, %swap3A_145], %shift_right_arithmetic3A_142 {strides = array<i32>} : memref<4x128xi32, #tpu.memory_space<vmem>>, vector<16xi32>,
    %get3A_147 = arith.constant 0 : i32
    %get3A_148 = arith.index_cast %get3A_147 : i32 to index
    %get3A_149 = arith.constant 96 : index
    %get3A_150 = tpu.vector_load %arg11[%get3A_148, %get3A_149] {strides = array<i32>} : memref<4x128xi32, #tpu.memory_space<vmem>>, vector<16xi32>,
    %shift_right_arithmetic3A_151 = arith.constant 7 : i32
    %shift_right_arithmetic3A_152 = vector.broadcast %shift_right_arithmetic3A_151 : i32 to vector<16xi32>
    %shift_right_arithmetic3A_153 = arith.shrsi %get3A_150, %shift_right_arithmetic3A_152 : vector<16xi32>
    %swap3A_154 = arith.constant 0 : i32
    %swap3A_155 = arith.index_cast %swap3A_154 : i32 to index
    %swap3A_156 = arith.constant 96 : index
    %swap3A_157 = tpu.vector_load %arg13[%swap3A_155, %swap3A_156] {strides = array<i32>} : memref<4x128xi32, #tpu.memory_space<vmem>>, vector<16xi32>,
    tpu.vector_store %arg13[%swap3A_155, %swap3A_156], %shift_right_arithmetic3A_153 {strides = array<i32>} : memref<4x128xi32, #tpu.memory_space<vmem>>, vector<16xi32>,
    %get3A_158 = arith.constant 0 : i32
    %get3A_159 = arith.index_cast %get3A_158 : i32 to index
    %get3A_160 = arith.constant 112 : index
    %get3A_161 = tpu.vector_load %arg10[%get3A_159, %get3A_160] {strides = array<i32>} : memref<4x128xi32, #tpu.memory_space<vmem>>, vector<16xi32>,
    %shift_right_arithmetic3A_162 = arith.constant 7 : i32
    %shift_right_arithmetic3A_163 = vector.broadcast %shift_right_arithmetic3A_162 : i32 to vector<16xi32>
    %shift_right_arithmetic3A_164 = arith.shrsi %get3A_161, %shift_right_arithmetic3A_163 : vector<16xi32>
    %swap3A_165 = arith.constant 0 : i32
    %swap3A_166 = arith.index_cast %swap3A_165 : i32 to index
    %swap3A_167 = arith.constant 112 : index
    %swap3A_168 = tpu.vector_load %arg12[%swap3A_166, %swap3A_167] {strides = array<i32>} : memref<4x128xi32, #tpu.memory_space<vmem>>, vector<16xi32>,
    tpu.vector_store %arg12[%swap3A_166, %swap3A_167], %shift_right_arithmetic3A_164 {strides = array<i32>} : memref<4x128xi32, #tpu.memory_space<vmem>>, vector<16xi32>,
    %get3A_169 = arith.constant 0 : i32
    %get3A_170 = arith.index_cast %get3A_169 : i32 to index
    %get3A_171 = arith.constant 112 : index
    %get3A_172 = tpu.vector_load %arg11[%get3A_170, %get3A_171] {strides = array<i32>} : memref<4x128xi32, #tpu.memory_space<vmem>>, vector<16xi32>,
    %shift_right_arithmetic3A_173 = arith.constant 7 : i32
    %shift_right_arithmetic3A_174 = vector.broadcast %shift_right_arithmetic3A_173 : i32 to vector<16xi32>
    %shift_right_arithmetic3A_175 = arith.shrsi %get3A_172, %shift_right_arithmetic3A_174 : vector<16xi32>
    %swap3A_176 = arith.constant 0 : i32
    %swap3A_177 = arith.index_cast %swap3A_176 : i32 to index
    %swap3A_178 = arith.constant 112 : index
    %swap3A_179 = tpu.vector_load %arg13[%swap3A_177, %swap3A_178] {strides = array<i32>} : memref<4x128xi32, #tpu.memory_space<vmem>>, vector<16xi32>,
    tpu.vector_store %arg13[%swap3A_177, %swap3A_178], %shift_right_arithmetic3A_175 {strides = array<i32>} : memref<4x128xi32, #tpu.memory_space<vmem>>, vector<16xi32>,
    %get3A_180 = arith.constant 1 : i32
    %get3A_181 = arith.index_cast %get3A_180 : i32 to index
    %get3A_182 = arith.constant 0 : index
    %get3A_183 = tpu.vector_load %arg10[%get3A_181, %get3A_182] {strides = array<i32>} : memref<4x128xi32, #tpu.memory_space<vmem>>, vector<16xi32>,
    %shift_right_arithmetic3A_184 = arith.constant 7 : i32
    %shift_right_arithmetic3A_185 = vector.broadcast %shift_right_arithmetic3A_184 : i32 to vector<16xi32>
    %shift_right_arithmetic3A_186 = arith.shrsi %get3A_183, %shift_right_arithmetic3A_185 : vector<16xi32>
    %swap3A_187 = arith.constant 1 : i32
    %swap3A_188 = arith.index_cast %swap3A_187 : i32 to index
    %swap3A_189 = arith.constant 0 : index
    %swap3A_190 = tpu.vector_load %arg12[%swap3A_188, %swap3A_189] {strides = array<i32>} : memref<4x128xi32, #tpu.memory_space<vmem>>, vector<16xi32>,
    tpu.vector_store %arg12[%swap3A_188, %swap3A_189], %shift_right_arithmetic3A_186 {strides = array<i32>} : memref<4x128xi32, #tpu.memory_space<vmem>>, vector<16xi32>,
    %get3A_191 = arith.constant 1 : i32
    %get3A_192 = arith.index_cast %get3A_191 : i32 to index
    %get3A_193 = arith.constant 0 : index
    %get3A_194 = tpu.vector_load %arg11[%get3A_192, %get3A_193] {strides = array<i32>} : memref<4x128xi32, #tpu.memory_space<vmem>>, vector<16xi32>,
    %shift_right_arithmetic3A_195 = arith.constant 7 : i32
    %shift_right_arithmetic3A_196 = vector.broadcast %shift_right_arithmetic3A_195 : i32 to vector<16xi32>
    %shift_right_arithmetic3A_197 = arith.shrsi %get3A_194, %shift_right_arithmetic3A_196 : vector<16xi32>
    %swap3A_198 = arith.constant 1 : i32
    %swap3A_199 = arith.index_cast %swap3A_198 : i32 to index
    %swap3A_200 = arith.constant 0 : index
    %swap3A_201 = tpu.vector_load %arg13[%swap3A_199, %swap3A_200] {strides = array<i32>} : memref<4x128xi32, #tpu.memory_space<vmem>>, vector<16xi32>,
    tpu.vector_store %arg13[%swap3A_199, %swap3A_200], %shift_right_arithmetic3A_197 {strides = array<i32>} : memref<4x128xi32, #tpu.memory_space<vmem>>, vector<16xi32>,
    %get3A_202 = arith.constant 1 : i32
    %get3A_203 = arith.index_cast %get3A_202 : i32 to index
    %get3A_204 = arith.constant 16 : index
    %get3A_205 = tpu.vector_load %arg10[%get3A_203, %get3A_204] {strides = array<i32>} : memref<4x128xi32, #tpu.memory_space<vmem>>, vector<16xi32>,
    %shift_right_arithmetic3A_206 = arith.constant 7 : i32
    %shift_right_arithmetic3A_207 = vector.broadcast %shift_right_arithmetic3A_206 : i32 to vector<16xi32>
    %shift_right_arithmetic3A_208 = arith.shrsi %get3A_205, %shift_right_arithmetic3A_207 : vector<16xi32>
    %swap3A_209 = arith.constant 1 : i32
    %swap3A_210 = arith.index_cast %swap3A_209 : i32 to index
    %swap3A_211 = arith.constant 16 : index
    %swap3A_212 = tpu.vector_load %arg12[%swap3A_210, %swap3A_211] {strides = array<i32>} : memref<4x128xi32, #tpu.memory_space<vmem>>, vector<16xi32>,
    tpu.vector_store %arg12[%swap3A_210, %swap3A_211], %shift_right_arithmetic3A_208 {strides = array<i32>} : memref<4x128xi32, #tpu.memory_space<vmem>>, vector<16xi32>,
    %get3A_213 = arith.constant 1 : i32
    %get3A_214 = arith.index_cast %get3A_213 : i32 to index
    %get3A_215 = arith.constant 16 : index
    %get3A_216 = tpu.vector_load %arg11[%get3A_214, %get3A_215] {strides = array<i32>} : memref<4x128xi32, #tpu.memory_space<vmem>>, vector<16xi32>,
    %shift_right_arithmetic3A_217 = arith.constant 7 : i32
    %shift_right_arithmetic3A_218 = vector.broadcast %shift_right_arithmetic3A_217 : i32 to vector<16xi32>
    %shift_right_arithmetic3A_219 = arith.shrsi %get3A_216, %shift_right_arithmetic3A_218 : vector<16xi32>
    %swap3A_220 = arith.constant 1 : i32
    %swap3A_221 = arith.index_cast %swap3A_220 : i32 to index
    %swap3A_222 = arith.constant 16 : index
    %swap3A_223 = tpu.vector_load %arg13[%swap3A_221, %swap3A_222] {strides = array<i32>} : memref<4x128xi32, #tpu.memory_space<vmem>>, vector<16xi32>,
    tpu.vector_store %arg13[%swap3A_221, %swap3A_222], %shift_right_arithmetic3A_219 {strides = array<i32>} : memref<4x128xi32, #tpu.memory_space<vmem>>, vector<16xi32>,
    %get3A_224 = arith.constant 1 : i32
    %get3A_225 = arith.index_cast %get3A_224 : i32 to index
    %get3A_226 = arith.constant 32 : index
    %get3A_227 = tpu.vector_load %arg10[%get3A_225, %get3A_226] {strides = array<i32>} : memref<4x128xi32, #tpu.memory_space<vmem>>, vector<16xi32>,
    %shift_right_arithmetic3A_228 = arith.constant 7 : i32
    %shift_right_arithmetic3A_229 = vector.broadcast %shift_right_arithmetic3A_228 : i32 to vector<16xi32>
    %shift_right_arithmetic3A_230 = arith.shrsi %get3A_227, %shift_right_arithmetic3A_229 : vector<16xi32>
    %swap3A_231 = arith.constant 1 : i32
    %swap3A_232 = arith.index_cast %swap3A_231 : i32 to index
    %swap3A_233 = arith.constant 32 : index
    %swap3A_234 = tpu.vector_load %arg12[%swap3A_232, %swap3A_233] {strides = array<i32>} : memref<4x128xi32, #tpu.memory_space<vmem>>, vector<16xi32>,
    tpu.vector_store %arg12[%swap3A_232, %swap3A_233], %shift_right_arithmetic3A_230 {strides = array<i32>} : memref<4x128xi32, #tpu.memory_space<vmem>>, vector<16xi32>,
    %get3A_235 = arith.constant 1 : i32
    %get3A_236 = arith.index_cast %get3A_235 : i32 to index
    %get3A_237 = arith.constant 32 : index
    %get3A_238 = tpu.vector_load %arg11[%get3A_236, %get3A_237] {strides = array<i32>} : memref<4x128xi32, #tpu.memory_space<vmem>>, vector<16xi32>,
    %shift_right_arithmetic3A_239 = arith.constant 7 : i32
    %shift_right_arithmetic3A_240 = vector.broadcast %shift_right_arithmetic3A_239 : i32 to vector<16xi32>
    %shift_right_arithmetic3A_241 = arith.shrsi %get3A_238, %shift_right_arithmetic3A_240 : vector<16xi32>
    %swap3A_242 = arith.constant 1 : i32
    %swap3A_243 = arith.index_cast %swap3A_242 : i32 to index
    %swap3A_244 = arith.constant 32 : index
    %swap3A_245 = tpu.vector_load %arg13[%swap3A_243, %swap3A_244] {strides = array<i32>} : memref<4x128xi32, #tpu.memory_space<vmem>>, vector<16xi32>,
    tpu.vector_store %arg13[%swap3A_243, %swap3A_244], %shift_right_arithmetic3A_241 {strides = array<i32>} : memref<4x128xi32, #tpu.memory_space<vmem>>, vector<16xi32>,
    %get3A_246 = arith.constant 1 : i32
    %get3A_247 = arith.index_cast %get3A_246 : i32 to index
    %get3A_248 = arith.constant 48 : index
    %get3A_249 = tpu.vector_load %arg10[%get3A_247, %get3A_248] {strides = array<i32>} : memref<4x128xi32, #tpu.memory_space<vmem>>, vector<16xi32>,
    %shift_right_arithmetic3A_250 = arith.constant 7 : i32
    %shift_right_arithmetic3A_251 = vector.broadcast %shift_right_arithmetic3A_250 : i32 to vector<16xi32>
    %shift_right_arithmetic3A_252 = arith.shrsi %get3A_249, %shift_right_arithmetic3A_251 : vector<16xi32>
    %swap3A_253 = arith.constant 1 : i32
    %swap3A_254 = arith.index_cast %swap3A_253 : i32 to index
    %swap3A_255 = arith.constant 48 : index
    %swap3A_256 = tpu.vector_load %arg12[%swap3A_254, %swap3A_255] {strides = array<i32>} : memref<4x128xi32, #tpu.memory_space<vmem>>, vector<16xi32>,
    tpu.vector_store %arg12[%swap3A_254, %swap3A_255], %shift_right_arithmetic3A_252 {strides = array<i32>} : memref<4x128xi32, #tpu.memory_space<vmem>>, vector<16xi32>,
    %get3A_257 = arith.constant 1 : i32
    %get3A_258 = arith.index_cast %get3A_257 : i32 to index
    %get3A_259 = arith.constant 48 : index
    %get3A_260 = tpu.vector_load %arg11[%get3A_258, %get3A_259] {strides = array<i32>} : memref<4x128xi32, #tpu.memory_space<vmem>>, vector<16xi32>,
    %shift_right_arithmetic3A_261 = arith.constant 7 : i32
    %shift_right_arithmetic3A_262 = vector.broadcast %shift_right_arithmetic3A_261 : i32 to vector<16xi32>
    %shift_right_arithmetic3A_263 = arith.shrsi %get3A_260, %shift_right_arithmetic3A_262 : vector<16xi32>
    %swap3A_264 = arith.constant 1 : i32
    %swap3A_265 = arith.index_cast %swap3A_264 : i32 to index
    %swap3A_266 = arith.constant 48 : index
    %swap3A_267 = tpu.vector_load %arg13[%swap3A_265, %swap3A_266] {strides = array<i32>} : memref<4x128xi32, #tpu.memory_space<vmem>>, vector<16xi32>,
    tpu.vector_store %arg13[%swap3A_265, %swap3A_266], %shift_right_arithmetic3A_263 {strides = array<i32>} : memref<4x128xi32, #tpu.memory_space<vmem>>, vector<16xi32>,
    %get3A_268 = arith.constant 1 : i32
    %get3A_269 = arith.index_cast %get3A_268 : i32 to index
    %get3A_270 = arith.constant 64 : index
    %get3A_271 = tpu.vector_load %arg10[%get3A_269, %get3A_270] {strides = array<i32>} : memref<4x128xi32, #tpu.memory_space<vmem>>, vector<16xi32>,
    %shift_right_arithmetic3A_272 = arith.constant 7 : i32
    %shift_right_arithmetic3A_273 = vector.broadcast %shift_right_arithmetic3A_272 : i32 to vector<16xi32>
    %shift_right_arithmetic3A_274 = arith.shrsi %get3A_271, %shift_right_arithmetic3A_273 : vector<16xi32>
    %swap3A_275 = arith.constant 1 : i32
    %swap3A_276 = arith.index_cast %swap3A_275 : i32 to index
    %swap3A_277 = arith.constant 64 : index
    %swap3A_278 = tpu.vector_load %arg12[%swap3A_276, %swap3A_277] {strides = array<i32>} : memref<4x128xi32, #tpu.memory_space<vmem>>, vector<16xi32>,
    tpu.vector_store %arg12[%swap3A_276, %swap3A_277], %shift_right_arithmetic3A_274 {strides = array<i32>} : memref<4x128xi32, #tpu.memory_space<vmem>>, vector<16xi32>,
    %get3A_279 = arith.constant 1 : i32
    %get3A_280 = arith.index_cast %get3A_279 : i32 to index
    %get3A_281 = arith.constant 64 : index
    %get3A_282 = tpu.vector_load %arg11[%get3A_280, %get3A_281] {strides = array<i32>} : memref<4x128xi32, #tpu.memory_space<vmem>>, vector<16xi32>,
    %shift_right_arithmetic3A_283 = arith.constant 7 : i32
    %shift_right_arithmetic3A_284 = vector.broadcast %shift_right_arithmetic3A_283 : i32 to vector<16xi32>
    %shift_right_arithmetic3A_285 = arith.shrsi %get3A_282, %shift_right_arithmetic3A_284 : vector<16xi32>
    %swap3A_286 = arith.constant 1 : i32
    %swap3A_287 = arith.index_cast %swap3A_286 : i32 to index
    %swap3A_288 = arith.constant 64 : index
    %swap3A_289 = tpu.vector_load %arg13[%swap3A_287, %swap3A_288] {strides = array<i32>} : memref<4x128xi32, #tpu.memory_space<vmem>>, vector<16xi32>,
    tpu.vector_store %arg13[%swap3A_287, %swap3A_288], %shift_right_arithmetic3A_285 {strides = array<i32>} : memref<4x128xi32, #tpu.memory_space<vmem>>, vector<16xi32>,
    %get3A_290 = arith.constant 1 : i32
    %get3A_291 = arith.index_cast %get3A_290 : i32 to index
    %get3A_292 = arith.constant 80 : index
    %get3A_293 = tpu.vector_load %arg10[%get3A_291, %get3A_292] {strides = array<i32>} : memref<4x128xi32, #tpu.memory_space<vmem>>, vector<16xi32>,
    %shift_right_arithmetic3A_294 = arith.constant 7 : i32
    %shift_right_arithmetic3A_295 = vector.broadcast %shift_right_arithmetic3A_294 : i32 to vector<16xi32>
    %shift_right_arithmetic3A_296 = arith.shrsi %get3A_293, %shift_right_arithmetic3A_295 : vector<16xi32>
    %swap3A_297 = arith.constant 1 : i32
    %swap3A_298 = arith.index_cast %swap3A_297 : i32 to index
    %swap3A_299 = arith.constant 80 : index
    %swap3A_300 = tpu.vector_load %arg12[%swap3A_298, %swap3A_299] {strides = array<i32>} : memref<4x128xi32, #tpu.memory_space<vmem>>, vector<16xi32>,
    tpu.vector_store %arg12[%swap3A_298, %swap3A_299], %shift_right_arithmetic3A_296 {strides = array<i32>} : memref<4x128xi32, #tpu.memory_space<vmem>>, vector<16xi32>,
    %get3A_301 = arith.constant 1 : i32
    %get3A_302 = arith.index_cast %get3A_301 : i32 to index
    %get3A_303 = arith.constant 80 : index
    %get3A_304 = tpu.vector_load %arg11[%get3A_302, %get3A_303] {strides = array<i32>} : memref<4x128xi32, #tpu.memory_space<vmem>>, vector<16xi32>,
    %shift_right_arithmetic3A_305 = arith.constant 7 : i32
    %shift_right_arithmetic3A_306 = vector.broadcast %shift_right_arithmetic3A_305 : i32 to vector<16xi32>
    %shift_right_arithmetic3A_307 = arith.shrsi %get3A_304, %shift_right_arithmetic3A_306 : vector<16xi32>
    %swap3A_308 = arith.constant 1 : i32
    %swap3A_309 = arith.index_cast %swap3A_308 : i32 to index
    %swap3A_310 = arith.constant 80 : index
    %swap3A_311 = tpu.vector_load %arg13[%swap3A_309, %swap3A_310] {strides = array<i32>} : memref<4x128xi32, #tpu.memory_space<vmem>>, vector<16xi32>,
    tpu.vector_store %arg13[%swap3A_309, %swap3A_310], %shift_right_arithmetic3A_307 {strides = array<i32>} : memref<4x128xi32, #tpu.memory_space<vmem>>, vector<16xi32>,
    %get3A_312 = arith.constant 1 : i32
    %get3A_313 = arith.index_cast %get3A_312 : i32 to index
    %get3A_314 = arith.constant 96 : index
    %get3A_315 = tpu.vector_load %arg10[%get3A_313, %get3A_314] {strides = array<i32>} : memref<4x128xi32, #tpu.memory_space<vmem>>, vector<16xi32>,
    %shift_right_arithmetic3A_316 = arith.constant 7 : i32
    %shift_right_arithmetic3A_317 = vector.broadcast %shift_right_arithmetic3A_316 : i32 to vector<16xi32>
    %shift_right_arithmetic3A_318 = arith.shrsi %get3A_315, %shift_right_arithmetic3A_317 : vector<16xi32>
    %swap3A_319 = arith.constant 1 : i32
    %swap3A_320 = arith.index_cast %swap3A_319 : i32 to index
    %swap3A_321 = arith.constant 96 : index
    %swap3A_322 = tpu.vector_load %arg12[%swap3A_320, %swap3A_321] {strides = array<i32>} : memref<4x128xi32, #tpu.memory_space<vmem>>, vector<16xi32>,
    tpu.vector_store %arg12[%swap3A_320, %swap3A_321], %shift_right_arithmetic3A_318 {strides = array<i32>} : memref<4x128xi32, #tpu.memory_space<vmem>>, vector<16xi32>,
    %get3A_323 = arith.constant 1 : i32
    %get3A_324 = arith.index_cast %get3A_323 : i32 to index
    %get3A_325 = arith.constant 96 : index
    %get3A_326 = tpu.vector_load %arg11[%get3A_324, %get3A_325] {strides = array<i32>} : memref<4x128xi32, #tpu.memory_space<vmem>>, vector<16xi32>,
    %shift_right_arithmetic3A_327 = arith.constant 7 : i32
    %shift_right_arithmetic3A_328 = vector.broadcast %shift_right_arithmetic3A_327 : i32 to vector<16xi32>
    %shift_right_arithmetic3A_329 = arith.shrsi %get3A_326, %shift_right_arithmetic3A_328 : vector<16xi32>
    %swap3A_330 = arith.constant 1 : i32
    %swap3A_331 = arith.index_cast %swap3A_330 : i32 to index
    %swap3A_332 = arith.constant 96 : index
    %swap3A_333 = tpu.vector_load %arg13[%swap3A_331, %swap3A_332] {strides = array<i32>} : memref<4x128xi32, #tpu.memory_space<vmem>>, vector<16xi32>,
    tpu.vector_store %arg13[%swap3A_331, %swap3A_332], %shift_right_arithmetic3A_329 {strides = array<i32>} : memref<4x128xi32, #tpu.memory_space<vmem>>, vector<16xi32>,
    %get3A_334 = arith.constant 1 : i32
    %get3A_335 = arith.index_cast %get3A_334 : i32 to index
    %get3A_336 = arith.constant 112 : index
    %get3A_337 = tpu.vector_load %arg10[%get3A_335, %get3A_336] {strides = array<i32>} : memref<4x128xi32, #tpu.memory_space<vmem>>, vector<16xi32>,
    %shift_right_arithmetic3A_338 = arith.constant 7 : i32
    %shift_right_arithmetic3A_339 = vector.broadcast %shift_right_arithmetic3A_338 : i32 to vector<16xi32>
    %shift_right_arithmetic3A_340 = arith.shrsi %get3A_337, %shift_right_arithmetic3A_339 : vector<16xi32>
    %swap3A_341 = arith.constant 1 : i32
    %swap3A_342 = arith.index_cast %swap3A_341 : i32 to index
    %swap3A_343 = arith.constant 112 : index
    %swap3A_344 = tpu.vector_load %arg12[%swap3A_342, %swap3A_343] {strides = array<i32>} : memref<4x128xi32, #tpu.memory_space<vmem>>, vector<16xi32>,
    tpu.vector_store %arg12[%swap3A_342, %swap3A_343], %shift_right_arithmetic3A_340 {strides = array<i32>} : memref<4x128xi32, #tpu.memory_space<vmem>>, vector<16xi32>,
    %get3A_345 = arith.constant 1 : i32
    %get3A_346 = arith.index_cast %get3A_345 : i32 to index
    %get3A_347 = arith.constant 112 : index
    %get3A_348 = tpu.vector_load %arg11[%get3A_346, %get3A_347] {strides = array<i32>} : memref<4x128xi32, #tpu.memory_space<vmem>>, vector<16xi32>,
    %shift_right_arithmetic3A_349 = arith.constant 7 : i32
    %shift_right_arithmetic3A_350 = vector.broadcast %shift_right_arithmetic3A_349 : i32 to vector<16xi32>
    %shift_right_arithmetic3A_351 = arith.shrsi %get3A_348, %shift_right_arithmetic3A_350 : vector<16xi32>
    %swap3A_352 = arith.constant 1 : i32
    %swap3A_353 = arith.index_cast %swap3A_352 : i32 to index
    %swap3A_354 = arith.constant 112 : index
    %swap3A_355 = tpu.vector_load %arg13[%swap3A_353, %swap3A_354] {strides = array<i32>} : memref<4x128xi32, #tpu.memory_space<vmem>>, vector<16xi32>,
    tpu.vector_store %arg13[%swap3A_353, %swap3A_354], %shift_right_arithmetic3A_351 {strides = array<i32>} : memref<4x128xi32, #tpu.memory_space<vmem>>, vector<16xi32>,
    %get3A_356 = arith.constant 2 : i32
    %get3A_357 = arith.index_cast %get3A_356 : i32 to index
    %get3A_358 = arith.constant 0 : index
    %get3A_359 = tpu.vector_load %arg10[%get3A_357, %get3A_358] {strides = array<i32>} : memref<4x128xi32, #tpu.memory_space<vmem>>, vector<16xi32>,
    %shift_right_arithmetic3A_360 = arith.constant 7 : i32
    %shift_right_arithmetic3A_361 = vector.broadcast %shift_right_arithmetic3A_360 : i32 to vector<16xi32>
    %shift_right_arithmetic3A_362 = arith.shrsi %get3A_359, %shift_right_arithmetic3A_361 : vector<16xi32>
    %swap3A_363 = arith.constant 2 : i32
    %swap3A_364 = arith.index_cast %swap3A_363 : i32 to index
    %swap3A_365 = arith.constant 0 : index
    %swap3A_366 = tpu.vector_load %arg12[%swap3A_364, %swap3A_365] {strides = array<i32>} : memref<4x128xi32, #tpu.memory_space<vmem>>, vector<16xi32>,
    tpu.vector_store %arg12[%swap3A_364, %swap3A_365], %shift_right_arithmetic3A_362 {strides = array<i32>} : memref<4x128xi32, #tpu.memory_space<vmem>>, vector<16xi32>,
    %get3A_367 = arith.constant 2 : i32
    %get3A_368 = arith.index_cast %get3A_367 : i32 to index
    %get3A_369 = arith.constant 0 : index
    %get3A_370 = tpu.vector_load %arg11[%get3A_368, %get3A_369] {strides = array<i32>} : memref<4x128xi32, #tpu.memory_space<vmem>>, vector<16xi32>,
    %shift_right_arithmetic3A_371 = arith.constant 7 : i32
    %shift_right_arithmetic3A_372 = vector.broadcast %shift_right_arithmetic3A_371 : i32 to vector<16xi32>
    %shift_right_arithmetic3A_373 = arith.shrsi %get3A_370, %shift_right_arithmetic3A_372 : vector<16xi32>
    %swap3A_374 = arith.constant 2 : i32
    %swap3A_375 = arith.index_cast %swap3A_374 : i32 to index
    %swap3A_376 = arith.constant 0 : index
    %swap3A_377 = tpu.vector_load %arg13[%swap3A_375, %swap3A_376] {strides = array<i32>} : memref<4x128xi32, #tpu.memory_space<vmem>>, vector<16xi32>,
    tpu.vector_store %arg13[%swap3A_375, %swap3A_376], %shift_right_arithmetic3A_373 {strides = array<i32>} : memref<4x128xi32, #tpu.memory_space<vmem>>, vector<16xi32>,
    %get3A_378 = arith.constant 2 : i32
    %get3A_379 = arith.index_cast %get3A_378 : i32 to index
    %get3A_380 = arith.constant 16 : index
    %get3A_381 = tpu.vector_load %arg10[%get3A_379, %get3A_380] {strides = array<i32>} : memref<4x128xi32, #tpu.memory_space<vmem>>, vector<16xi32>,
    %shift_right_arithmetic3A_382 = arith.constant 7 : i32
    %shift_right_arithmetic3A_383 = vector.broadcast %shift_right_arithmetic3A_382 : i32 to vector<16xi32>
    %shift_right_arithmetic3A_384 = arith.shrsi %get3A_381, %shift_right_arithmetic3A_383 : vector<16xi32>
    %swap3A_385 = arith.constant 2 : i32
    %swap3A_386 = arith.index_cast %swap3A_385 : i32 to index
    %swap3A_387 = arith.constant 16 : index
    %swap3A_388 = tpu.vector_load %arg12[%swap3A_386, %swap3A_387] {strides = array<i32>} : memref<4x128xi32, #tpu.memory_space<vmem>>, vector<16xi32>,
    tpu.vector_store %arg12[%swap3A_386, %swap3A_387], %shift_right_arithmetic3A_384 {strides = array<i32>} : memref<4x128xi32, #tpu.memory_space<vmem>>, vector<16xi32>,
    %get3A_389 = arith.constant 2 : i32
    %get3A_390 = arith.index_cast %get3A_389 : i32 to index
    %get3A_391 = arith.constant 16 : index
    %get3A_392 = tpu.vector_load %arg11[%get3A_390, %get3A_391] {strides = array<i32>} : memref<4x128xi32, #tpu.memory_space<vmem>>, vector<16xi32>,
    %shift_right_arithmetic3A_393 = arith.constant 7 : i32
    %shift_right_arithmetic3A_394 = vector.broadcast %shift_right_arithmetic3A_393 : i32 to vector<16xi32>
    %shift_right_arithmetic3A_395 = arith.shrsi %get3A_392, %shift_right_arithmetic3A_394 : vector<16xi32>
    %swap3A_396 = arith.constant 2 : i32
    %swap3A_397 = arith.index_cast %swap3A_396 : i32 to index
    %swap3A_398 = arith.constant 16 : index
    %swap3A_399 = tpu.vector_load %arg13[%swap3A_397, %swap3A_398] {strides = array<i32>} : memref<4x128xi32, #tpu.memory_space<vmem>>, vector<16xi32>,
    tpu.vector_store %arg13[%swap3A_397, %swap3A_398], %shift_right_arithmetic3A_395 {strides = array<i32>} : memref<4x128xi32, #tpu.memory_space<vmem>>, vector<16xi32>,
    %get3A_400 = arith.constant 2 : i32
    %get3A_401 = arith.index_cast %get3A_400 : i32 to index
    %get3A_402 = arith.constant 32 : index
    %get3A_403 = tpu.vector_load %arg10[%get3A_401, %get3A_402] {strides = array<i32>} : memref<4x128xi32, #tpu.memory_space<vmem>>, vector<16xi32>,
    %shift_right_arithmetic3A_404 = arith.constant 7 : i32
    %shift_right_arithmetic3A_405 = vector.broadcast %shift_right_arithmetic3A_404 : i32 to vector<16xi32>
    %shift_right_arithmetic3A_406 = arith.shrsi %get3A_403, %shift_right_arithmetic3A_405 : vector<16xi32>
    %swap3A_407 = arith.constant 2 : i32
    %swap3A_408 = arith.index_cast %swap3A_407 : i32 to index
    %swap3A_409 = arith.constant 32 : index
    %swap3A_410 = tpu.vector_load %arg12[%swap3A_408, %swap3A_409] {strides = array<i32>} : memref<4x128xi32, #tpu.memory_space<vmem>>, vector<16xi32>,
    tpu.vector_store %arg12[%swap3A_408, %swap3A_409], %shift_right_arithmetic3A_406 {strides = array<i32>} : memref<4x128xi32, #tpu.memory_space<vmem>>, vector<16xi32>,
    %get3A_411 = arith.constant 2 : i32
    %get3A_412 = arith.index_cast %get3A_411 : i32 to index
    %get3A_413 = arith.constant 32 : index
    %get3A_414 = tpu.vector_load %arg11[%get3A_412, %get3A_413] {strides = array<i32>} : memref<4x128xi32, #tpu.memory_space<vmem>>, vector<16xi32>,
    %shift_right_arithmetic3A_415 = arith.constant 7 : i32
    %shift_right_arithmetic3A_416 = vector.broadcast %shift_right_arithmetic3A_415 : i32 to vector<16xi32>
    %shift_right_arithmetic3A_417 = arith.shrsi %get3A_414, %shift_right_arithmetic3A_416 : vector<16xi32>
    %swap3A_418 = arith.constant 2 : i32
    %swap3A_419 = arith.index_cast %swap3A_418 : i32 to index
    %swap3A_420 = arith.constant 32 : index
    %swap3A_421 = tpu.vector_load %arg13[%swap3A_419, %swap3A_420] {strides = array<i32>} : memref<4x128xi32, #tpu.memory_space<vmem>>, vector<16xi32>,
    tpu.vector_store %arg13[%swap3A_419, %swap3A_420], %shift_right_arithmetic3A_417 {strides = array<i32>} : memref<4x128xi32, #tpu.memory_space<vmem>>, vector<16xi32>,
    %get3A_422 = arith.constant 2 : i32
    %get3A_423 = arith.index_cast %get3A_422 : i32 to index
    %get3A_424 = arith.constant 48 : index
    %get3A_425 = tpu.vector_load %arg10[%get3A_423, %get3A_424] {strides = array<i32>} : memref<4x128xi32, #tpu.memory_space<vmem>>, vector<16xi32>,
    %shift_right_arithmetic3A_426 = arith.constant 7 : i32
    %shift_right_arithmetic3A_427 = vector.broadcast %shift_right_arithmetic3A_426 : i32 to vector<16xi32>
    %shift_right_arithmetic3A_428 = arith.shrsi %get3A_425, %shift_right_arithmetic3A_427 : vector<16xi32>
    %swap3A_429 = arith.constant 2 : i32
    %swap3A_430 = arith.index_cast %swap3A_429 : i32 to index
    %swap3A_431 = arith.constant 48 : index
    %swap3A_432 = tpu.vector_load %arg12[%swap3A_430, %swap3A_431] {strides = array<i32>} : memref<4x128xi32, #tpu.memory_space<vmem>>, vector<16xi32>,
    tpu.vector_store %arg12[%swap3A_430, %swap3A_431], %shift_right_arithmetic3A_428 {strides = array<i32>} : memref<4x128xi32, #tpu.memory_space<vmem>>, vector<16xi32>,
    %get3A_433 = arith.constant 2 : i32
    %get3A_434 = arith.index_cast %get3A_433 : i32 to index
    %get3A_435 = arith.constant 48 : index
    %get3A_436 = tpu.vector_load %arg11[%get3A_434, %get3A_435] {strides = array<i32>} : memref<4x128xi32, #tpu.memory_space<vmem>>, vector<16xi32>,
    %shift_right_arithmetic3A_437 = arith.constant 7 : i32
    %shift_right_arithmetic3A_438 = vector.broadcast %shift_right_arithmetic3A_437 : i32 to vector<16xi32>
    %shift_right_arithmetic3A_439 = arith.shrsi %get3A_436, %shift_right_arithmetic3A_438 : vector<16xi32>
    %swap3A_440 = arith.constant 2 : i32
    %swap3A_441 = arith.index_cast %swap3A_440 : i32 to index
    %swap3A_442 = arith.constant 48 : index
    %swap3A_443 = tpu.vector_load %arg13[%swap3A_441, %swap3A_442] {strides = array<i32>} : memref<4x128xi32, #tpu.memory_space<vmem>>, vector<16xi32>,
    tpu.vector_store %arg13[%swap3A_441, %swap3A_442], %shift_right_arithmetic3A_439 {strides = array<i32>} : memref<4x128xi32, #tpu.memory_space<vmem>>, vector<16xi32>,
    %get3A_444 = arith.constant 2 : i32
    %get3A_445 = arith.index_cast %get3A_444 : i32 to index
    %get3A_446 = arith.constant 64 : index
    %get3A_447 = tpu.vector_load %arg10[%get3A_445, %get3A_446] {strides = array<i32>} : memref<4x128xi32, #tpu.memory_space<vmem>>, vector<16xi32>,
    %shift_right_arithmetic3A_448 = arith.constant 7 : i32
    %shift_right_arithmetic3A_449 = vector.broadcast %shift_right_arithmetic3A_448 : i32 to vector<16xi32>
    %shift_right_arithmetic3A_450 = arith.shrsi %get3A_447, %shift_right_arithmetic3A_449 : vector<16xi32>
    %swap3A_451 = arith.constant 2 : i32
    %swap3A_452 = arith.index_cast %swap3A_451 : i32 to index
    %swap3A_453 = arith.constant 64 : index
    %swap3A_454 = tpu.vector_load %arg12[%swap3A_452, %swap3A_453] {strides = array<i32>} : memref<4x128xi32, #tpu.memory_space<vmem>>, vector<16xi32>,
    tpu.vector_store %arg12[%swap3A_452, %swap3A_453], %shift_right_arithmetic3A_450 {strides = array<i32>} : memref<4x128xi32, #tpu.memory_space<vmem>>, vector<16xi32>,
    %get3A_455 = arith.constant 2 : i32
    %get3A_456 = arith.index_cast %get3A_455 : i32 to index
    %get3A_457 = arith.constant 64 : index
    %get3A_458 = tpu.vector_load %arg11[%get3A_456, %get3A_457] {strides = array<i32>} : memref<4x128xi32, #tpu.memory_space<vmem>>, vector<16xi32>,
    %shift_right_arithmetic3A_459 = arith.constant 7 : i32
    %shift_right_arithmetic3A_460 = vector.broadcast %shift_right_arithmetic3A_459 : i32 to vector<16xi32>
    %shift_right_arithmetic3A_461 = arith.shrsi %get3A_458, %shift_right_arithmetic3A_460 : vector<16xi32>
    %swap3A_462 = arith.constant 2 : i32
    %swap3A_463 = arith.index_cast %swap3A_462 : i32 to index
    %swap3A_464 = arith.constant 64 : index
    %swap3A_465 = tpu.vector_load %arg13[%swap3A_463, %swap3A_464] {strides = array<i32>} : memref<4x128xi32, #tpu.memory_space<vmem>>, vector<16xi32>,
    tpu.vector_store %arg13[%swap3A_463, %swap3A_464], %shift_right_arithmetic3A_461 {strides = array<i32>} : memref<4x128xi32, #tpu.memory_space<vmem>>, vector<16xi32>,
    %get3A_466 = arith.constant 2 : i32
    %get3A_467 = arith.index_cast %get3A_466 : i32 to index
    %get3A_468 = arith.constant 80 : index
    %get3A_469 = tpu.vector_load %arg10[%get3A_467, %get3A_468] {strides = array<i32>} : memref<4x128xi32, #tpu.memory_space<vmem>>, vector<16xi32>,
    %shift_right_arithmetic3A_470 = arith.constant 7 : i32
    %shift_right_arithmetic3A_471 = vector.broadcast %shift_right_arithmetic3A_470 : i32 to vector<16xi32>
    %shift_right_arithmetic3A_472 = arith.shrsi %get3A_469, %shift_right_arithmetic3A_471 : vector<16xi32>
    %swap3A_473 = arith.constant 2 : i32
    %swap3A_474 = arith.index_cast %swap3A_473 : i32 to index
    %swap3A_475 = arith.constant 80 : index
    %swap3A_476 = tpu.vector_load %arg12[%swap3A_474, %swap3A_475] {strides = array<i32>} : memref<4x128xi32, #tpu.memory_space<vmem>>, vector<16xi32>,
    tpu.vector_store %arg12[%swap3A_474, %swap3A_475], %shift_right_arithmetic3A_472 {strides = array<i32>} : memref<4x128xi32, #tpu.memory_space<vmem>>, vector<16xi32>,
    %get3A_477 = arith.constant 2 : i32
    %get3A_478 = arith.index_cast %get3A_477 : i32 to index
    %get3A_479 = arith.constant 80 : index
    %get3A_480 = tpu.vector_load %arg11[%get3A_478, %get3A_479] {strides = array<i32>} : memref<4x128xi32, #tpu.memory_space<vmem>>, vector<16xi32>,
    %shift_right_arithmetic3A_481 = arith.constant 7 : i32
    %shift_right_arithmetic3A_482 = vector.broadcast %shift_right_arithmetic3A_481 : i32 to vector<16xi32>
    %shift_right_arithmetic3A_483 = arith.shrsi %get3A_480, %shift_right_arithmetic3A_482 : vector<16xi32>
    %swap3A_484 = arith.constant 2 : i32
    %swap3A_485 = arith.index_cast %swap3A_484 : i32 to index
    %swap3A_486 = arith.constant 80 : index
    %swap3A_487 = tpu.vector_load %arg13[%swap3A_485, %swap3A_486] {strides = array<i32>} : memref<4x128xi32, #tpu.memory_space<vmem>>, vector<16xi32>,
    tpu.vector_store %arg13[%swap3A_485, %swap3A_486], %shift_right_arithmetic3A_483 {strides = array<i32>} : memref<4x128xi32, #tpu.memory_space<vmem>>, vector<16xi32>,
    %get3A_488 = arith.constant 2 : i32
    %get3A_489 = arith.index_cast %get3A_488 : i32 to index
    %get3A_490 = arith.constant 96 : index
    %get3A_491 = tpu.vector_load %arg10[%get3A_489, %get3A_490] {strides = array<i32>} : memref<4x128xi32, #tpu.memory_space<vmem>>, vector<16xi32>,
    %shift_right_arithmetic3A_492 = arith.constant 7 : i32
    %shift_right_arithmetic3A_493 = vector.broadcast %shift_right_arithmetic3A_492 : i32 to vector<16xi32>
    %shift_right_arithmetic3A_494 = arith.shrsi %get3A_491, %shift_right_arithmetic3A_493 : vector<16xi32>
    %swap3A_495 = arith.constant 2 : i32
    %swap3A_496 = arith.index_cast %swap3A_495 : i32 to index
    %swap3A_497 = arith.constant 96 : index
    %swap3A_498 = tpu.vector_load %arg12[%swap3A_496, %swap3A_497] {strides = array<i32>} : memref<4x128xi32, #tpu.memory_space<vmem>>, vector<16xi32>,
    tpu.vector_store %arg12[%swap3A_496, %swap3A_497], %shift_right_arithmetic3A_494 {strides = array<i32>} : memref<4x128xi32, #tpu.memory_space<vmem>>, vector<16xi32>,
    %get3A_499 = arith.constant 2 : i32
    %get3A_500 = arith.index_cast %get3A_499 : i32 to index
    %get3A_501 = arith.constant 96 : index
    %get3A_502 = tpu.vector_load %arg11[%get3A_500, %get3A_501] {strides = array<i32>} : memref<4x128xi32, #tpu.memory_space<vmem>>, vector<16xi32>,
    %shift_right_arithmetic3A_503 = arith.constant 7 : i32
    %shift_right_arithmetic3A_504 = vector.broadcast %shift_right_arithmetic3A_503 : i32 to vector<16xi32>
    %shift_right_arithmetic3A_505 = arith.shrsi %get3A_502, %shift_right_arithmetic3A_504 : vector<16xi32>
    %swap3A_506 = arith.constant 2 : i32
    %swap3A_507 = arith.index_cast %swap3A_506 : i32 to index
    %swap3A_508 = arith.constant 96 : index
    %swap3A_509 = tpu.vector_load %arg13[%swap3A_507, %swap3A_508] {strides = array<i32>} : memref<4x128xi32, #tpu.memory_space<vmem>>, vector<16xi32>,
    tpu.vector_store %arg13[%swap3A_507, %swap3A_508], %shift_right_arithmetic3A_505 {strides = array<i32>} : memref<4x128xi32, #tpu.memory_space<vmem>>, vector<16xi32>,
    %get3A_510 = arith.constant 2 : i32
    %get3A_511 = arith.index_cast %get3A_510 : i32 to index
    %get3A_512 = arith.constant 112 : index
    %get3A_513 = tpu.vector_load %arg10[%get3A_511, %get3A_512] {strides = array<i32>} : memref<4x128xi32, #tpu.memory_space<vmem>>, vector<16xi32>,
    %shift_right_arithmetic3A_514 = arith.constant 7 : i32
    %shift_right_arithmetic3A_515 = vector.broadcast %shift_right_arithmetic3A_514 : i32 to vector<16xi32>
    %shift_right_arithmetic3A_516 = arith.shrsi %get3A_513, %shift_right_arithmetic3A_515 : vector<16xi32>
    %swap3A_517 = arith.constant 2 : i32
    %swap3A_518 = arith.index_cast %swap3A_517 : i32 to index
    %swap3A_519 = arith.constant 112 : index
    %swap3A_520 = tpu.vector_load %arg12[%swap3A_518, %swap3A_519] {strides = array<i32>} : memref<4x128xi32, #tpu.memory_space<vmem>>, vector<16xi32>,
    tpu.vector_store %arg12[%swap3A_518, %swap3A_519], %shift_right_arithmetic3A_516 {strides = array<i32>} : memref<4x128xi32, #tpu.memory_space<vmem>>, vector<16xi32>,
    %get3A_521 = arith.constant 2 : i32
    %get3A_522 = arith.index_cast %get3A_521 : i32 to index
    %get3A_523 = arith.constant 112 : index
    %get3A_524 = tpu.vector_load %arg11[%get3A_522, %get3A_523] {strides = array<i32>} : memref<4x128xi32, #tpu.memory_space<vmem>>, vector<16xi32>,
    %shift_right_arithmetic3A_525 = arith.constant 7 : i32
    %shift_right_arithmetic3A_526 = vector.broadcast %shift_right_arithmetic3A_525 : i32 to vector<16xi32>
    %shift_right_arithmetic3A_527 = arith.shrsi %get3A_524, %shift_right_arithmetic3A_526 : vector<16xi32>
    %swap3A_528 = arith.constant 2 : i32
    %swap3A_529 = arith.index_cast %swap3A_528 : i32 to index
    %swap3A_530 = arith.constant 112 : index
    %swap3A_531 = tpu.vector_load %arg13[%swap3A_529, %swap3A_530] {strides = array<i32>} : memref<4x128xi32, #tpu.memory_space<vmem>>, vector<16xi32>,
    tpu.vector_store %arg13[%swap3A_529, %swap3A_530], %shift_right_arithmetic3A_527 {strides = array<i32>} : memref<4x128xi32, #tpu.memory_space<vmem>>, vector<16xi32>,
    %get3A_532 = arith.constant 3 : i32
    %get3A_533 = arith.index_cast %get3A_532 : i32 to index
    %get3A_534 = arith.constant 0 : index
    %get3A_535 = tpu.vector_load %arg10[%get3A_533, %get3A_534] {strides = array<i32>} : memref<4x128xi32, #tpu.memory_space<vmem>>, vector<16xi32>,
    %shift_right_arithmetic3A_536 = arith.constant 7 : i32
    %shift_right_arithmetic3A_537 = vector.broadcast %shift_right_arithmetic3A_536 : i32 to vector<16xi32>
    %shift_right_arithmetic3A_538 = arith.shrsi %get3A_535, %shift_right_arithmetic3A_537 : vector<16xi32>
    %swap3A_539 = arith.constant 3 : i32
    %swap3A_540 = arith.index_cast %swap3A_539 : i32 to index
    %swap3A_541 = arith.constant 0 : index
    %swap3A_542 = tpu.vector_load %arg12[%swap3A_540, %swap3A_541] {strides = array<i32>} : memref<4x128xi32, #tpu.memory_space<vmem>>, vector<16xi32>,
    tpu.vector_store %arg12[%swap3A_540, %swap3A_541], %shift_right_arithmetic3A_538 {strides = array<i32>} : memref<4x128xi32, #tpu.memory_space<vmem>>, vector<16xi32>,
    %get3A_543 = arith.constant 3 : i32
    %get3A_544 = arith.index_cast %get3A_543 : i32 to index
    %get3A_545 = arith.constant 0 : index
    %get3A_546 = tpu.vector_load %arg11[%get3A_544, %get3A_545] {strides = array<i32>} : memref<4x128xi32, #tpu.memory_space<vmem>>, vector<16xi32>,
    %shift_right_arithmetic3A_547 = arith.constant 7 : i32
    %shift_right_arithmetic3A_548 = vector.broadcast %shift_right_arithmetic3A_547 : i32 to vector<16xi32>
    %shift_right_arithmetic3A_549 = arith.shrsi %get3A_546, %shift_right_arithmetic3A_548 : vector<16xi32>
    %swap3A_550 = arith.constant 3 : i32
    %swap3A_551 = arith.index_cast %swap3A_550 : i32 to index
    %swap3A_552 = arith.constant 0 : index
    %swap3A_553 = tpu.vector_load %arg13[%swap3A_551, %swap3A_552] {strides = array<i32>} : memref<4x128xi32, #tpu.memory_space<vmem>>, vector<16xi32>,
    tpu.vector_store %arg13[%swap3A_551, %swap3A_552], %shift_right_arithmetic3A_549 {strides = array<i32>} : memref<4x128xi32, #tpu.memory_space<vmem>>, vector<16xi32>,
    %get3A_554 = arith.constant 3 : i32
    %get3A_555 = arith.index_cast %get3A_554 : i32 to index
    %get3A_556 = arith.constant 16 : index
    %get3A_557 = tpu.vector_load %arg10[%get3A_555, %get3A_556] {strides = array<i32>} : memref<4x128xi32, #tpu.memory_space<vmem>>, vector<16xi32>,
    %shift_right_arithmetic3A_558 = arith.constant 7 : i32
    %shift_right_arithmetic3A_559 = vector.broadcast %shift_right_arithmetic3A_558 : i32 to vector<16xi32>
    %shift_right_arithmetic3A_560 = arith.shrsi %get3A_557, %shift_right_arithmetic3A_559 : vector<16xi32>
    %swap3A_561 = arith.constant 3 : i32
    %swap3A_562 = arith.index_cast %swap3A_561 : i32 to index
    %swap3A_563 = arith.constant 16 : index
    %swap3A_564 = tpu.vector_load %arg12[%swap3A_562, %swap3A_563] {strides = array<i32>} : memref<4x128xi32, #tpu.memory_space<vmem>>, vector<16xi32>,
    tpu.vector_store %arg12[%swap3A_562, %swap3A_563], %shift_right_arithmetic3A_560 {strides = array<i32>} : memref<4x128xi32, #tpu.memory_space<vmem>>, vector<16xi32>,
    %get3A_565 = arith.constant 3 : i32
    %get3A_566 = arith.index_cast %get3A_565 : i32 to index
    %get3A_567 = arith.constant 16 : index
    %get3A_568 = tpu.vector_load %arg11[%get3A_566, %get3A_567] {strides = array<i32>} : memref<4x128xi32, #tpu.memory_space<vmem>>, vector<16xi32>,
    %shift_right_arithmetic3A_569 = arith.constant 7 : i32
    %shift_right_arithmetic3A_570 = vector.broadcast %shift_right_arithmetic3A_569 : i32 to vector<16xi32>
    %shift_right_arithmetic3A_571 = arith.shrsi %get3A_568, %shift_right_arithmetic3A_570 : vector<16xi32>
    %swap3A_572 = arith.constant 3 : i32
    %swap3A_573 = arith.index_cast %swap3A_572 : i32 to index
    %swap3A_574 = arith.constant 16 : index
    %swap3A_575 = tpu.vector_load %arg13[%swap3A_573, %swap3A_574] {strides = array<i32>} : memref<4x128xi32, #tpu.memory_space<vmem>>, vector<16xi32>,
    tpu.vector_store %arg13[%swap3A_573, %swap3A_574], %shift_right_arithmetic3A_571 {strides = array<i32>} : memref<4x128xi32, #tpu.memory_space<vmem>>, vector<16xi32>,
    %get3A_576 = arith.constant 3 : i32
    %get3A_577 = arith.index_cast %get3A_576 : i32 to index
    %get3A_578 = arith.constant 32 : index
    %get3A_579 = tpu.vector_load %arg10[%get3A_577, %get3A_578] {strides = array<i32>} : memref<4x128xi32, #tpu.memory_space<vmem>>, vector<16xi32>,
    %shift_right_arithmetic3A_580 = arith.constant 7 : i32
    %shift_right_arithmetic3A_581 = vector.broadcast %shift_right_arithmetic3A_580 : i32 to vector<16xi32>
    %shift_right_arithmetic3A_582 = arith.shrsi %get3A_579, %shift_right_arithmetic3A_581 : vector<16xi32>
    %swap3A_583 = arith.constant 3 : i32
    %swap3A_584 = arith.index_cast %swap3A_583 : i32 to index
    %swap3A_585 = arith.constant 32 : index
    %swap3A_586 = tpu.vector_load %arg12[%swap3A_584, %swap3A_585] {strides = array<i32>} : memref<4x128xi32, #tpu.memory_space<vmem>>, vector<16xi32>,
    tpu.vector_store %arg12[%swap3A_584, %swap3A_585], %shift_right_arithmetic3A_582 {strides = array<i32>} : memref<4x128xi32, #tpu.memory_space<vmem>>, vector<16xi32>,
    %get3A_587 = arith.constant 3 : i32
    %get3A_588 = arith.index_cast %get3A_587 : i32 to index
    %get3A_589 = arith.constant 32 : index
    %get3A_590 = tpu.vector_load %arg11[%get3A_588, %get3A_589] {strides = array<i32>} : memref<4x128xi32, #tpu.memory_space<vmem>>, vector<16xi32>,
    %shift_right_arithmetic3A_591 = arith.constant 7 : i32
    %shift_right_arithmetic3A_592 = vector.broadcast %shift_right_arithmetic3A_591 : i32 to vector<16xi32>
    %shift_right_arithmetic3A_593 = arith.shrsi %get3A_590, %shift_right_arithmetic3A_592 : vector<16xi32>
    %swap3A_594 = arith.constant 3 : i32
    %swap3A_595 = arith.index_cast %swap3A_594 : i32 to index
    %swap3A_596 = arith.constant 32 : index
    %swap3A_597 = tpu.vector_load %arg13[%swap3A_595, %swap3A_596] {strides = array<i32>} : memref<4x128xi32, #tpu.memory_space<vmem>>, vector<16xi32>,
    tpu.vector_store %arg13[%swap3A_595, %swap3A_596], %shift_right_arithmetic3A_593 {strides = array<i32>} : memref<4x128xi32, #tpu.memory_space<vmem>>, vector<16xi32>,
    %get3A_598 = arith.constant 3 : i32
    %get3A_599 = arith.index_cast %get3A_598 : i32 to index
    %get3A_600 = arith.constant 48 : index
    %get3A_601 = tpu.vector_load %arg10[%get3A_599, %get3A_600] {strides = array<i32>} : memref<4x128xi32, #tpu.memory_space<vmem>>, vector<16xi32>,
    %shift_right_arithmetic3A_602 = arith.constant 7 : i32
    %shift_right_arithmetic3A_603 = vector.broadcast %shift_right_arithmetic3A_602 : i32 to vector<16xi32>
    %shift_right_arithmetic3A_604 = arith.shrsi %get3A_601, %shift_right_arithmetic3A_603 : vector<16xi32>
    %swap3A_605 = arith.constant 3 : i32
    %swap3A_606 = arith.index_cast %swap3A_605 : i32 to index
    %swap3A_607 = arith.constant 48 : index
    %swap3A_608 = tpu.vector_load %arg12[%swap3A_606, %swap3A_607] {strides = array<i32>} : memref<4x128xi32, #tpu.memory_space<vmem>>, vector<16xi32>,
    tpu.vector_store %arg12[%swap3A_606, %swap3A_607], %shift_right_arithmetic3A_604 {strides = array<i32>} : memref<4x128xi32, #tpu.memory_space<vmem>>, vector<16xi32>,
    %get3A_609 = arith.constant 3 : i32
    %get3A_610 = arith.index_cast %get3A_609 : i32 to index
    %get3A_611 = arith.constant 48 : index
    %get3A_612 = tpu.vector_load %arg11[%get3A_610, %get3A_611] {strides = array<i32>} : memref<4x128xi32, #tpu.memory_space<vmem>>, vector<16xi32>,
    %shift_right_arithmetic3A_613 = arith.constant 7 : i32
    %shift_right_arithmetic3A_614 = vector.broadcast %shift_right_arithmetic3A_613 : i32 to vector<16xi32>
    %shift_right_arithmetic3A_615 = arith.shrsi %get3A_612, %shift_right_arithmetic3A_614 : vector<16xi32>
    %swap3A_616 = arith.constant 3 : i32
    %swap3A_617 = arith.index_cast %swap3A_616 : i32 to index
    %swap3A_618 = arith.constant 48 : index
    %swap3A_619 = tpu.vector_load %arg13[%swap3A_617, %swap3A_618] {strides = array<i32>} : memref<4x128xi32, #tpu.memory_space<vmem>>, vector<16xi32>,
    tpu.vector_store %arg13[%swap3A_617, %swap3A_618], %shift_right_arithmetic3A_615 {strides = array<i32>} : memref<4x128xi32, #tpu.memory_space<vmem>>, vector<16xi32>,
    %get3A_620 = arith.constant 3 : i32
    %get3A_621 = arith.index_cast %get3A_620 : i32 to index
    %get3A_622 = arith.constant 64 : index
    %get3A_623 = tpu.vector_load %arg10[%get3A_621, %get3A_622] {strides = array<i32>} : memref<4x128xi32, #tpu.memory_space<vmem>>, vector<16xi32>,
    %shift_right_arithmetic3A_624 = arith.constant 7 : i32
    %shift_right_arithmetic3A_625 = vector.broadcast %shift_right_arithmetic3A_624 : i32 to vector<16xi32>
    %shift_right_arithmetic3A_626 = arith.shrsi %get3A_623, %shift_right_arithmetic3A_625 : vector<16xi32>
    %swap3A_627 = arith.constant 3 : i32
    %swap3A_628 = arith.index_cast %swap3A_627 : i32 to index
    %swap3A_629 = arith.constant 64 : index
    %swap3A_630 = tpu.vector_load %arg12[%swap3A_628, %swap3A_629] {strides = array<i32>} : memref<4x128xi32, #tpu.memory_space<vmem>>, vector<16xi32>,
    tpu.vector_store %arg12[%swap3A_628, %swap3A_629], %shift_right_arithmetic3A_626 {strides = array<i32>} : memref<4x128xi32, #tpu.memory_space<vmem>>, vector<16xi32>,
    %get3A_631 = arith.constant 3 : i32
    %get3A_632 = arith.index_cast %get3A_631 : i32 to index
    %get3A_633 = arith.constant 64 : index
    %get3A_634 = tpu.vector_load %arg11[%get3A_632, %get3A_633] {strides = array<i32>} : memref<4x128xi32, #tpu.memory_space<vmem>>, vector<16xi32>,
    %shift_right_arithmetic3A_635 = arith.constant 7 : i32
    %shift_right_arithmetic3A_636 = vector.broadcast %shift_right_arithmetic3A_635 : i32 to vector<16xi32>
    %shift_right_arithmetic3A_637 = arith.shrsi %get3A_634, %shift_right_arithmetic3A_636 : vector<16xi32>
    %swap3A_638 = arith.constant 3 : i32
    %swap3A_639 = arith.index_cast %swap3A_638 : i32 to index
    %swap3A_640 = arith.constant 64 : index
    %swap3A_641 = tpu.vector_load %arg13[%swap3A_639, %swap3A_640] {strides = array<i32>} : memref<4x128xi32, #tpu.memory_space<vmem>>, vector<16xi32>,
    tpu.vector_store %arg13[%swap3A_639, %swap3A_640], %shift_right_arithmetic3A_637 {strides = array<i32>} : memref<4x128xi32, #tpu.memory_space<vmem>>, vector<16xi32>,
    %get3A_642 = arith.constant 3 : i32
    %get3A_643 = arith.index_cast %get3A_642 : i32 to index
    %get3A_644 = arith.constant 80 : index
    %get3A_645 = tpu.vector_load %arg10[%get3A_643, %get3A_644] {strides = array<i32>} : memref<4x128xi32, #tpu.memory_space<vmem>>, vector<16xi32>,
    %shift_right_arithmetic3A_646 = arith.constant 7 : i32
    %shift_right_arithmetic3A_647 = vector.broadcast %shift_right_arithmetic3A_646 : i32 to vector<16xi32>
    %shift_right_arithmetic3A_648 = arith.shrsi %get3A_645, %shift_right_arithmetic3A_647 : vector<16xi32>
    %swap3A_649 = arith.constant 3 : i32
    %swap3A_650 = arith.index_cast %swap3A_649 : i32 to index
    %swap3A_651 = arith.constant 80 : index
    %swap3A_652 = tpu.vector_load %arg12[%swap3A_650, %swap3A_651] {strides = array<i32>} : memref<4x128xi32, #tpu.memory_space<vmem>>, vector<16xi32>,
    tpu.vector_store %arg12[%swap3A_650, %swap3A_651], %shift_right_arithmetic3A_648 {strides = array<i32>} : memref<4x128xi32, #tpu.memory_space<vmem>>, vector<16xi32>,
    %get3A_653 = arith.constant 3 : i32
    %get3A_654 = arith.index_cast %get3A_653 : i32 to index
    %get3A_655 = arith.constant 80 : index
    %get3A_656 = tpu.vector_load %arg11[%get3A_654, %get3A_655] {strides = array<i32>} : memref<4x128xi32, #tpu.memory_space<vmem>>, vector<16xi32>,
    %shift_right_arithmetic3A_657 = arith.constant 7 : i32
    %shift_right_arithmetic3A_658 = vector.broadcast %shift_right_arithmetic3A_657 : i32 to vector<16xi32>
    %shift_right_arithmetic3A_659 = arith.shrsi %get3A_656, %shift_right_arithmetic3A_658 : vector<16xi32>
    %swap3A_660 = arith.constant 3 : i32
    %swap3A_661 = arith.index_cast %swap3A_660 : i32 to index
    %swap3A_662 = arith.constant 80 : index
    %swap3A_663 = tpu.vector_load %arg13[%swap3A_661, %swap3A_662] {strides = array<i32>} : memref<4x128xi32, #tpu.memory_space<vmem>>, vector<16xi32>,
    tpu.vector_store %arg13[%swap3A_661, %swap3A_662], %shift_right_arithmetic3A_659 {strides = array<i32>} : memref<4x128xi32, #tpu.memory_space<vmem>>, vector<16xi32>,
    %get3A_664 = arith.constant 3 : i32
    %get3A_665 = arith.index_cast %get3A_664 : i32 to index
    %get3A_666 = arith.constant 96 : index
    %get3A_667 = tpu.vector_load %arg10[%get3A_665, %get3A_666] {strides = array<i32>} : memref<4x128xi32, #tpu.memory_space<vmem>>, vector<16xi32>,
    %shift_right_arithmetic3A_668 = arith.constant 7 : i32
    %shift_right_arithmetic3A_669 = vector.broadcast %shift_right_arithmetic3A_668 : i32 to vector<16xi32>
    %shift_right_arithmetic3A_670 = arith.shrsi %get3A_667, %shift_right_arithmetic3A_669 : vector<16xi32>
    %swap3A_671 = arith.constant 3 : i32
    %swap3A_672 = arith.index_cast %swap3A_671 : i32 to index
    %swap3A_673 = arith.constant 96 : index
    %swap3A_674 = tpu.vector_load %arg12[%swap3A_672, %swap3A_673] {strides = array<i32>} : memref<4x128xi32, #tpu.memory_space<vmem>>, vector<16xi32>,
    tpu.vector_store %arg12[%swap3A_672, %swap3A_673], %shift_right_arithmetic3A_670 {strides = array<i32>} : memref<4x128xi32, #tpu.memory_space<vmem>>, vector<16xi32>,
    %get3A_675 = arith.constant 3 : i32
    %get3A_676 = arith.index_cast %get3A_675 : i32 to index
    %get3A_677 = arith.constant 96 : index
    %get3A_678 = tpu.vector_load %arg11[%get3A_676, %get3A_677] {strides = array<i32>} : memref<4x128xi32, #tpu.memory_space<vmem>>, vector<16xi32>,
    %shift_right_arithmetic3A_679 = arith.constant 7 : i32
    %shift_right_arithmetic3A_680 = vector.broadcast %shift_right_arithmetic3A_679 : i32 to vector<16xi32>
    %shift_right_arithmetic3A_681 = arith.shrsi %get3A_678, %shift_right_arithmetic3A_680 : vector<16xi32>
    %swap3A_682 = arith.constant 3 : i32
    %swap3A_683 = arith.index_cast %swap3A_682 : i32 to index
    %swap3A_684 = arith.constant 96 : index
    %swap3A_685 = tpu.vector_load %arg13[%swap3A_683, %swap3A_684] {strides = array<i32>} : memref<4x128xi32, #tpu.memory_space<vmem>>, vector<16xi32>,
    tpu.vector_store %arg13[%swap3A_683, %swap3A_684], %shift_right_arithmetic3A_681 {strides = array<i32>} : memref<4x128xi32, #tpu.memory_space<vmem>>, vector<16xi32>,
    %get3A_686 = arith.constant 3 : i32
    %get3A_687 = arith.index_cast %get3A_686 : i32 to index
    %get3A_688 = arith.constant 112 : index
    %get3A_689 = tpu.vector_load %arg10[%get3A_687, %get3A_688] {strides = array<i32>} : memref<4x128xi32, #tpu.memory_space<vmem>>, vector<16xi32>,
    %shift_right_arithmetic3A_690 = arith.constant 7 : i32
    %shift_right_arithmetic3A_691 = vector.broadcast %shift_right_arithmetic3A_690 : i32 to vector<16xi32>
    %shift_right_arithmetic3A_692 = arith.shrsi %get3A_689, %shift_right_arithmetic3A_691 : vector<16xi32>
    %swap3A_693 = arith.constant 3 : i32
    %swap3A_694 = arith.index_cast %swap3A_693 : i32 to index
    %swap3A_695 = arith.constant 112 : index
    %swap3A_696 = tpu.vector_load %arg12[%swap3A_694, %swap3A_695] {strides = array<i32>} : memref<4x128xi32, #tpu.memory_space<vmem>>, vector<16xi32>,
    tpu.vector_store %arg12[%swap3A_694, %swap3A_695], %shift_right_arithmetic3A_692 {strides = array<i32>} : memref<4x128xi32, #tpu.memory_space<vmem>>, vector<16xi32>,
    %get3A_697 = arith.constant 3 : i32
    %get3A_698 = arith.index_cast %get3A_697 : i32 to index
    %get3A_699 = arith.constant 112 : index
    %get3A_700 = tpu.vector_load %arg11[%get3A_698, %get3A_699] {strides = array<i32>} : memref<4x128xi32, #tpu.memory_space<vmem>>, vector<16xi32>,
    %shift_right_arithmetic3A_701 = arith.constant 7 : i32
    %shift_right_arithmetic3A_702 = vector.broadcast %shift_right_arithmetic3A_701 : i32 to vector<16xi32>
    %shift_right_arithmetic3A_703 = arith.shrsi %get3A_700, %shift_right_arithmetic3A_702 : vector<16xi32>
    %swap3A_704 = arith.constant 3 : i32
    %swap3A_705 = arith.index_cast %swap3A_704 : i32 to index
    %swap3A_706 = arith.constant 112 : index
    %swap3A_707 = tpu.vector_load %arg13[%swap3A_705, %swap3A_706] {strides = array<i32>} : memref<4x128xi32, #tpu.memory_space<vmem>>, vector<16xi32>,
    tpu.vector_store %arg13[%swap3A_705, %swap3A_706], %shift_right_arithmetic3A_703 {strides = array<i32>} : memref<4x128xi32, #tpu.memory_space<vmem>>, vector<16xi32>,
    %dma_start3A = arith.constant 0 : i32
    %dma_start3A_708 = arith.constant 0 : i32
    %dma_start3A_709 = arith.constant 0 : i32
    %dma_start3A_710 = tpu.memref_slice %arg14[%dma_start3A_708, %dma_start3A_709] : memref<512x64xf32, #tpu.memory_space<vmem>> -> memref<128x64xf32, #tpu.memory_space<vmem>>
    %dma_start3A_711 = arith.constant 0 : i32
    %dma_start3A_712 = tpu.memref_slice %arg10[%dma_start3A, %dma_start3A_711] : memref<4x128xi32, #tpu.memory_space<vmem>> -> memref<1x128xi32, #tpu.memory_space<vmem>>
    %dma_start3A_713 = tpu.memref_squeeze %dma_start3A_712 : memref<1x128xi32, #tpu.memory_space<vmem>> -> memref<128xi32, #tpu.memory_space<vmem>>
    %dma_start3A_714 = arith.constant 0 : i32
    %dma_start3A_715 = arith.constant 0 : i32
    %dma_start3A_716 = tpu.memref_slice %arg4[%dma_start3A_714, %dma_start3A_715] : memref<1000001x64xf32, #tpu.memory_space<hbm>> -> memref<1000001x64xf32, #tpu.memory_space<hbm>>
    tpu.enqueue_indirect_dma source(%dma_start3A_716 : memref<1000001x64xf32, #tpu.memory_space<hbm>>) target(%dma_start3A_710 : memref<128x64xf32, #tpu.memory_space<vmem>>) offsets(%dma_start3A_713 : memref<128xi32, #tpu.memory_space<vmem>>) semaphore(%arg18 : memref<!tpu.dma_semaphore, #tpu.memory_space<semaphore_mem>>)
    %dma_start3A_717 = arith.constant 0 : i32
    %dma_start3A_718 = arith.constant 0 : i32
    %dma_start3A_719 = arith.constant 0 : i32
    %dma_start3A_720 = tpu.memref_slice %arg15[%dma_start3A_718, %dma_start3A_719] : memref<512x64xf32, #tpu.memory_space<vmem>> -> memref<128x64xf32, #tpu.memory_space<vmem>>
    %dma_start3A_721 = arith.constant 0 : i32
    %dma_start3A_722 = tpu.memref_slice %arg11[%dma_start3A_717, %dma_start3A_721] : memref<4x128xi32, #tpu.memory_space<vmem>> -> memref<1x128xi32, #tpu.memory_space<vmem>>
    %dma_start3A_723 = tpu.memref_squeeze %dma_start3A_722 : memref<1x128xi32, #tpu.memory_space<vmem>> -> memref<128xi32, #tpu.memory_space<vmem>>
    %dma_start3A_724 = arith.constant 0 : i32
    %dma_start3A_725 = arith.constant 0 : i32
    %dma_start3A_726 = tpu.memref_slice %arg5[%dma_start3A_724, %dma_start3A_725] : memref<1000001x64xf32, #tpu.memory_space<hbm>> -> memref<1000001x64xf32, #tpu.memory_space<hbm>>
    tpu.enqueue_indirect_dma source(%dma_start3A_726 : memref<1000001x64xf32, #tpu.memory_space<hbm>>) target(%dma_start3A_720 : memref<128x64xf32, #tpu.memory_space<vmem>>) offsets(%dma_start3A_723 : memref<128xi32, #tpu.memory_space<vmem>>) semaphore(%arg18 : memref<!tpu.dma_semaphore, #tpu.memory_space<semaphore_mem>>)
    %dma_start3A_727 = arith.constant 1 : i32
    %dma_start3A_728 = arith.constant 128 : i32
    %dma_start3A_729 = arith.constant 0 : i32
    %dma_start3A_730 = tpu.memref_slice %arg14[%dma_start3A_728, %dma_start3A_729] : memref<512x64xf32, #tpu.memory_space<vmem>> -> memref<128x64xf32, #tpu.memory_space<vmem>>
    %dma_start3A_731 = arith.constant 0 : i32
    %dma_start3A_732 = tpu.memref_slice %arg10[%dma_start3A_727, %dma_start3A_731] : memref<4x128xi32, #tpu.memory_space<vmem>> -> memref<1x128xi32, #tpu.memory_space<vmem>>
    %dma_start3A_733 = tpu.memref_squeeze %dma_start3A_732 : memref<1x128xi32, #tpu.memory_space<vmem>> -> memref<128xi32, #tpu.memory_space<vmem>>
    %dma_start3A_734 = arith.constant 0 : i32
    %dma_start3A_735 = arith.constant 0 : i32
    %dma_start3A_736 = tpu.memref_slice %arg4[%dma_start3A_734, %dma_start3A_735] : memref<1000001x64xf32, #tpu.memory_space<hbm>> -> memref<1000001x64xf32, #tpu.memory_space<hbm>>
    tpu.enqueue_indirect_dma source(%dma_start3A_736 : memref<1000001x64xf32, #tpu.memory_space<hbm>>) target(%dma_start3A_730 : memref<128x64xf32, #tpu.memory_space<vmem>>) offsets(%dma_start3A_733 : memref<128xi32, #tpu.memory_space<vmem>>) semaphore(%arg18 : memref<!tpu.dma_semaphore, #tpu.memory_space<semaphore_mem>>)
    %dma_start3A_737 = arith.constant 1 : i32
    %dma_start3A_738 = arith.constant 128 : i32
    %dma_start3A_739 = arith.constant 0 : i32
    %dma_start3A_740 = tpu.memref_slice %arg15[%dma_start3A_738, %dma_start3A_739] : memref<512x64xf32, #tpu.memory_space<vmem>> -> memref<128x64xf32, #tpu.memory_space<vmem>>
    %dma_start3A_741 = arith.constant 0 : i32
    %dma_start3A_742 = tpu.memref_slice %arg11[%dma_start3A_737, %dma_start3A_741] : memref<4x128xi32, #tpu.memory_space<vmem>> -> memref<1x128xi32, #tpu.memory_space<vmem>>
    %dma_start3A_743 = tpu.memref_squeeze %dma_start3A_742 : memref<1x128xi32, #tpu.memory_space<vmem>> -> memref<128xi32, #tpu.memory_space<vmem>>
    %dma_start3A_744 = arith.constant 0 : i32
    %dma_start3A_745 = arith.constant 0 : i32
    %dma_start3A_746 = tpu.memref_slice %arg5[%dma_start3A_744, %dma_start3A_745] : memref<1000001x64xf32, #tpu.memory_space<hbm>> -> memref<1000001x64xf32, #tpu.memory_space<hbm>>
    tpu.enqueue_indirect_dma source(%dma_start3A_746 : memref<1000001x64xf32, #tpu.memory_space<hbm>>) target(%dma_start3A_740 : memref<128x64xf32, #tpu.memory_space<vmem>>) offsets(%dma_start3A_743 : memref<128xi32, #tpu.memory_space<vmem>>) semaphore(%arg18 : memref<!tpu.dma_semaphore, #tpu.memory_space<semaphore_mem>>)
    %dma_start3A_747 = arith.constant 2 : i32
    %dma_start3A_748 = arith.constant 256 : i32
    %dma_start3A_749 = arith.constant 0 : i32
    %dma_start3A_750 = tpu.memref_slice %arg14[%dma_start3A_748, %dma_start3A_749] : memref<512x64xf32, #tpu.memory_space<vmem>> -> memref<128x64xf32, #tpu.memory_space<vmem>>
    %dma_start3A_751 = arith.constant 0 : i32
    %dma_start3A_752 = tpu.memref_slice %arg10[%dma_start3A_747, %dma_start3A_751] : memref<4x128xi32, #tpu.memory_space<vmem>> -> memref<1x128xi32, #tpu.memory_space<vmem>>
    %dma_start3A_753 = tpu.memref_squeeze %dma_start3A_752 : memref<1x128xi32, #tpu.memory_space<vmem>> -> memref<128xi32, #tpu.memory_space<vmem>>
    %dma_start3A_754 = arith.constant 0 : i32
    %dma_start3A_755 = arith.constant 0 : i32
    %dma_start3A_756 = tpu.memref_slice %arg4[%dma_start3A_754, %dma_start3A_755] : memref<1000001x64xf32, #tpu.memory_space<hbm>> -> memref<1000001x64xf32, #tpu.memory_space<hbm>>
    tpu.enqueue_indirect_dma source(%dma_start3A_756 : memref<1000001x64xf32, #tpu.memory_space<hbm>>) target(%dma_start3A_750 : memref<128x64xf32, #tpu.memory_space<vmem>>) offsets(%dma_start3A_753 : memref<128xi32, #tpu.memory_space<vmem>>) semaphore(%arg18 : memref<!tpu.dma_semaphore, #tpu.memory_space<semaphore_mem>>)
    %dma_start3A_757 = arith.constant 2 : i32
    %dma_start3A_758 = arith.constant 256 : i32
    %dma_start3A_759 = arith.constant 0 : i32
    %dma_start3A_760 = tpu.memref_slice %arg15[%dma_start3A_758, %dma_start3A_759] : memref<512x64xf32, #tpu.memory_space<vmem>> -> memref<128x64xf32, #tpu.memory_space<vmem>>
    %dma_start3A_761 = arith.constant 0 : i32
    %dma_start3A_762 = tpu.memref_slice %arg11[%dma_start3A_757, %dma_start3A_761] : memref<4x128xi32, #tpu.memory_space<vmem>> -> memref<1x128xi32, #tpu.memory_space<vmem>>
    %dma_start3A_763 = tpu.memref_squeeze %dma_start3A_762 : memref<1x128xi32, #tpu.memory_space<vmem>> -> memref<128xi32, #tpu.memory_space<vmem>>
    %dma_start3A_764 = arith.constant 0 : i32
    %dma_start3A_765 = arith.constant 0 : i32
    %dma_start3A_766 = tpu.memref_slice %arg5[%dma_start3A_764, %dma_start3A_765] : memref<1000001x64xf32, #tpu.memory_space<hbm>> -> memref<1000001x64xf32, #tpu.memory_space<hbm>>
    tpu.enqueue_indirect_dma source(%dma_start3A_766 : memref<1000001x64xf32, #tpu.memory_space<hbm>>) target(%dma_start3A_760 : memref<128x64xf32, #tpu.memory_space<vmem>>) offsets(%dma_start3A_763 : memref<128xi32, #tpu.memory_space<vmem>>) semaphore(%arg18 : memref<!tpu.dma_semaphore, #tpu.memory_space<semaphore_mem>>)
    %dma_start3A_767 = arith.constant 3 : i32
    %dma_start3A_768 = arith.constant 384 : i32
    %dma_start3A_769 = arith.constant 0 : i32
    %dma_start3A_770 = tpu.memref_slice %arg14[%dma_start3A_768, %dma_start3A_769] : memref<512x64xf32, #tpu.memory_space<vmem>> -> memref<128x64xf32, #tpu.memory_space<vmem>>
    %dma_start3A_771 = arith.constant 0 : i32
    %dma_start3A_772 = tpu.memref_slice %arg10[%dma_start3A_767, %dma_start3A_771] : memref<4x128xi32, #tpu.memory_space<vmem>> -> memref<1x128xi32, #tpu.memory_space<vmem>>
    %dma_start3A_773 = tpu.memref_squeeze %dma_start3A_772 : memref<1x128xi32, #tpu.memory_space<vmem>> -> memref<128xi32, #tpu.memory_space<vmem>>
    %dma_start3A_774 = arith.constant 0 : i32
    %dma_start3A_775 = arith.constant 0 : i32
    %dma_start3A_776 = tpu.memref_slice %arg4[%dma_start3A_774, %dma_start3A_775] : memref<1000001x64xf32, #tpu.memory_space<hbm>> -> memref<1000001x64xf32, #tpu.memory_space<hbm>>
    tpu.enqueue_indirect_dma source(%dma_start3A_776 : memref<1000001x64xf32, #tpu.memory_space<hbm>>) target(%dma_start3A_770 : memref<128x64xf32, #tpu.memory_space<vmem>>) offsets(%dma_start3A_773 : memref<128xi32, #tpu.memory_space<vmem>>) semaphore(%arg18 : memref<!tpu.dma_semaphore, #tpu.memory_space<semaphore_mem>>)
    %dma_start3A_777 = arith.constant 3 : i32
    %dma_start3A_778 = arith.constant 384 : i32
    %dma_start3A_779 = arith.constant 0 : i32
    %dma_start3A_780 = tpu.memref_slice %arg15[%dma_start3A_778, %dma_start3A_779] : memref<512x64xf32, #tpu.memory_space<vmem>> -> memref<128x64xf32, #tpu.memory_space<vmem>>
    %dma_start3A_781 = arith.constant 0 : i32
    %dma_start3A_782 = tpu.memref_slice %arg11[%dma_start3A_777, %dma_start3A_781] : memref<4x128xi32, #tpu.memory_space<vmem>> -> memref<1x128xi32, #tpu.memory_space<vmem>>
    %dma_start3A_783 = tpu.memref_squeeze %dma_start3A_782 : memref<1x128xi32, #tpu.memory_space<vmem>> -> memref<128xi32, #tpu.memory_space<vmem>>
    %dma_start3A_784 = arith.constant 0 : i32
    %dma_start3A_785 = arith.constant 0 : i32
    %dma_start3A_786 = tpu.memref_slice %arg5[%dma_start3A_784, %dma_start3A_785] : memref<1000001x64xf32, #tpu.memory_space<hbm>> -> memref<1000001x64xf32, #tpu.memory_space<hbm>>
    tpu.enqueue_indirect_dma source(%dma_start3A_786 : memref<1000001x64xf32, #tpu.memory_space<hbm>>) target(%dma_start3A_780 : memref<128x64xf32, #tpu.memory_space<vmem>>) offsets(%dma_start3A_783 : memref<128xi32, #tpu.memory_space<vmem>>) semaphore(%arg18 : memref<!tpu.dma_semaphore, #tpu.memory_space<semaphore_mem>>)
    %dma_start3A_787 = arith.constant 0 : i32
    %dma_start3A_788 = arith.constant 0 : i32
    %dma_start3A_789 = tpu.memref_slice %arg12[%dma_start3A_787, %dma_start3A_788] : memref<4x128xi32, #tpu.memory_space<vmem>> -> memref<1x128xi32, #tpu.memory_space<vmem>>
    %dma_start3A_790 = tpu.memref_squeeze %dma_start3A_789 : memref<1x128xi32, #tpu.memory_space<vmem>> -> memref<128xi32, #tpu.memory_space<vmem>>
    %dma_start3A_791 = arith.constant 0 : i32
    %dma_start3A_792 = arith.constant 0 : i32
    %dma_start3A_793 = tpu.memref_slice %arg6[%dma_start3A_791, %dma_start3A_792] : memref<7813x128xf32, #tpu.memory_space<hbm>> -> memref<7813x128xf32, #tpu.memory_space<hbm>>
    tpu.enqueue_indirect_dma source(%dma_start3A_793 : memref<7813x128xf32, #tpu.memory_space<hbm>>) target(%arg16 : memref<128x128xf32, #tpu.memory_space<vmem>>) offsets(%dma_start3A_790 : memref<128xi32, #tpu.memory_space<vmem>>) semaphore(%arg19 : memref<!tpu.dma_semaphore, #tpu.memory_space<semaphore_mem>>)
    %dma_wait3A = arith.constant 0 : i32
    %dma_wait3A_794 = arith.constant 0 : i32
    %dma_wait3A_795 = tpu.memref_slice %arg12[%dma_wait3A, %dma_wait3A_794] : memref<4x128xi32, #tpu.memory_space<vmem>> -> memref<1x128xi32, #tpu.memory_space<vmem>>
    %dma_wait3A_796 = tpu.memref_squeeze %dma_wait3A_795 : memref<1x128xi32, #tpu.memory_space<vmem>> -> memref<128xi32, #tpu.memory_space<vmem>>
    %dma_wait3A_797 = arith.constant 0 : i32
    %dma_wait3A_798 = arith.constant 0 : i32
    %dma_wait3A_799 = tpu.memref_slice %arg6[%dma_wait3A_797, %dma_wait3A_798] : memref<7813x128xf32, #tpu.memory_space<hbm>> -> memref<7813x128xf32, #tpu.memory_space<hbm>>
    tpu.wait_indirect_dma semaphore(%arg19 : memref<!tpu.dma_semaphore, #tpu.memory_space<semaphore_mem>>) src(%dma_wait3A_799 : memref<7813x128xf32, #tpu.memory_space<hbm>>) dst(%arg16 : memref<128x128xf32, #tpu.memory_space<vmem>>)
    %iota3A = tpu.iota {dimensions = array<i32: 0>} : vector<16xi32>
    %add3A_800 = arith.constant 0 : i32
    %add3A_801 = vector.broadcast %add3A_800 : i32 to vector<16xi32>
    %add3A_802 = arith.addi %iota3A, %add3A_801 : vector<16xi32>
    %get3A_803 = arith.constant 0 : i32
    %get3A_804 = arith.index_cast %get3A_803 : i32 to index
    %get3A_805 = arith.constant 0 : index
    %get3A_806 = tpu.vector_load %arg10[%get3A_804, %get3A_805] {strides = array<i32>} : memref<4x128xi32, #tpu.memory_space<vmem>>, vector<16xi32>,
    %and3A = arith.constant 127 : i32
    %and3A_807 = vector.broadcast %and3A : i32 to vector<16xi32>
    %and3A_808 = arith.andi %get3A_806, %and3A_807 : vector<16xi32>
    %gather3A = tpu.vector_load_idx %arg16[%add3A_802, %and3A_808] : memref<128x128xf32, #tpu.memory_space<vmem>>[vector<16xi32>, vector<16xi32>], vector<16xf32>,
    %swap3A_809 = arith.constant 0 : index
    %swap3A_810 = tpu.vector_load %arg17[%swap3A_809] {strides = array<i32>} : memref<512xf32, #tpu.memory_space<vmem>>, vector<16xf32>,
    tpu.vector_store %arg17[%swap3A_809], %gather3A {strides = array<i32>} : memref<512xf32, #tpu.memory_space<vmem>>, vector<16xf32>,
    %iota3A_811 = tpu.iota {dimensions = array<i32: 0>} : vector<16xi32>
    %add3A_812 = arith.constant 16 : i32
    %add3A_813 = vector.broadcast %add3A_812 : i32 to vector<16xi32>
    %add3A_814 = arith.addi %iota3A_811, %add3A_813 : vector<16xi32>
    %get3A_815 = arith.constant 0 : i32
    %get3A_816 = arith.index_cast %get3A_815 : i32 to index
    %get3A_817 = arith.constant 16 : index
    %get3A_818 = tpu.vector_load %arg10[%get3A_816, %get3A_817] {strides = array<i32>} : memref<4x128xi32, #tpu.memory_space<vmem>>, vector<16xi32>,
    %and3A_819 = arith.constant 127 : i32
    %and3A_820 = vector.broadcast %and3A_819 : i32 to vector<16xi32>
    %and3A_821 = arith.andi %get3A_818, %and3A_820 : vector<16xi32>
    %gather3A_822 = tpu.vector_load_idx %arg16[%add3A_814, %and3A_821] : memref<128x128xf32, #tpu.memory_space<vmem>>[vector<16xi32>, vector<16xi32>], vector<16xf32>,
    %swap3A_823 = arith.constant 16 : index
    %swap3A_824 = tpu.vector_load %arg17[%swap3A_823] {strides = array<i32>} : memref<512xf32, #tpu.memory_space<vmem>>, vector<16xf32>,
    tpu.vector_store %arg17[%swap3A_823], %gather3A_822 {strides = array<i32>} : memref<512xf32, #tpu.memory_space<vmem>>, vector<16xf32>,
    %iota3A_825 = tpu.iota {dimensions = array<i32: 0>} : vector<16xi32>
    %add3A_826 = arith.constant 32 : i32
    %add3A_827 = vector.broadcast %add3A_826 : i32 to vector<16xi32>
    %add3A_828 = arith.addi %iota3A_825, %add3A_827 : vector<16xi32>
    %get3A_829 = arith.constant 0 : i32
    %get3A_830 = arith.index_cast %get3A_829 : i32 to index
    %get3A_831 = arith.constant 32 : index
    %get3A_832 = tpu.vector_load %arg10[%get3A_830, %get3A_831] {strides = array<i32>} : memref<4x128xi32, #tpu.memory_space<vmem>>, vector<16xi32>,
    %and3A_833 = arith.constant 127 : i32
    %and3A_834 = vector.broadcast %and3A_833 : i32 to vector<16xi32>
    %and3A_835 = arith.andi %get3A_832, %and3A_834 : vector<16xi32>
    %gather3A_836 = tpu.vector_load_idx %arg16[%add3A_828, %and3A_835] : memref<128x128xf32, #tpu.memory_space<vmem>>[vector<16xi32>, vector<16xi32>], vector<16xf32>,
    %swap3A_837 = arith.constant 32 : index
    %swap3A_838 = tpu.vector_load %arg17[%swap3A_837] {strides = array<i32>} : memref<512xf32, #tpu.memory_space<vmem>>, vector<16xf32>,
    tpu.vector_store %arg17[%swap3A_837], %gather3A_836 {strides = array<i32>} : memref<512xf32, #tpu.memory_space<vmem>>, vector<16xf32>,
    %iota3A_839 = tpu.iota {dimensions = array<i32: 0>} : vector<16xi32>
    %add3A_840 = arith.constant 48 : i32
    %add3A_841 = vector.broadcast %add3A_840 : i32 to vector<16xi32>
    %add3A_842 = arith.addi %iota3A_839, %add3A_841 : vector<16xi32>
    %get3A_843 = arith.constant 0 : i32
    %get3A_844 = arith.index_cast %get3A_843 : i32 to index
    %get3A_845 = arith.constant 48 : index
    %get3A_846 = tpu.vector_load %arg10[%get3A_844, %get3A_845] {strides = array<i32>} : memref<4x128xi32, #tpu.memory_space<vmem>>, vector<16xi32>,
    %and3A_847 = arith.constant 127 : i32
    %and3A_848 = vector.broadcast %and3A_847 : i32 to vector<16xi32>
    %and3A_849 = arith.andi %get3A_846, %and3A_848 : vector<16xi32>
    %gather3A_850 = tpu.vector_load_idx %arg16[%add3A_842, %and3A_849] : memref<128x128xf32, #tpu.memory_space<vmem>>[vector<16xi32>, vector<16xi32>], vector<16xf32>,
    %swap3A_851 = arith.constant 48 : index
    %swap3A_852 = tpu.vector_load %arg17[%swap3A_851] {strides = array<i32>} : memref<512xf32, #tpu.memory_space<vmem>>, vector<16xf32>,
    tpu.vector_store %arg17[%swap3A_851], %gather3A_850 {strides = array<i32>} : memref<512xf32, #tpu.memory_space<vmem>>, vector<16xf32>,
    %iota3A_853 = tpu.iota {dimensions = array<i32: 0>} : vector<16xi32>
    %add3A_854 = arith.constant 64 : i32
    %add3A_855 = vector.broadcast %add3A_854 : i32 to vector<16xi32>
    %add3A_856 = arith.addi %iota3A_853, %add3A_855 : vector<16xi32>
    %get3A_857 = arith.constant 0 : i32
    %get3A_858 = arith.index_cast %get3A_857 : i32 to index
    %get3A_859 = arith.constant 64 : index
    %get3A_860 = tpu.vector_load %arg10[%get3A_858, %get3A_859] {strides = array<i32>} : memref<4x128xi32, #tpu.memory_space<vmem>>, vector<16xi32>,
    %and3A_861 = arith.constant 127 : i32
    %and3A_862 = vector.broadcast %and3A_861 : i32 to vector<16xi32>
    %and3A_863 = arith.andi %get3A_860, %and3A_862 : vector<16xi32>
    %gather3A_864 = tpu.vector_load_idx %arg16[%add3A_856, %and3A_863] : memref<128x128xf32, #tpu.memory_space<vmem>>[vector<16xi32>, vector<16xi32>], vector<16xf32>,
    %swap3A_865 = arith.constant 64 : index
    %swap3A_866 = tpu.vector_load %arg17[%swap3A_865] {strides = array<i32>} : memref<512xf32, #tpu.memory_space<vmem>>, vector<16xf32>,
    tpu.vector_store %arg17[%swap3A_865], %gather3A_864 {strides = array<i32>} : memref<512xf32, #tpu.memory_space<vmem>>, vector<16xf32>,
    %iota3A_867 = tpu.iota {dimensions = array<i32: 0>} : vector<16xi32>
    %add3A_868 = arith.constant 80 : i32
    %add3A_869 = vector.broadcast %add3A_868 : i32 to vector<16xi32>
    %add3A_870 = arith.addi %iota3A_867, %add3A_869 : vector<16xi32>
    %get3A_871 = arith.constant 0 : i32
    %get3A_872 = arith.index_cast %get3A_871 : i32 to index
    %get3A_873 = arith.constant 80 : index
    %get3A_874 = tpu.vector_load %arg10[%get3A_872, %get3A_873] {strides = array<i32>} : memref<4x128xi32, #tpu.memory_space<vmem>>, vector<16xi32>,
    %and3A_875 = arith.constant 127 : i32
    %and3A_876 = vector.broadcast %and3A_875 : i32 to vector<16xi32>
    %and3A_877 = arith.andi %get3A_874, %and3A_876 : vector<16xi32>
    %gather3A_878 = tpu.vector_load_idx %arg16[%add3A_870, %and3A_877] : memref<128x128xf32, #tpu.memory_space<vmem>>[vector<16xi32>, vector<16xi32>], vector<16xf32>,
    %swap3A_879 = arith.constant 80 : index
    %swap3A_880 = tpu.vector_load %arg17[%swap3A_879] {strides = array<i32>} : memref<512xf32, #tpu.memory_space<vmem>>, vector<16xf32>,
    tpu.vector_store %arg17[%swap3A_879], %gather3A_878 {strides = array<i32>} : memref<512xf32, #tpu.memory_space<vmem>>, vector<16xf32>,
    %iota3A_881 = tpu.iota {dimensions = array<i32: 0>} : vector<16xi32>
    %add3A_882 = arith.constant 96 : i32
    %add3A_883 = vector.broadcast %add3A_882 : i32 to vector<16xi32>
    %add3A_884 = arith.addi %iota3A_881, %add3A_883 : vector<16xi32>
    %get3A_885 = arith.constant 0 : i32
    %get3A_886 = arith.index_cast %get3A_885 : i32 to index
    %get3A_887 = arith.constant 96 : index
    %get3A_888 = tpu.vector_load %arg10[%get3A_886, %get3A_887] {strides = array<i32>} : memref<4x128xi32, #tpu.memory_space<vmem>>, vector<16xi32>,
    %and3A_889 = arith.constant 127 : i32
    %and3A_890 = vector.broadcast %and3A_889 : i32 to vector<16xi32>
    %and3A_891 = arith.andi %get3A_888, %and3A_890 : vector<16xi32>
    %gather3A_892 = tpu.vector_load_idx %arg16[%add3A_884, %and3A_891] : memref<128x128xf32, #tpu.memory_space<vmem>>[vector<16xi32>, vector<16xi32>], vector<16xf32>,
    %swap3A_893 = arith.constant 96 : index
    %swap3A_894 = tpu.vector_load %arg17[%swap3A_893] {strides = array<i32>} : memref<512xf32, #tpu.memory_space<vmem>>, vector<16xf32>,
    tpu.vector_store %arg17[%swap3A_893], %gather3A_892 {strides = array<i32>} : memref<512xf32, #tpu.memory_space<vmem>>, vector<16xf32>,
    %iota3A_895 = tpu.iota {dimensions = array<i32: 0>} : vector<16xi32>
    %add3A_896 = arith.constant 112 : i32
    %add3A_897 = vector.broadcast %add3A_896 : i32 to vector<16xi32>
    %add3A_898 = arith.addi %iota3A_895, %add3A_897 : vector<16xi32>
    %get3A_899 = arith.constant 0 : i32
    %get3A_900 = arith.index_cast %get3A_899 : i32 to index
    %get3A_901 = arith.constant 112 : index
    %get3A_902 = tpu.vector_load %arg10[%get3A_900, %get3A_901] {strides = array<i32>} : memref<4x128xi32, #tpu.memory_space<vmem>>, vector<16xi32>,
    %and3A_903 = arith.constant 127 : i32
    %and3A_904 = vector.broadcast %and3A_903 : i32 to vector<16xi32>
    %and3A_905 = arith.andi %get3A_902, %and3A_904 : vector<16xi32>
    %gather3A_906 = tpu.vector_load_idx %arg16[%add3A_898, %and3A_905] : memref<128x128xf32, #tpu.memory_space<vmem>>[vector<16xi32>, vector<16xi32>], vector<16xf32>,
    %swap3A_907 = arith.constant 112 : index
    %swap3A_908 = tpu.vector_load %arg17[%swap3A_907] {strides = array<i32>} : memref<512xf32, #tpu.memory_space<vmem>>, vector<16xf32>,
    tpu.vector_store %arg17[%swap3A_907], %gather3A_906 {strides = array<i32>} : memref<512xf32, #tpu.memory_space<vmem>>, vector<16xf32>,
    %dma_start3A_909 = arith.constant 0 : i32
    %dma_start3A_910 = arith.constant 0 : i32
    %dma_start3A_911 = tpu.memref_slice %arg13[%dma_start3A_909, %dma_start3A_910] : memref<4x128xi32, #tpu.memory_space<vmem>> -> memref<1x128xi32, #tpu.memory_space<vmem>>
    %dma_start3A_912 = tpu.memref_squeeze %dma_start3A_911 : memref<1x128xi32, #tpu.memory_space<vmem>> -> memref<128xi32, #tpu.memory_space<vmem>>
    %dma_start3A_913 = arith.constant 0 : i32
    %dma_start3A_914 = arith.constant 0 : i32
    %dma_start3A_915 = tpu.memref_slice %arg7[%dma_start3A_913, %dma_start3A_914] : memref<7813x128xf32, #tpu.memory_space<hbm>> -> memref<7813x128xf32, #tpu.memory_space<hbm>>
    tpu.enqueue_indirect_dma source(%dma_start3A_915 : memref<7813x128xf32, #tpu.memory_space<hbm>>) target(%arg16 : memref<128x128xf32, #tpu.memory_space<vmem>>) offsets(%dma_start3A_912 : memref<128xi32, #tpu.memory_space<vmem>>) semaphore(%arg19 : memref<!tpu.dma_semaphore, #tpu.memory_space<semaphore_mem>>)
    %dma_wait3A_916 = arith.constant 0 : i32
    %dma_wait3A_917 = arith.constant 0 : i32
    %dma_wait3A_918 = tpu.memref_slice %arg13[%dma_wait3A_916, %dma_wait3A_917] : memref<4x128xi32, #tpu.memory_space<vmem>> -> memref<1x128xi32, #tpu.memory_space<vmem>>
    %dma_wait3A_919 = tpu.memref_squeeze %dma_wait3A_918 : memref<1x128xi32, #tpu.memory_space<vmem>> -> memref<128xi32, #tpu.memory_space<vmem>>
    %dma_wait3A_920 = arith.constant 0 : i32
    %dma_wait3A_921 = arith.constant 0 : i32
    %dma_wait3A_922 = tpu.memref_slice %arg7[%dma_wait3A_920, %dma_wait3A_921] : memref<7813x128xf32, #tpu.memory_space<hbm>> -> memref<7813x128xf32, #tpu.memory_space<hbm>>
    tpu.wait_indirect_dma semaphore(%arg19 : memref<!tpu.dma_semaphore, #tpu.memory_space<semaphore_mem>>) src(%dma_wait3A_922 : memref<7813x128xf32, #tpu.memory_space<hbm>>) dst(%arg16 : memref<128x128xf32, #tpu.memory_space<vmem>>)
    %iota3A_923 = tpu.iota {dimensions = array<i32: 0>} : vector<16xi32>
    %add3A_924 = arith.constant 0 : i32
    %add3A_925 = vector.broadcast %add3A_924 : i32 to vector<16xi32>
    %add3A_926 = arith.addi %iota3A_923, %add3A_925 : vector<16xi32>
    %get3A_927 = arith.constant 0 : index
    %get3A_928 = tpu.vector_load %arg17[%get3A_927] {strides = array<i32>} : memref<512xf32, #tpu.memory_space<vmem>>, vector<16xf32>,
    %get3A_929 = arith.constant 0 : i32
    %get3A_930 = arith.index_cast %get3A_929 : i32 to index
    %get3A_931 = arith.constant 0 : index
    %get3A_932 = tpu.vector_load %arg11[%get3A_930, %get3A_931] {strides = array<i32>} : memref<4x128xi32, #tpu.memory_space<vmem>>, vector<16xi32>,
    %and3A_933 = arith.constant 127 : i32
    %and3A_934 = vector.broadcast %and3A_933 : i32 to vector<16xi32>
    %and3A_935 = arith.andi %get3A_932, %and3A_934 : vector<16xi32>
    %gather3A_936 = tpu.vector_load_idx %arg16[%add3A_926, %and3A_935] : memref<128x128xf32, #tpu.memory_space<vmem>>[vector<16xi32>, vector<16xi32>], vector<16xf32>,
    %add3A_937 = arith.addf %get3A_928, %gather3A_936 : vector<16xf32>
    %swap3A_938 = arith.constant 0 : index
    %swap3A_939 = tpu.vector_load %arg17[%swap3A_938] {strides = array<i32>} : memref<512xf32, #tpu.memory_space<vmem>>, vector<16xf32>,
    tpu.vector_store %arg17[%swap3A_938], %add3A_937 {strides = array<i32>} : memref<512xf32, #tpu.memory_space<vmem>>, vector<16xf32>,
    %iota3A_940 = tpu.iota {dimensions = array<i32: 0>} : vector<16xi32>
    %add3A_941 = arith.constant 16 : i32
    %add3A_942 = vector.broadcast %add3A_941 : i32 to vector<16xi32>
    %add3A_943 = arith.addi %iota3A_940, %add3A_942 : vector<16xi32>
    %get3A_944 = arith.constant 16 : index
    %get3A_945 = tpu.vector_load %arg17[%get3A_944] {strides = array<i32>} : memref<512xf32, #tpu.memory_space<vmem>>, vector<16xf32>,
    %get3A_946 = arith.constant 0 : i32
    %get3A_947 = arith.index_cast %get3A_946 : i32 to index
    %get3A_948 = arith.constant 16 : index
    %get3A_949 = tpu.vector_load %arg11[%get3A_947, %get3A_948] {strides = array<i32>} : memref<4x128xi32, #tpu.memory_space<vmem>>, vector<16xi32>,
    %and3A_950 = arith.constant 127 : i32
    %and3A_951 = vector.broadcast %and3A_950 : i32 to vector<16xi32>
    %and3A_952 = arith.andi %get3A_949, %and3A_951 : vector<16xi32>
    %gather3A_953 = tpu.vector_load_idx %arg16[%add3A_943, %and3A_952] : memref<128x128xf32, #tpu.memory_space<vmem>>[vector<16xi32>, vector<16xi32>], vector<16xf32>,
    %add3A_954 = arith.addf %get3A_945, %gather3A_953 : vector<16xf32>
    %swap3A_955 = arith.constant 16 : index
    %swap3A_956 = tpu.vector_load %arg17[%swap3A_955] {strides = array<i32>} : memref<512xf32, #tpu.memory_space<vmem>>, vector<16xf32>,
    tpu.vector_store %arg17[%swap3A_955], %add3A_954 {strides = array<i32>} : memref<512xf32, #tpu.memory_space<vmem>>, vector<16xf32>,
    %iota3A_957 = tpu.iota {dimensions = array<i32: 0>} : vector<16xi32>
    %add3A_958 = arith.constant 32 : i32
    %add3A_959 = vector.broadcast %add3A_958 : i32 to vector<16xi32>
    %add3A_960 = arith.addi %iota3A_957, %add3A_959 : vector<16xi32>
    %get3A_961 = arith.constant 32 : index
    %get3A_962 = tpu.vector_load %arg17[%get3A_961] {strides = array<i32>} : memref<512xf32, #tpu.memory_space<vmem>>, vector<16xf32>,
    %get3A_963 = arith.constant 0 : i32
    %get3A_964 = arith.index_cast %get3A_963 : i32 to index
    %get3A_965 = arith.constant 32 : index
    %get3A_966 = tpu.vector_load %arg11[%get3A_964, %get3A_965] {strides = array<i32>} : memref<4x128xi32, #tpu.memory_space<vmem>>, vector<16xi32>,
    %and3A_967 = arith.constant 127 : i32
    %and3A_968 = vector.broadcast %and3A_967 : i32 to vector<16xi32>
    %and3A_969 = arith.andi %get3A_966, %and3A_968 : vector<16xi32>
    %gather3A_970 = tpu.vector_load_idx %arg16[%add3A_960, %and3A_969] : memref<128x128xf32, #tpu.memory_space<vmem>>[vector<16xi32>, vector<16xi32>], vector<16xf32>,
    %add3A_971 = arith.addf %get3A_962, %gather3A_970 : vector<16xf32>
    %swap3A_972 = arith.constant 32 : index
    %swap3A_973 = tpu.vector_load %arg17[%swap3A_972] {strides = array<i32>} : memref<512xf32, #tpu.memory_space<vmem>>, vector<16xf32>,
    tpu.vector_store %arg17[%swap3A_972], %add3A_971 {strides = array<i32>} : memref<512xf32, #tpu.memory_space<vmem>>, vector<16xf32>,
    %iota3A_974 = tpu.iota {dimensions = array<i32: 0>} : vector<16xi32>
    %add3A_975 = arith.constant 48 : i32
    %add3A_976 = vector.broadcast %add3A_975 : i32 to vector<16xi32>
    %add3A_977 = arith.addi %iota3A_974, %add3A_976 : vector<16xi32>
    %get3A_978 = arith.constant 48 : index
    %get3A_979 = tpu.vector_load %arg17[%get3A_978] {strides = array<i32>} : memref<512xf32, #tpu.memory_space<vmem>>, vector<16xf32>,
    %get3A_980 = arith.constant 0 : i32
    %get3A_981 = arith.index_cast %get3A_980 : i32 to index
    %get3A_982 = arith.constant 48 : index
    %get3A_983 = tpu.vector_load %arg11[%get3A_981, %get3A_982] {strides = array<i32>} : memref<4x128xi32, #tpu.memory_space<vmem>>, vector<16xi32>,
    %and3A_984 = arith.constant 127 : i32
    %and3A_985 = vector.broadcast %and3A_984 : i32 to vector<16xi32>
    %and3A_986 = arith.andi %get3A_983, %and3A_985 : vector<16xi32>
    %gather3A_987 = tpu.vector_load_idx %arg16[%add3A_977, %and3A_986] : memref<128x128xf32, #tpu.memory_space<vmem>>[vector<16xi32>, vector<16xi32>], vector<16xf32>,
    %add3A_988 = arith.addf %get3A_979, %gather3A_987 : vector<16xf32>
    %swap3A_989 = arith.constant 48 : index
    %swap3A_990 = tpu.vector_load %arg17[%swap3A_989] {strides = array<i32>} : memref<512xf32, #tpu.memory_space<vmem>>, vector<16xf32>,
    tpu.vector_store %arg17[%swap3A_989], %add3A_988 {strides = array<i32>} : memref<512xf32, #tpu.memory_space<vmem>>, vector<16xf32>,
    %iota3A_991 = tpu.iota {dimensions = array<i32: 0>} : vector<16xi32>
    %add3A_992 = arith.constant 64 : i32
    %add3A_993 = vector.broadcast %add3A_992 : i32 to vector<16xi32>
    %add3A_994 = arith.addi %iota3A_991, %add3A_993 : vector<16xi32>
    %get3A_995 = arith.constant 64 : index
    %get3A_996 = tpu.vector_load %arg17[%get3A_995] {strides = array<i32>} : memref<512xf32, #tpu.memory_space<vmem>>, vector<16xf32>,
    %get3A_997 = arith.constant 0 : i32
    %get3A_998 = arith.index_cast %get3A_997 : i32 to index
    %get3A_999 = arith.constant 64 : index
    %get3A_1000 = tpu.vector_load %arg11[%get3A_998, %get3A_999] {strides = array<i32>} : memref<4x128xi32, #tpu.memory_space<vmem>>, vector<16xi32>,
    %and3A_1001 = arith.constant 127 : i32
    %and3A_1002 = vector.broadcast %and3A_1001 : i32 to vector<16xi32>
    %and3A_1003 = arith.andi %get3A_1000, %and3A_1002 : vector<16xi32>
    %gather3A_1004 = tpu.vector_load_idx %arg16[%add3A_994, %and3A_1003] : memref<128x128xf32, #tpu.memory_space<vmem>>[vector<16xi32>, vector<16xi32>], vector<16xf32>,
    %add3A_1005 = arith.addf %get3A_996, %gather3A_1004 : vector<16xf32>
    %swap3A_1006 = arith.constant 64 : index
    %swap3A_1007 = tpu.vector_load %arg17[%swap3A_1006] {strides = array<i32>} : memref<512xf32, #tpu.memory_space<vmem>>, vector<16xf32>,
    tpu.vector_store %arg17[%swap3A_1006], %add3A_1005 {strides = array<i32>} : memref<512xf32, #tpu.memory_space<vmem>>, vector<16xf32>,
    %iota3A_1008 = tpu.iota {dimensions = array<i32: 0>} : vector<16xi32>
    %add3A_1009 = arith.constant 80 : i32
    %add3A_1010 = vector.broadcast %add3A_1009 : i32 to vector<16xi32>
    %add3A_1011 = arith.addi %iota3A_1008, %add3A_1010 : vector<16xi32>
    %get3A_1012 = arith.constant 80 : index
    %get3A_1013 = tpu.vector_load %arg17[%get3A_1012] {strides = array<i32>} : memref<512xf32, #tpu.memory_space<vmem>>, vector<16xf32>,
    %get3A_1014 = arith.constant 0 : i32
    %get3A_1015 = arith.index_cast %get3A_1014 : i32 to index
    %get3A_1016 = arith.constant 80 : index
    %get3A_1017 = tpu.vector_load %arg11[%get3A_1015, %get3A_1016] {strides = array<i32>} : memref<4x128xi32, #tpu.memory_space<vmem>>, vector<16xi32>,
    %and3A_1018 = arith.constant 127 : i32
    %and3A_1019 = vector.broadcast %and3A_1018 : i32 to vector<16xi32>
    %and3A_1020 = arith.andi %get3A_1017, %and3A_1019 : vector<16xi32>
    %gather3A_1021 = tpu.vector_load_idx %arg16[%add3A_1011, %and3A_1020] : memref<128x128xf32, #tpu.memory_space<vmem>>[vector<16xi32>, vector<16xi32>], vector<16xf32>,
    %add3A_1022 = arith.addf %get3A_1013, %gather3A_1021 : vector<16xf32>
    %swap3A_1023 = arith.constant 80 : index
    %swap3A_1024 = tpu.vector_load %arg17[%swap3A_1023] {strides = array<i32>} : memref<512xf32, #tpu.memory_space<vmem>>, vector<16xf32>,
    tpu.vector_store %arg17[%swap3A_1023], %add3A_1022 {strides = array<i32>} : memref<512xf32, #tpu.memory_space<vmem>>, vector<16xf32>,
    %iota3A_1025 = tpu.iota {dimensions = array<i32: 0>} : vector<16xi32>
    %add3A_1026 = arith.constant 96 : i32
    %add3A_1027 = vector.broadcast %add3A_1026 : i32 to vector<16xi32>
    %add3A_1028 = arith.addi %iota3A_1025, %add3A_1027 : vector<16xi32>
    %get3A_1029 = arith.constant 96 : index
    %get3A_1030 = tpu.vector_load %arg17[%get3A_1029] {strides = array<i32>} : memref<512xf32, #tpu.memory_space<vmem>>, vector<16xf32>,
    %get3A_1031 = arith.constant 0 : i32
    %get3A_1032 = arith.index_cast %get3A_1031 : i32 to index
    %get3A_1033 = arith.constant 96 : index
    %get3A_1034 = tpu.vector_load %arg11[%get3A_1032, %get3A_1033] {strides = array<i32>} : memref<4x128xi32, #tpu.memory_space<vmem>>, vector<16xi32>,
    %and3A_1035 = arith.constant 127 : i32
    %and3A_1036 = vector.broadcast %and3A_1035 : i32 to vector<16xi32>
    %and3A_1037 = arith.andi %get3A_1034, %and3A_1036 : vector<16xi32>
    %gather3A_1038 = tpu.vector_load_idx %arg16[%add3A_1028, %and3A_1037] : memref<128x128xf32, #tpu.memory_space<vmem>>[vector<16xi32>, vector<16xi32>], vector<16xf32>,
    %add3A_1039 = arith.addf %get3A_1030, %gather3A_1038 : vector<16xf32>
    %swap3A_1040 = arith.constant 96 : index
    %swap3A_1041 = tpu.vector_load %arg17[%swap3A_1040] {strides = array<i32>} : memref<512xf32, #tpu.memory_space<vmem>>, vector<16xf32>,
    tpu.vector_store %arg17[%swap3A_1040], %add3A_1039 {strides = array<i32>} : memref<512xf32, #tpu.memory_space<vmem>>, vector<16xf32>,
    %iota3A_1042 = tpu.iota {dimensions = array<i32: 0>} : vector<16xi32>
    %add3A_1043 = arith.constant 112 : i32
    %add3A_1044 = vector.broadcast %add3A_1043 : i32 to vector<16xi32>
    %add3A_1045 = arith.addi %iota3A_1042, %add3A_1044 : vector<16xi32>
    %get3A_1046 = arith.constant 112 : index
    %get3A_1047 = tpu.vector_load %arg17[%get3A_1046] {strides = array<i32>} : memref<512xf32, #tpu.memory_space<vmem>>, vector<16xf32>,
    %get3A_1048 = arith.constant 0 : i32
    %get3A_1049 = arith.index_cast %get3A_1048 : i32 to index
    %get3A_1050 = arith.constant 112 : index
    %get3A_1051 = tpu.vector_load %arg11[%get3A_1049, %get3A_1050] {strides = array<i32>} : memref<4x128xi32, #tpu.memory_space<vmem>>, vector<16xi32>,
    %and3A_1052 = arith.constant 127 : i32
    %and3A_1053 = vector.broadcast %and3A_1052 : i32 to vector<16xi32>
    %and3A_1054 = arith.andi %get3A_1051, %and3A_1053 : vector<16xi32>
    %gather3A_1055 = tpu.vector_load_idx %arg16[%add3A_1045, %and3A_1054] : memref<128x128xf32, #tpu.memory_space<vmem>>[vector<16xi32>, vector<16xi32>], vector<16xf32>,
    %add3A_1056 = arith.addf %get3A_1047, %gather3A_1055 : vector<16xf32>
    %swap3A_1057 = arith.constant 112 : index
    %swap3A_1058 = tpu.vector_load %arg17[%swap3A_1057] {strides = array<i32>} : memref<512xf32, #tpu.memory_space<vmem>>, vector<16xf32>,
    tpu.vector_store %arg17[%swap3A_1057], %add3A_1056 {strides = array<i32>} : memref<512xf32, #tpu.memory_space<vmem>>, vector<16xf32>,
    %dma_start3A_1059 = arith.constant 1 : i32
    %dma_start3A_1060 = arith.constant 0 : i32
    %dma_start3A_1061 = tpu.memref_slice %arg12[%dma_start3A_1059, %dma_start3A_1060] : memref<4x128xi32, #tpu.memory_space<vmem>> -> memref<1x128xi32, #tpu.memory_space<vmem>>
    %dma_start3A_1062 = tpu.memref_squeeze %dma_start3A_1061 : memref<1x128xi32, #tpu.memory_space<vmem>> -> memref<128xi32, #tpu.memory_space<vmem>>
    %dma_start3A_1063 = arith.constant 0 : i32
    %dma_start3A_1064 = arith.constant 0 : i32
    %dma_start3A_1065 = tpu.memref_slice %arg6[%dma_start3A_1063, %dma_start3A_1064] : memref<7813x128xf32, #tpu.memory_space<hbm>> -> memref<7813x128xf32, #tpu.memory_space<hbm>>
    tpu.enqueue_indirect_dma source(%dma_start3A_1065 : memref<7813x128xf32, #tpu.memory_space<hbm>>) target(%arg16 : memref<128x128xf32, #tpu.memory_space<vmem>>) offsets(%dma_start3A_1062 : memref<128xi32, #tpu.memory_space<vmem>>) semaphore(%arg19 : memref<!tpu.dma_semaphore, #tpu.memory_space<semaphore_mem>>)
    %dma_wait3A_1066 = arith.constant 1 : i32
    %dma_wait3A_1067 = arith.constant 0 : i32
    %dma_wait3A_1068 = tpu.memref_slice %arg12[%dma_wait3A_1066, %dma_wait3A_1067] : memref<4x128xi32, #tpu.memory_space<vmem>> -> memref<1x128xi32, #tpu.memory_space<vmem>>
    %dma_wait3A_1069 = tpu.memref_squeeze %dma_wait3A_1068 : memref<1x128xi32, #tpu.memory_space<vmem>> -> memref<128xi32, #tpu.memory_space<vmem>>
    %dma_wait3A_1070 = arith.constant 0 : i32
    %dma_wait3A_1071 = arith.constant 0 : i32
    %dma_wait3A_1072 = tpu.memref_slice %arg6[%dma_wait3A_1070, %dma_wait3A_1071] : memref<7813x128xf32, #tpu.memory_space<hbm>> -> memref<7813x128xf32, #tpu.memory_space<hbm>>
    tpu.wait_indirect_dma semaphore(%arg19 : memref<!tpu.dma_semaphore, #tpu.memory_space<semaphore_mem>>) src(%dma_wait3A_1072 : memref<7813x128xf32, #tpu.memory_space<hbm>>) dst(%arg16 : memref<128x128xf32, #tpu.memory_space<vmem>>)
    %iota3A_1073 = tpu.iota {dimensions = array<i32: 0>} : vector<16xi32>
    %add3A_1074 = arith.constant 0 : i32
    %add3A_1075 = vector.broadcast %add3A_1074 : i32 to vector<16xi32>
    %add3A_1076 = arith.addi %iota3A_1073, %add3A_1075 : vector<16xi32>
    %get3A_1077 = arith.constant 1 : i32
    %get3A_1078 = arith.index_cast %get3A_1077 : i32 to index
    %get3A_1079 = arith.constant 0 : index
    %get3A_1080 = tpu.vector_load %arg10[%get3A_1078, %get3A_1079] {strides = array<i32>} : memref<4x128xi32, #tpu.memory_space<vmem>>, vector<16xi32>,
    %and3A_1081 = arith.constant 127 : i32
    %and3A_1082 = vector.broadcast %and3A_1081 : i32 to vector<16xi32>
    %and3A_1083 = arith.andi %get3A_1080, %and3A_1082 : vector<16xi32>
    %gather3A_1084 = tpu.vector_load_idx %arg16[%add3A_1076, %and3A_1083] : memref<128x128xf32, #tpu.memory_space<vmem>>[vector<16xi32>, vector<16xi32>], vector<16xf32>,
    %swap3A_1085 = arith.constant 128 : index
    %swap3A_1086 = tpu.vector_load %arg17[%swap3A_1085] {strides = array<i32>} : memref<512xf32, #tpu.memory_space<vmem>>, vector<16xf32>,
    tpu.vector_store %arg17[%swap3A_1085], %gather3A_1084 {strides = array<i32>} : memref<512xf32, #tpu.memory_space<vmem>>, vector<16xf32>,
    %iota3A_1087 = tpu.iota {dimensions = array<i32: 0>} : vector<16xi32>
    %add3A_1088 = arith.constant 16 : i32
    %add3A_1089 = vector.broadcast %add3A_1088 : i32 to vector<16xi32>
    %add3A_1090 = arith.addi %iota3A_1087, %add3A_1089 : vector<16xi32>
    %get3A_1091 = arith.constant 1 : i32
    %get3A_1092 = arith.index_cast %get3A_1091 : i32 to index
    %get3A_1093 = arith.constant 16 : index
    %get3A_1094 = tpu.vector_load %arg10[%get3A_1092, %get3A_1093] {strides = array<i32>} : memref<4x128xi32, #tpu.memory_space<vmem>>, vector<16xi32>,
    %and3A_1095 = arith.constant 127 : i32
    %and3A_1096 = vector.broadcast %and3A_1095 : i32 to vector<16xi32>
    %and3A_1097 = arith.andi %get3A_1094, %and3A_1096 : vector<16xi32>
    %gather3A_1098 = tpu.vector_load_idx %arg16[%add3A_1090, %and3A_1097] : memref<128x128xf32, #tpu.memory_space<vmem>>[vector<16xi32>, vector<16xi32>], vector<16xf32>,
    %swap3A_1099 = arith.constant 144 : index
    %swap3A_1100 = tpu.vector_load %arg17[%swap3A_1099] {strides = array<i32>} : memref<512xf32, #tpu.memory_space<vmem>>, vector<16xf32>,
    tpu.vector_store %arg17[%swap3A_1099], %gather3A_1098 {strides = array<i32>} : memref<512xf32, #tpu.memory_space<vmem>>, vector<16xf32>,
    %iota3A_1101 = tpu.iota {dimensions = array<i32: 0>} : vector<16xi32>
    %add3A_1102 = arith.constant 32 : i32
    %add3A_1103 = vector.broadcast %add3A_1102 : i32 to vector<16xi32>
    %add3A_1104 = arith.addi %iota3A_1101, %add3A_1103 : vector<16xi32>
    %get3A_1105 = arith.constant 1 : i32
    %get3A_1106 = arith.index_cast %get3A_1105 : i32 to index
    %get3A_1107 = arith.constant 32 : index
    %get3A_1108 = tpu.vector_load %arg10[%get3A_1106, %get3A_1107] {strides = array<i32>} : memref<4x128xi32, #tpu.memory_space<vmem>>, vector<16xi32>,
    %and3A_1109 = arith.constant 127 : i32
    %and3A_1110 = vector.broadcast %and3A_1109 : i32 to vector<16xi32>
    %and3A_1111 = arith.andi %get3A_1108, %and3A_1110 : vector<16xi32>
    %gather3A_1112 = tpu.vector_load_idx %arg16[%add3A_1104, %and3A_1111] : memref<128x128xf32, #tpu.memory_space<vmem>>[vector<16xi32>, vector<16xi32>], vector<16xf32>,
    %swap3A_1113 = arith.constant 160 : index
    %swap3A_1114 = tpu.vector_load %arg17[%swap3A_1113] {strides = array<i32>} : memref<512xf32, #tpu.memory_space<vmem>>, vector<16xf32>,
    tpu.vector_store %arg17[%swap3A_1113], %gather3A_1112 {strides = array<i32>} : memref<512xf32, #tpu.memory_space<vmem>>, vector<16xf32>,
    %iota3A_1115 = tpu.iota {dimensions = array<i32: 0>} : vector<16xi32>
    %add3A_1116 = arith.constant 48 : i32
    %add3A_1117 = vector.broadcast %add3A_1116 : i32 to vector<16xi32>
    %add3A_1118 = arith.addi %iota3A_1115, %add3A_1117 : vector<16xi32>
    %get3A_1119 = arith.constant 1 : i32
    %get3A_1120 = arith.index_cast %get3A_1119 : i32 to index
    %get3A_1121 = arith.constant 48 : index
    %get3A_1122 = tpu.vector_load %arg10[%get3A_1120, %get3A_1121] {strides = array<i32>} : memref<4x128xi32, #tpu.memory_space<vmem>>, vector<16xi32>,
    %and3A_1123 = arith.constant 127 : i32
    %and3A_1124 = vector.broadcast %and3A_1123 : i32 to vector<16xi32>
    %and3A_1125 = arith.andi %get3A_1122, %and3A_1124 : vector<16xi32>
    %gather3A_1126 = tpu.vector_load_idx %arg16[%add3A_1118, %and3A_1125] : memref<128x128xf32, #tpu.memory_space<vmem>>[vector<16xi32>, vector<16xi32>], vector<16xf32>,
    %swap3A_1127 = arith.constant 176 : index
    %swap3A_1128 = tpu.vector_load %arg17[%swap3A_1127] {strides = array<i32>} : memref<512xf32, #tpu.memory_space<vmem>>, vector<16xf32>,
    tpu.vector_store %arg17[%swap3A_1127], %gather3A_1126 {strides = array<i32>} : memref<512xf32, #tpu.memory_space<vmem>>, vector<16xf32>,
    %iota3A_1129 = tpu.iota {dimensions = array<i32: 0>} : vector<16xi32>
    %add3A_1130 = arith.constant 64 : i32
    %add3A_1131 = vector.broadcast %add3A_1130 : i32 to vector<16xi32>
    %add3A_1132 = arith.addi %iota3A_1129, %add3A_1131 : vector<16xi32>
    %get3A_1133 = arith.constant 1 : i32
    %get3A_1134 = arith.index_cast %get3A_1133 : i32 to index
    %get3A_1135 = arith.constant 64 : index
    %get3A_1136 = tpu.vector_load %arg10[%get3A_1134, %get3A_1135] {strides = array<i32>} : memref<4x128xi32, #tpu.memory_space<vmem>>, vector<16xi32>,
    %and3A_1137 = arith.constant 127 : i32
    %and3A_1138 = vector.broadcast %and3A_1137 : i32 to vector<16xi32>
    %and3A_1139 = arith.andi %get3A_1136, %and3A_1138 : vector<16xi32>
    %gather3A_1140 = tpu.vector_load_idx %arg16[%add3A_1132, %and3A_1139] : memref<128x128xf32, #tpu.memory_space<vmem>>[vector<16xi32>, vector<16xi32>], vector<16xf32>,
    %swap3A_1141 = arith.constant 192 : index
    %swap3A_1142 = tpu.vector_load %arg17[%swap3A_1141] {strides = array<i32>} : memref<512xf32, #tpu.memory_space<vmem>>, vector<16xf32>,
    tpu.vector_store %arg17[%swap3A_1141], %gather3A_1140 {strides = array<i32>} : memref<512xf32, #tpu.memory_space<vmem>>, vector<16xf32>,
    %iota3A_1143 = tpu.iota {dimensions = array<i32: 0>} : vector<16xi32>
    %add3A_1144 = arith.constant 80 : i32
    %add3A_1145 = vector.broadcast %add3A_1144 : i32 to vector<16xi32>
    %add3A_1146 = arith.addi %iota3A_1143, %add3A_1145 : vector<16xi32>
    %get3A_1147 = arith.constant 1 : i32
    %get3A_1148 = arith.index_cast %get3A_1147 : i32 to index
    %get3A_1149 = arith.constant 80 : index
    %get3A_1150 = tpu.vector_load %arg10[%get3A_1148, %get3A_1149] {strides = array<i32>} : memref<4x128xi32, #tpu.memory_space<vmem>>, vector<16xi32>,
    %and3A_1151 = arith.constant 127 : i32
    %and3A_1152 = vector.broadcast %and3A_1151 : i32 to vector<16xi32>
    %and3A_1153 = arith.andi %get3A_1150, %and3A_1152 : vector<16xi32>
    %gather3A_1154 = tpu.vector_load_idx %arg16[%add3A_1146, %and3A_1153] : memref<128x128xf32, #tpu.memory_space<vmem>>[vector<16xi32>, vector<16xi32>], vector<16xf32>,
    %swap3A_1155 = arith.constant 208 : index
    %swap3A_1156 = tpu.vector_load %arg17[%swap3A_1155] {strides = array<i32>} : memref<512xf32, #tpu.memory_space<vmem>>, vector<16xf32>,
    tpu.vector_store %arg17[%swap3A_1155], %gather3A_1154 {strides = array<i32>} : memref<512xf32, #tpu.memory_space<vmem>>, vector<16xf32>,
    %iota3A_1157 = tpu.iota {dimensions = array<i32: 0>} : vector<16xi32>
    %add3A_1158 = arith.constant 96 : i32
    %add3A_1159 = vector.broadcast %add3A_1158 : i32 to vector<16xi32>
    %add3A_1160 = arith.addi %iota3A_1157, %add3A_1159 : vector<16xi32>
    %get3A_1161 = arith.constant 1 : i32
    %get3A_1162 = arith.index_cast %get3A_1161 : i32 to index
    %get3A_1163 = arith.constant 96 : index
    %get3A_1164 = tpu.vector_load %arg10[%get3A_1162, %get3A_1163] {strides = array<i32>} : memref<4x128xi32, #tpu.memory_space<vmem>>, vector<16xi32>,
    %and3A_1165 = arith.constant 127 : i32
    %and3A_1166 = vector.broadcast %and3A_1165 : i32 to vector<16xi32>
    %and3A_1167 = arith.andi %get3A_1164, %and3A_1166 : vector<16xi32>
    %gather3A_1168 = tpu.vector_load_idx %arg16[%add3A_1160, %and3A_1167] : memref<128x128xf32, #tpu.memory_space<vmem>>[vector<16xi32>, vector<16xi32>], vector<16xf32>,
    %swap3A_1169 = arith.constant 224 : index
    %swap3A_1170 = tpu.vector_load %arg17[%swap3A_1169] {strides = array<i32>} : memref<512xf32, #tpu.memory_space<vmem>>, vector<16xf32>,
    tpu.vector_store %arg17[%swap3A_1169], %gather3A_1168 {strides = array<i32>} : memref<512xf32, #tpu.memory_space<vmem>>, vector<16xf32>,
    %iota3A_1171 = tpu.iota {dimensions = array<i32: 0>} : vector<16xi32>
    %add3A_1172 = arith.constant 112 : i32
    %add3A_1173 = vector.broadcast %add3A_1172 : i32 to vector<16xi32>
    %add3A_1174 = arith.addi %iota3A_1171, %add3A_1173 : vector<16xi32>
    %get3A_1175 = arith.constant 1 : i32
    %get3A_1176 = arith.index_cast %get3A_1175 : i32 to index
    %get3A_1177 = arith.constant 112 : index
    %get3A_1178 = tpu.vector_load %arg10[%get3A_1176, %get3A_1177] {strides = array<i32>} : memref<4x128xi32, #tpu.memory_space<vmem>>, vector<16xi32>,
    %and3A_1179 = arith.constant 127 : i32
    %and3A_1180 = vector.broadcast %and3A_1179 : i32 to vector<16xi32>
    %and3A_1181 = arith.andi %get3A_1178, %and3A_1180 : vector<16xi32>
    %gather3A_1182 = tpu.vector_load_idx %arg16[%add3A_1174, %and3A_1181] : memref<128x128xf32, #tpu.memory_space<vmem>>[vector<16xi32>, vector<16xi32>], vector<16xf32>,
    %swap3A_1183 = arith.constant 240 : index
    %swap3A_1184 = tpu.vector_load %arg17[%swap3A_1183] {strides = array<i32>} : memref<512xf32, #tpu.memory_space<vmem>>, vector<16xf32>,
    tpu.vector_store %arg17[%swap3A_1183], %gather3A_1182 {strides = array<i32>} : memref<512xf32, #tpu.memory_space<vmem>>, vector<16xf32>,
    %dma_start3A_1185 = arith.constant 1 : i32
    %dma_start3A_1186 = arith.constant 0 : i32
    %dma_start3A_1187 = tpu.memref_slice %arg13[%dma_start3A_1185, %dma_start3A_1186] : memref<4x128xi32, #tpu.memory_space<vmem>> -> memref<1x128xi32, #tpu.memory_space<vmem>>
    %dma_start3A_1188 = tpu.memref_squeeze %dma_start3A_1187 : memref<1x128xi32, #tpu.memory_space<vmem>> -> memref<128xi32, #tpu.memory_space<vmem>>
    %dma_start3A_1189 = arith.constant 0 : i32
    %dma_start3A_1190 = arith.constant 0 : i32
    %dma_start3A_1191 = tpu.memref_slice %arg7[%dma_start3A_1189, %dma_start3A_1190] : memref<7813x128xf32, #tpu.memory_space<hbm>> -> memref<7813x128xf32, #tpu.memory_space<hbm>>
    tpu.enqueue_indirect_dma source(%dma_start3A_1191 : memref<7813x128xf32, #tpu.memory_space<hbm>>) target(%arg16 : memref<128x128xf32, #tpu.memory_space<vmem>>) offsets(%dma_start3A_1188 : memref<128xi32, #tpu.memory_space<vmem>>) semaphore(%arg19 : memref<!tpu.dma_semaphore, #tpu.memory_space<semaphore_mem>>)
    %dma_wait3A_1192 = arith.constant 1 : i32
    %dma_wait3A_1193 = arith.constant 0 : i32
    %dma_wait3A_1194 = tpu.memref_slice %arg13[%dma_wait3A_1192, %dma_wait3A_1193] : memref<4x128xi32, #tpu.memory_space<vmem>> -> memref<1x128xi32, #tpu.memory_space<vmem>>
    %dma_wait3A_1195 = tpu.memref_squeeze %dma_wait3A_1194 : memref<1x128xi32, #tpu.memory_space<vmem>> -> memref<128xi32, #tpu.memory_space<vmem>>
    %dma_wait3A_1196 = arith.constant 0 : i32
    %dma_wait3A_1197 = arith.constant 0 : i32
    %dma_wait3A_1198 = tpu.memref_slice %arg7[%dma_wait3A_1196, %dma_wait3A_1197] : memref<7813x128xf32, #tpu.memory_space<hbm>> -> memref<7813x128xf32, #tpu.memory_space<hbm>>
    tpu.wait_indirect_dma semaphore(%arg19 : memref<!tpu.dma_semaphore, #tpu.memory_space<semaphore_mem>>) src(%dma_wait3A_1198 : memref<7813x128xf32, #tpu.memory_space<hbm>>) dst(%arg16 : memref<128x128xf32, #tpu.memory_space<vmem>>)
    %iota3A_1199 = tpu.iota {dimensions = array<i32: 0>} : vector<16xi32>
    %add3A_1200 = arith.constant 0 : i32
    %add3A_1201 = vector.broadcast %add3A_1200 : i32 to vector<16xi32>
    %add3A_1202 = arith.addi %iota3A_1199, %add3A_1201 : vector<16xi32>
    %get3A_1203 = arith.constant 128 : index
    %get3A_1204 = tpu.vector_load %arg17[%get3A_1203] {strides = array<i32>} : memref<512xf32, #tpu.memory_space<vmem>>, vector<16xf32>,
    %get3A_1205 = arith.constant 1 : i32
    %get3A_1206 = arith.index_cast %get3A_1205 : i32 to index
    %get3A_1207 = arith.constant 0 : index
    %get3A_1208 = tpu.vector_load %arg11[%get3A_1206, %get3A_1207] {strides = array<i32>} : memref<4x128xi32, #tpu.memory_space<vmem>>, vector<16xi32>,
    %and3A_1209 = arith.constant 127 : i32
    %and3A_1210 = vector.broadcast %and3A_1209 : i32 to vector<16xi32>
    %and3A_1211 = arith.andi %get3A_1208, %and3A_1210 : vector<16xi32>
    %gather3A_1212 = tpu.vector_load_idx %arg16[%add3A_1202, %and3A_1211] : memref<128x128xf32, #tpu.memory_space<vmem>>[vector<16xi32>, vector<16xi32>], vector<16xf32>,
    %add3A_1213 = arith.addf %get3A_1204, %gather3A_1212 : vector<16xf32>
    %swap3A_1214 = arith.constant 128 : index
    %swap3A_1215 = tpu.vector_load %arg17[%swap3A_1214] {strides = array<i32>} : memref<512xf32, #tpu.memory_space<vmem>>, vector<16xf32>,
    tpu.vector_store %arg17[%swap3A_1214], %add3A_1213 {strides = array<i32>} : memref<512xf32, #tpu.memory_space<vmem>>, vector<16xf32>,
    %iota3A_1216 = tpu.iota {dimensions = array<i32: 0>} : vector<16xi32>
    %add3A_1217 = arith.constant 16 : i32
    %add3A_1218 = vector.broadcast %add3A_1217 : i32 to vector<16xi32>
    %add3A_1219 = arith.addi %iota3A_1216, %add3A_1218 : vector<16xi32>
    %get3A_1220 = arith.constant 144 : index
    %get3A_1221 = tpu.vector_load %arg17[%get3A_1220] {strides = array<i32>} : memref<512xf32, #tpu.memory_space<vmem>>, vector<16xf32>,
    %get3A_1222 = arith.constant 1 : i32
    %get3A_1223 = arith.index_cast %get3A_1222 : i32 to index
    %get3A_1224 = arith.constant 16 : index
    %get3A_1225 = tpu.vector_load %arg11[%get3A_1223, %get3A_1224] {strides = array<i32>} : memref<4x128xi32, #tpu.memory_space<vmem>>, vector<16xi32>,
    %and3A_1226 = arith.constant 127 : i32
    %and3A_1227 = vector.broadcast %and3A_1226 : i32 to vector<16xi32>
    %and3A_1228 = arith.andi %get3A_1225, %and3A_1227 : vector<16xi32>
    %gather3A_1229 = tpu.vector_load_idx %arg16[%add3A_1219, %and3A_1228] : memref<128x128xf32, #tpu.memory_space<vmem>>[vector<16xi32>, vector<16xi32>], vector<16xf32>,
    %add3A_1230 = arith.addf %get3A_1221, %gather3A_1229 : vector<16xf32>
    %swap3A_1231 = arith.constant 144 : index
    %swap3A_1232 = tpu.vector_load %arg17[%swap3A_1231] {strides = array<i32>} : memref<512xf32, #tpu.memory_space<vmem>>, vector<16xf32>,
    tpu.vector_store %arg17[%swap3A_1231], %add3A_1230 {strides = array<i32>} : memref<512xf32, #tpu.memory_space<vmem>>, vector<16xf32>,
    %iota3A_1233 = tpu.iota {dimensions = array<i32: 0>} : vector<16xi32>
    %add3A_1234 = arith.constant 32 : i32
    %add3A_1235 = vector.broadcast %add3A_1234 : i32 to vector<16xi32>
    %add3A_1236 = arith.addi %iota3A_1233, %add3A_1235 : vector<16xi32>
    %get3A_1237 = arith.constant 160 : index
    %get3A_1238 = tpu.vector_load %arg17[%get3A_1237] {strides = array<i32>} : memref<512xf32, #tpu.memory_space<vmem>>, vector<16xf32>,
    %get3A_1239 = arith.constant 1 : i32
    %get3A_1240 = arith.index_cast %get3A_1239 : i32 to index
    %get3A_1241 = arith.constant 32 : index
    %get3A_1242 = tpu.vector_load %arg11[%get3A_1240, %get3A_1241] {strides = array<i32>} : memref<4x128xi32, #tpu.memory_space<vmem>>, vector<16xi32>,
    %and3A_1243 = arith.constant 127 : i32
    %and3A_1244 = vector.broadcast %and3A_1243 : i32 to vector<16xi32>
    %and3A_1245 = arith.andi %get3A_1242, %and3A_1244 : vector<16xi32>
    %gather3A_1246 = tpu.vector_load_idx %arg16[%add3A_1236, %and3A_1245] : memref<128x128xf32, #tpu.memory_space<vmem>>[vector<16xi32>, vector<16xi32>], vector<16xf32>,
    %add3A_1247 = arith.addf %get3A_1238, %gather3A_1246 : vector<16xf32>
    %swap3A_1248 = arith.constant 160 : index
    %swap3A_1249 = tpu.vector_load %arg17[%swap3A_1248] {strides = array<i32>} : memref<512xf32, #tpu.memory_space<vmem>>, vector<16xf32>,
    tpu.vector_store %arg17[%swap3A_1248], %add3A_1247 {strides = array<i32>} : memref<512xf32, #tpu.memory_space<vmem>>, vector<16xf32>,
    %iota3A_1250 = tpu.iota {dimensions = array<i32: 0>} : vector<16xi32>
    %add3A_1251 = arith.constant 48 : i32
    %add3A_1252 = vector.broadcast %add3A_1251 : i32 to vector<16xi32>
    %add3A_1253 = arith.addi %iota3A_1250, %add3A_1252 : vector<16xi32>
    %get3A_1254 = arith.constant 176 : index
    %get3A_1255 = tpu.vector_load %arg17[%get3A_1254] {strides = array<i32>} : memref<512xf32, #tpu.memory_space<vmem>>, vector<16xf32>,
    %get3A_1256 = arith.constant 1 : i32
    %get3A_1257 = arith.index_cast %get3A_1256 : i32 to index
    %get3A_1258 = arith.constant 48 : index
    %get3A_1259 = tpu.vector_load %arg11[%get3A_1257, %get3A_1258] {strides = array<i32>} : memref<4x128xi32, #tpu.memory_space<vmem>>, vector<16xi32>,
    %and3A_1260 = arith.constant 127 : i32
    %and3A_1261 = vector.broadcast %and3A_1260 : i32 to vector<16xi32>
    %and3A_1262 = arith.andi %get3A_1259, %and3A_1261 : vector<16xi32>
    %gather3A_1263 = tpu.vector_load_idx %arg16[%add3A_1253, %and3A_1262] : memref<128x128xf32, #tpu.memory_space<vmem>>[vector<16xi32>, vector<16xi32>], vector<16xf32>,
    %add3A_1264 = arith.addf %get3A_1255, %gather3A_1263 : vector<16xf32>
    %swap3A_1265 = arith.constant 176 : index
    %swap3A_1266 = tpu.vector_load %arg17[%swap3A_1265] {strides = array<i32>} : memref<512xf32, #tpu.memory_space<vmem>>, vector<16xf32>,
    tpu.vector_store %arg17[%swap3A_1265], %add3A_1264 {strides = array<i32>} : memref<512xf32, #tpu.memory_space<vmem>>, vector<16xf32>,
    %iota3A_1267 = tpu.iota {dimensions = array<i32: 0>} : vector<16xi32>
    %add3A_1268 = arith.constant 64 : i32
    %add3A_1269 = vector.broadcast %add3A_1268 : i32 to vector<16xi32>
    %add3A_1270 = arith.addi %iota3A_1267, %add3A_1269 : vector<16xi32>
    %get3A_1271 = arith.constant 192 : index
    %get3A_1272 = tpu.vector_load %arg17[%get3A_1271] {strides = array<i32>} : memref<512xf32, #tpu.memory_space<vmem>>, vector<16xf32>,
    %get3A_1273 = arith.constant 1 : i32
    %get3A_1274 = arith.index_cast %get3A_1273 : i32 to index
    %get3A_1275 = arith.constant 64 : index
    %get3A_1276 = tpu.vector_load %arg11[%get3A_1274, %get3A_1275] {strides = array<i32>} : memref<4x128xi32, #tpu.memory_space<vmem>>, vector<16xi32>,
    %and3A_1277 = arith.constant 127 : i32
    %and3A_1278 = vector.broadcast %and3A_1277 : i32 to vector<16xi32>
    %and3A_1279 = arith.andi %get3A_1276, %and3A_1278 : vector<16xi32>
    %gather3A_1280 = tpu.vector_load_idx %arg16[%add3A_1270, %and3A_1279] : memref<128x128xf32, #tpu.memory_space<vmem>>[vector<16xi32>, vector<16xi32>], vector<16xf32>,
    %add3A_1281 = arith.addf %get3A_1272, %gather3A_1280 : vector<16xf32>
    %swap3A_1282 = arith.constant 192 : index
    %swap3A_1283 = tpu.vector_load %arg17[%swap3A_1282] {strides = array<i32>} : memref<512xf32, #tpu.memory_space<vmem>>, vector<16xf32>,
    tpu.vector_store %arg17[%swap3A_1282], %add3A_1281 {strides = array<i32>} : memref<512xf32, #tpu.memory_space<vmem>>, vector<16xf32>,
    %iota3A_1284 = tpu.iota {dimensions = array<i32: 0>} : vector<16xi32>
    %add3A_1285 = arith.constant 80 : i32
    %add3A_1286 = vector.broadcast %add3A_1285 : i32 to vector<16xi32>
    %add3A_1287 = arith.addi %iota3A_1284, %add3A_1286 : vector<16xi32>
    %get3A_1288 = arith.constant 208 : index
    %get3A_1289 = tpu.vector_load %arg17[%get3A_1288] {strides = array<i32>} : memref<512xf32, #tpu.memory_space<vmem>>, vector<16xf32>,
    %get3A_1290 = arith.constant 1 : i32
    %get3A_1291 = arith.index_cast %get3A_1290 : i32 to index
    %get3A_1292 = arith.constant 80 : index
    %get3A_1293 = tpu.vector_load %arg11[%get3A_1291, %get3A_1292] {strides = array<i32>} : memref<4x128xi32, #tpu.memory_space<vmem>>, vector<16xi32>,
    %and3A_1294 = arith.constant 127 : i32
    %and3A_1295 = vector.broadcast %and3A_1294 : i32 to vector<16xi32>
    %and3A_1296 = arith.andi %get3A_1293, %and3A_1295 : vector<16xi32>
    %gather3A_1297 = tpu.vector_load_idx %arg16[%add3A_1287, %and3A_1296] : memref<128x128xf32, #tpu.memory_space<vmem>>[vector<16xi32>, vector<16xi32>], vector<16xf32>,
    %add3A_1298 = arith.addf %get3A_1289, %gather3A_1297 : vector<16xf32>
    %swap3A_1299 = arith.constant 208 : index
    %swap3A_1300 = tpu.vector_load %arg17[%swap3A_1299] {strides = array<i32>} : memref<512xf32, #tpu.memory_space<vmem>>, vector<16xf32>,
    tpu.vector_store %arg17[%swap3A_1299], %add3A_1298 {strides = array<i32>} : memref<512xf32, #tpu.memory_space<vmem>>, vector<16xf32>,
    %iota3A_1301 = tpu.iota {dimensions = array<i32: 0>} : vector<16xi32>
    %add3A_1302 = arith.constant 96 : i32
    %add3A_1303 = vector.broadcast %add3A_1302 : i32 to vector<16xi32>
    %add3A_1304 = arith.addi %iota3A_1301, %add3A_1303 : vector<16xi32>
    %get3A_1305 = arith.constant 224 : index
    %get3A_1306 = tpu.vector_load %arg17[%get3A_1305] {strides = array<i32>} : memref<512xf32, #tpu.memory_space<vmem>>, vector<16xf32>,
    %get3A_1307 = arith.constant 1 : i32
    %get3A_1308 = arith.index_cast %get3A_1307 : i32 to index
    %get3A_1309 = arith.constant 96 : index
    %get3A_1310 = tpu.vector_load %arg11[%get3A_1308, %get3A_1309] {strides = array<i32>} : memref<4x128xi32, #tpu.memory_space<vmem>>, vector<16xi32>,
    %and3A_1311 = arith.constant 127 : i32
    %and3A_1312 = vector.broadcast %and3A_1311 : i32 to vector<16xi32>
    %and3A_1313 = arith.andi %get3A_1310, %and3A_1312 : vector<16xi32>
    %gather3A_1314 = tpu.vector_load_idx %arg16[%add3A_1304, %and3A_1313] : memref<128x128xf32, #tpu.memory_space<vmem>>[vector<16xi32>, vector<16xi32>], vector<16xf32>,
    %add3A_1315 = arith.addf %get3A_1306, %gather3A_1314 : vector<16xf32>
    %swap3A_1316 = arith.constant 224 : index
    %swap3A_1317 = tpu.vector_load %arg17[%swap3A_1316] {strides = array<i32>} : memref<512xf32, #tpu.memory_space<vmem>>, vector<16xf32>,
    tpu.vector_store %arg17[%swap3A_1316], %add3A_1315 {strides = array<i32>} : memref<512xf32, #tpu.memory_space<vmem>>, vector<16xf32>,
    %iota3A_1318 = tpu.iota {dimensions = array<i32: 0>} : vector<16xi32>
    %add3A_1319 = arith.constant 112 : i32
    %add3A_1320 = vector.broadcast %add3A_1319 : i32 to vector<16xi32>
    %add3A_1321 = arith.addi %iota3A_1318, %add3A_1320 : vector<16xi32>
    %get3A_1322 = arith.constant 240 : index
    %get3A_1323 = tpu.vector_load %arg17[%get3A_1322] {strides = array<i32>} : memref<512xf32, #tpu.memory_space<vmem>>, vector<16xf32>,
    %get3A_1324 = arith.constant 1 : i32
    %get3A_1325 = arith.index_cast %get3A_1324 : i32 to index
    %get3A_1326 = arith.constant 112 : index
    %get3A_1327 = tpu.vector_load %arg11[%get3A_1325, %get3A_1326] {strides = array<i32>} : memref<4x128xi32, #tpu.memory_space<vmem>>, vector<16xi32>,
    %and3A_1328 = arith.constant 127 : i32
    %and3A_1329 = vector.broadcast %and3A_1328 : i32 to vector<16xi32>
    %and3A_1330 = arith.andi %get3A_1327, %and3A_1329 : vector<16xi32>
    %gather3A_1331 = tpu.vector_load_idx %arg16[%add3A_1321, %and3A_1330] : memref<128x128xf32, #tpu.memory_space<vmem>>[vector<16xi32>, vector<16xi32>], vector<16xf32>,
    %add3A_1332 = arith.addf %get3A_1323, %gather3A_1331 : vector<16xf32>
    %swap3A_1333 = arith.constant 240 : index
    %swap3A_1334 = tpu.vector_load %arg17[%swap3A_1333] {strides = array<i32>} : memref<512xf32, #tpu.memory_space<vmem>>, vector<16xf32>,
    tpu.vector_store %arg17[%swap3A_1333], %add3A_1332 {strides = array<i32>} : memref<512xf32, #tpu.memory_space<vmem>>, vector<16xf32>,
    %dma_start3A_1335 = arith.constant 2 : i32
    %dma_start3A_1336 = arith.constant 0 : i32
    %dma_start3A_1337 = tpu.memref_slice %arg12[%dma_start3A_1335, %dma_start3A_1336] : memref<4x128xi32, #tpu.memory_space<vmem>> -> memref<1x128xi32, #tpu.memory_space<vmem>>
    %dma_start3A_1338 = tpu.memref_squeeze %dma_start3A_1337 : memref<1x128xi32, #tpu.memory_space<vmem>> -> memref<128xi32, #tpu.memory_space<vmem>>
    %dma_start3A_1339 = arith.constant 0 : i32
    %dma_start3A_1340 = arith.constant 0 : i32
    %dma_start3A_1341 = tpu.memref_slice %arg6[%dma_start3A_1339, %dma_start3A_1340] : memref<7813x128xf32, #tpu.memory_space<hbm>> -> memref<7813x128xf32, #tpu.memory_space<hbm>>
    tpu.enqueue_indirect_dma source(%dma_start3A_1341 : memref<7813x128xf32, #tpu.memory_space<hbm>>) target(%arg16 : memref<128x128xf32, #tpu.memory_space<vmem>>) offsets(%dma_start3A_1338 : memref<128xi32, #tpu.memory_space<vmem>>) semaphore(%arg19 : memref<!tpu.dma_semaphore, #tpu.memory_space<semaphore_mem>>)
    %dma_wait3A_1342 = arith.constant 2 : i32
    %dma_wait3A_1343 = arith.constant 0 : i32
    %dma_wait3A_1344 = tpu.memref_slice %arg12[%dma_wait3A_1342, %dma_wait3A_1343] : memref<4x128xi32, #tpu.memory_space<vmem>> -> memref<1x128xi32, #tpu.memory_space<vmem>>
    %dma_wait3A_1345 = tpu.memref_squeeze %dma_wait3A_1344 : memref<1x128xi32, #tpu.memory_space<vmem>> -> memref<128xi32, #tpu.memory_space<vmem>>
    %dma_wait3A_1346 = arith.constant 0 : i32
    %dma_wait3A_1347 = arith.constant 0 : i32
    %dma_wait3A_1348 = tpu.memref_slice %arg6[%dma_wait3A_1346, %dma_wait3A_1347] : memref<7813x128xf32, #tpu.memory_space<hbm>> -> memref<7813x128xf32, #tpu.memory_space<hbm>>
    tpu.wait_indirect_dma semaphore(%arg19 : memref<!tpu.dma_semaphore, #tpu.memory_space<semaphore_mem>>) src(%dma_wait3A_1348 : memref<7813x128xf32, #tpu.memory_space<hbm>>) dst(%arg16 : memref<128x128xf32, #tpu.memory_space<vmem>>)
    %iota3A_1349 = tpu.iota {dimensions = array<i32: 0>} : vector<16xi32>
    %add3A_1350 = arith.constant 0 : i32
    %add3A_1351 = vector.broadcast %add3A_1350 : i32 to vector<16xi32>
    %add3A_1352 = arith.addi %iota3A_1349, %add3A_1351 : vector<16xi32>
    %get3A_1353 = arith.constant 2 : i32
    %get3A_1354 = arith.index_cast %get3A_1353 : i32 to index
    %get3A_1355 = arith.constant 0 : index
    %get3A_1356 = tpu.vector_load %arg10[%get3A_1354, %get3A_1355] {strides = array<i32>} : memref<4x128xi32, #tpu.memory_space<vmem>>, vector<16xi32>,
    %and3A_1357 = arith.constant 127 : i32
    %and3A_1358 = vector.broadcast %and3A_1357 : i32 to vector<16xi32>
    %and3A_1359 = arith.andi %get3A_1356, %and3A_1358 : vector<16xi32>
    %gather3A_1360 = tpu.vector_load_idx %arg16[%add3A_1352, %and3A_1359] : memref<128x128xf32, #tpu.memory_space<vmem>>[vector<16xi32>, vector<16xi32>], vector<16xf32>,
    %swap3A_1361 = arith.constant 256 : index
    %swap3A_1362 = tpu.vector_load %arg17[%swap3A_1361] {strides = array<i32>} : memref<512xf32, #tpu.memory_space<vmem>>, vector<16xf32>,
    tpu.vector_store %arg17[%swap3A_1361], %gather3A_1360 {strides = array<i32>} : memref<512xf32, #tpu.memory_space<vmem>>, vector<16xf32>,
    %iota3A_1363 = tpu.iota {dimensions = array<i32: 0>} : vector<16xi32>
    %add3A_1364 = arith.constant 16 : i32
    %add3A_1365 = vector.broadcast %add3A_1364 : i32 to vector<16xi32>
    %add3A_1366 = arith.addi %iota3A_1363, %add3A_1365 : vector<16xi32>
    %get3A_1367 = arith.constant 2 : i32
    %get3A_1368 = arith.index_cast %get3A_1367 : i32 to index
    %get3A_1369 = arith.constant 16 : index
    %get3A_1370 = tpu.vector_load %arg10[%get3A_1368, %get3A_1369] {strides = array<i32>} : memref<4x128xi32, #tpu.memory_space<vmem>>, vector<16xi32>,
    %and3A_1371 = arith.constant 127 : i32
    %and3A_1372 = vector.broadcast %and3A_1371 : i32 to vector<16xi32>
    %and3A_1373 = arith.andi %get3A_1370, %and3A_1372 : vector<16xi32>
    %gather3A_1374 = tpu.vector_load_idx %arg16[%add3A_1366, %and3A_1373] : memref<128x128xf32, #tpu.memory_space<vmem>>[vector<16xi32>, vector<16xi32>], vector<16xf32>,
    %swap3A_1375 = arith.constant 272 : index
    %swap3A_1376 = tpu.vector_load %arg17[%swap3A_1375] {strides = array<i32>} : memref<512xf32, #tpu.memory_space<vmem>>, vector<16xf32>,
    tpu.vector_store %arg17[%swap3A_1375], %gather3A_1374 {strides = array<i32>} : memref<512xf32, #tpu.memory_space<vmem>>, vector<16xf32>,
    %iota3A_1377 = tpu.iota {dimensions = array<i32: 0>} : vector<16xi32>
    %add3A_1378 = arith.constant 32 : i32
    %add3A_1379 = vector.broadcast %add3A_1378 : i32 to vector<16xi32>
    %add3A_1380 = arith.addi %iota3A_1377, %add3A_1379 : vector<16xi32>
    %get3A_1381 = arith.constant 2 : i32
    %get3A_1382 = arith.index_cast %get3A_1381 : i32 to index
    %get3A_1383 = arith.constant 32 : index
    %get3A_1384 = tpu.vector_load %arg10[%get3A_1382, %get3A_1383] {strides = array<i32>} : memref<4x128xi32, #tpu.memory_space<vmem>>, vector<16xi32>,
    %and3A_1385 = arith.constant 127 : i32
    %and3A_1386 = vector.broadcast %and3A_1385 : i32 to vector<16xi32>
    %and3A_1387 = arith.andi %get3A_1384, %and3A_1386 : vector<16xi32>
    %gather3A_1388 = tpu.vector_load_idx %arg16[%add3A_1380, %and3A_1387] : memref<128x128xf32, #tpu.memory_space<vmem>>[vector<16xi32>, vector<16xi32>], vector<16xf32>,
    %swap3A_1389 = arith.constant 288 : index
    %swap3A_1390 = tpu.vector_load %arg17[%swap3A_1389] {strides = array<i32>} : memref<512xf32, #tpu.memory_space<vmem>>, vector<16xf32>,
    tpu.vector_store %arg17[%swap3A_1389], %gather3A_1388 {strides = array<i32>} : memref<512xf32, #tpu.memory_space<vmem>>, vector<16xf32>,
    %iota3A_1391 = tpu.iota {dimensions = array<i32: 0>} : vector<16xi32>
    %add3A_1392 = arith.constant 48 : i32
    %add3A_1393 = vector.broadcast %add3A_1392 : i32 to vector<16xi32>
    %add3A_1394 = arith.addi %iota3A_1391, %add3A_1393 : vector<16xi32>
    %get3A_1395 = arith.constant 2 : i32
    %get3A_1396 = arith.index_cast %get3A_1395 : i32 to index
    %get3A_1397 = arith.constant 48 : index
    %get3A_1398 = tpu.vector_load %arg10[%get3A_1396, %get3A_1397] {strides = array<i32>} : memref<4x128xi32, #tpu.memory_space<vmem>>, vector<16xi32>,
    %and3A_1399 = arith.constant 127 : i32
    %and3A_1400 = vector.broadcast %and3A_1399 : i32 to vector<16xi32>
    %and3A_1401 = arith.andi %get3A_1398, %and3A_1400 : vector<16xi32>
    %gather3A_1402 = tpu.vector_load_idx %arg16[%add3A_1394, %and3A_1401] : memref<128x128xf32, #tpu.memory_space<vmem>>[vector<16xi32>, vector<16xi32>], vector<16xf32>,
    %swap3A_1403 = arith.constant 304 : index
    %swap3A_1404 = tpu.vector_load %arg17[%swap3A_1403] {strides = array<i32>} : memref<512xf32, #tpu.memory_space<vmem>>, vector<16xf32>,
    tpu.vector_store %arg17[%swap3A_1403], %gather3A_1402 {strides = array<i32>} : memref<512xf32, #tpu.memory_space<vmem>>, vector<16xf32>,
    %iota3A_1405 = tpu.iota {dimensions = array<i32: 0>} : vector<16xi32>
    %add3A_1406 = arith.constant 64 : i32
    %add3A_1407 = vector.broadcast %add3A_1406 : i32 to vector<16xi32>
    %add3A_1408 = arith.addi %iota3A_1405, %add3A_1407 : vector<16xi32>
    %get3A_1409 = arith.constant 2 : i32
    %get3A_1410 = arith.index_cast %get3A_1409 : i32 to index
    %get3A_1411 = arith.constant 64 : index
    %get3A_1412 = tpu.vector_load %arg10[%get3A_1410, %get3A_1411] {strides = array<i32>} : memref<4x128xi32, #tpu.memory_space<vmem>>, vector<16xi32>,
    %and3A_1413 = arith.constant 127 : i32
    %and3A_1414 = vector.broadcast %and3A_1413 : i32 to vector<16xi32>
    %and3A_1415 = arith.andi %get3A_1412, %and3A_1414 : vector<16xi32>
    %gather3A_1416 = tpu.vector_load_idx %arg16[%add3A_1408, %and3A_1415] : memref<128x128xf32, #tpu.memory_space<vmem>>[vector<16xi32>, vector<16xi32>], vector<16xf32>,
    %swap3A_1417 = arith.constant 320 : index
    %swap3A_1418 = tpu.vector_load %arg17[%swap3A_1417] {strides = array<i32>} : memref<512xf32, #tpu.memory_space<vmem>>, vector<16xf32>,
    tpu.vector_store %arg17[%swap3A_1417], %gather3A_1416 {strides = array<i32>} : memref<512xf32, #tpu.memory_space<vmem>>, vector<16xf32>,
    %iota3A_1419 = tpu.iota {dimensions = array<i32: 0>} : vector<16xi32>
    %add3A_1420 = arith.constant 80 : i32
    %add3A_1421 = vector.broadcast %add3A_1420 : i32 to vector<16xi32>
    %add3A_1422 = arith.addi %iota3A_1419, %add3A_1421 : vector<16xi32>
    %get3A_1423 = arith.constant 2 : i32
    %get3A_1424 = arith.index_cast %get3A_1423 : i32 to index
    %get3A_1425 = arith.constant 80 : index
    %get3A_1426 = tpu.vector_load %arg10[%get3A_1424, %get3A_1425] {strides = array<i32>} : memref<4x128xi32, #tpu.memory_space<vmem>>, vector<16xi32>,
    %and3A_1427 = arith.constant 127 : i32
    %and3A_1428 = vector.broadcast %and3A_1427 : i32 to vector<16xi32>
    %and3A_1429 = arith.andi %get3A_1426, %and3A_1428 : vector<16xi32>
    %gather3A_1430 = tpu.vector_load_idx %arg16[%add3A_1422, %and3A_1429] : memref<128x128xf32, #tpu.memory_space<vmem>>[vector<16xi32>, vector<16xi32>], vector<16xf32>,
    %swap3A_1431 = arith.constant 336 : index
    %swap3A_1432 = tpu.vector_load %arg17[%swap3A_1431] {strides = array<i32>} : memref<512xf32, #tpu.memory_space<vmem>>, vector<16xf32>,
    tpu.vector_store %arg17[%swap3A_1431], %gather3A_1430 {strides = array<i32>} : memref<512xf32, #tpu.memory_space<vmem>>, vector<16xf32>,
    %iota3A_1433 = tpu.iota {dimensions = array<i32: 0>} : vector<16xi32>
    %add3A_1434 = arith.constant 96 : i32
    %add3A_1435 = vector.broadcast %add3A_1434 : i32 to vector<16xi32>
    %add3A_1436 = arith.addi %iota3A_1433, %add3A_1435 : vector<16xi32>
    %get3A_1437 = arith.constant 2 : i32
    %get3A_1438 = arith.index_cast %get3A_1437 : i32 to index
    %get3A_1439 = arith.constant 96 : index
    %get3A_1440 = tpu.vector_load %arg10[%get3A_1438, %get3A_1439] {strides = array<i32>} : memref<4x128xi32, #tpu.memory_space<vmem>>, vector<16xi32>,
    %and3A_1441 = arith.constant 127 : i32
    %and3A_1442 = vector.broadcast %and3A_1441 : i32 to vector<16xi32>
    %and3A_1443 = arith.andi %get3A_1440, %and3A_1442 : vector<16xi32>
    %gather3A_1444 = tpu.vector_load_idx %arg16[%add3A_1436, %and3A_1443] : memref<128x128xf32, #tpu.memory_space<vmem>>[vector<16xi32>, vector<16xi32>], vector<16xf32>,
    %swap3A_1445 = arith.constant 352 : index
    %swap3A_1446 = tpu.vector_load %arg17[%swap3A_1445] {strides = array<i32>} : memref<512xf32, #tpu.memory_space<vmem>>, vector<16xf32>,
    tpu.vector_store %arg17[%swap3A_1445], %gather3A_1444 {strides = array<i32>} : memref<512xf32, #tpu.memory_space<vmem>>, vector<16xf32>,
    %iota3A_1447 = tpu.iota {dimensions = array<i32: 0>} : vector<16xi32>
    %add3A_1448 = arith.constant 112 : i32
    %add3A_1449 = vector.broadcast %add3A_1448 : i32 to vector<16xi32>
    %add3A_1450 = arith.addi %iota3A_1447, %add3A_1449 : vector<16xi32>
    %get3A_1451 = arith.constant 2 : i32
    %get3A_1452 = arith.index_cast %get3A_1451 : i32 to index
    %get3A_1453 = arith.constant 112 : index
    %get3A_1454 = tpu.vector_load %arg10[%get3A_1452, %get3A_1453] {strides = array<i32>} : memref<4x128xi32, #tpu.memory_space<vmem>>, vector<16xi32>,
    %and3A_1455 = arith.constant 127 : i32
    %and3A_1456 = vector.broadcast %and3A_1455 : i32 to vector<16xi32>
    %and3A_1457 = arith.andi %get3A_1454, %and3A_1456 : vector<16xi32>
    %gather3A_1458 = tpu.vector_load_idx %arg16[%add3A_1450, %and3A_1457] : memref<128x128xf32, #tpu.memory_space<vmem>>[vector<16xi32>, vector<16xi32>], vector<16xf32>,
    %swap3A_1459 = arith.constant 368 : index
    %swap3A_1460 = tpu.vector_load %arg17[%swap3A_1459] {strides = array<i32>} : memref<512xf32, #tpu.memory_space<vmem>>, vector<16xf32>,
    tpu.vector_store %arg17[%swap3A_1459], %gather3A_1458 {strides = array<i32>} : memref<512xf32, #tpu.memory_space<vmem>>, vector<16xf32>,
    %dma_start3A_1461 = arith.constant 2 : i32
    %dma_start3A_1462 = arith.constant 0 : i32
    %dma_start3A_1463 = tpu.memref_slice %arg13[%dma_start3A_1461, %dma_start3A_1462] : memref<4x128xi32, #tpu.memory_space<vmem>> -> memref<1x128xi32, #tpu.memory_space<vmem>>
    %dma_start3A_1464 = tpu.memref_squeeze %dma_start3A_1463 : memref<1x128xi32, #tpu.memory_space<vmem>> -> memref<128xi32, #tpu.memory_space<vmem>>
    %dma_start3A_1465 = arith.constant 0 : i32
    %dma_start3A_1466 = arith.constant 0 : i32
    %dma_start3A_1467 = tpu.memref_slice %arg7[%dma_start3A_1465, %dma_start3A_1466] : memref<7813x128xf32, #tpu.memory_space<hbm>> -> memref<7813x128xf32, #tpu.memory_space<hbm>>
    tpu.enqueue_indirect_dma source(%dma_start3A_1467 : memref<7813x128xf32, #tpu.memory_space<hbm>>) target(%arg16 : memref<128x128xf32, #tpu.memory_space<vmem>>) offsets(%dma_start3A_1464 : memref<128xi32, #tpu.memory_space<vmem>>) semaphore(%arg19 : memref<!tpu.dma_semaphore, #tpu.memory_space<semaphore_mem>>)
    %dma_wait3A_1468 = arith.constant 2 : i32
    %dma_wait3A_1469 = arith.constant 0 : i32
    %dma_wait3A_1470 = tpu.memref_slice %arg13[%dma_wait3A_1468, %dma_wait3A_1469] : memref<4x128xi32, #tpu.memory_space<vmem>> -> memref<1x128xi32, #tpu.memory_space<vmem>>
    %dma_wait3A_1471 = tpu.memref_squeeze %dma_wait3A_1470 : memref<1x128xi32, #tpu.memory_space<vmem>> -> memref<128xi32, #tpu.memory_space<vmem>>
    %dma_wait3A_1472 = arith.constant 0 : i32
    %dma_wait3A_1473 = arith.constant 0 : i32
    %dma_wait3A_1474 = tpu.memref_slice %arg7[%dma_wait3A_1472, %dma_wait3A_1473] : memref<7813x128xf32, #tpu.memory_space<hbm>> -> memref<7813x128xf32, #tpu.memory_space<hbm>>
    tpu.wait_indirect_dma semaphore(%arg19 : memref<!tpu.dma_semaphore, #tpu.memory_space<semaphore_mem>>) src(%dma_wait3A_1474 : memref<7813x128xf32, #tpu.memory_space<hbm>>) dst(%arg16 : memref<128x128xf32, #tpu.memory_space<vmem>>)
    %iota3A_1475 = tpu.iota {dimensions = array<i32: 0>} : vector<16xi32>
    %add3A_1476 = arith.constant 0 : i32
    %add3A_1477 = vector.broadcast %add3A_1476 : i32 to vector<16xi32>
    %add3A_1478 = arith.addi %iota3A_1475, %add3A_1477 : vector<16xi32>
    %get3A_1479 = arith.constant 256 : index
    %get3A_1480 = tpu.vector_load %arg17[%get3A_1479] {strides = array<i32>} : memref<512xf32, #tpu.memory_space<vmem>>, vector<16xf32>,
    %get3A_1481 = arith.constant 2 : i32
    %get3A_1482 = arith.index_cast %get3A_1481 : i32 to index
    %get3A_1483 = arith.constant 0 : index
    %get3A_1484 = tpu.vector_load %arg11[%get3A_1482, %get3A_1483] {strides = array<i32>} : memref<4x128xi32, #tpu.memory_space<vmem>>, vector<16xi32>,
    %and3A_1485 = arith.constant 127 : i32
    %and3A_1486 = vector.broadcast %and3A_1485 : i32 to vector<16xi32>
    %and3A_1487 = arith.andi %get3A_1484, %and3A_1486 : vector<16xi32>
    %gather3A_1488 = tpu.vector_load_idx %arg16[%add3A_1478, %and3A_1487] : memref<128x128xf32, #tpu.memory_space<vmem>>[vector<16xi32>, vector<16xi32>], vector<16xf32>,
    %add3A_1489 = arith.addf %get3A_1480, %gather3A_1488 : vector<16xf32>
    %swap3A_1490 = arith.constant 256 : index
    %swap3A_1491 = tpu.vector_load %arg17[%swap3A_1490] {strides = array<i32>} : memref<512xf32, #tpu.memory_space<vmem>>, vector<16xf32>,
    tpu.vector_store %arg17[%swap3A_1490], %add3A_1489 {strides = array<i32>} : memref<512xf32, #tpu.memory_space<vmem>>, vector<16xf32>,
    %iota3A_1492 = tpu.iota {dimensions = array<i32: 0>} : vector<16xi32>
    %add3A_1493 = arith.constant 16 : i32
    %add3A_1494 = vector.broadcast %add3A_1493 : i32 to vector<16xi32>
    %add3A_1495 = arith.addi %iota3A_1492, %add3A_1494 : vector<16xi32>
    %get3A_1496 = arith.constant 272 : index
    %get3A_1497 = tpu.vector_load %arg17[%get3A_1496] {strides = array<i32>} : memref<512xf32, #tpu.memory_space<vmem>>, vector<16xf32>,
    %get3A_1498 = arith.constant 2 : i32
    %get3A_1499 = arith.index_cast %get3A_1498 : i32 to index
    %get3A_1500 = arith.constant 16 : index
    %get3A_1501 = tpu.vector_load %arg11[%get3A_1499, %get3A_1500] {strides = array<i32>} : memref<4x128xi32, #tpu.memory_space<vmem>>, vector<16xi32>,
    %and3A_1502 = arith.constant 127 : i32
    %and3A_1503 = vector.broadcast %and3A_1502 : i32 to vector<16xi32>
    %and3A_1504 = arith.andi %get3A_1501, %and3A_1503 : vector<16xi32>
    %gather3A_1505 = tpu.vector_load_idx %arg16[%add3A_1495, %and3A_1504] : memref<128x128xf32, #tpu.memory_space<vmem>>[vector<16xi32>, vector<16xi32>], vector<16xf32>,
    %add3A_1506 = arith.addf %get3A_1497, %gather3A_1505 : vector<16xf32>
    %swap3A_1507 = arith.constant 272 : index
    %swap3A_1508 = tpu.vector_load %arg17[%swap3A_1507] {strides = array<i32>} : memref<512xf32, #tpu.memory_space<vmem>>, vector<16xf32>,
    tpu.vector_store %arg17[%swap3A_1507], %add3A_1506 {strides = array<i32>} : memref<512xf32, #tpu.memory_space<vmem>>, vector<16xf32>,
    %iota3A_1509 = tpu.iota {dimensions = array<i32: 0>} : vector<16xi32>
    %add3A_1510 = arith.constant 32 : i32
    %add3A_1511 = vector.broadcast %add3A_1510 : i32 to vector<16xi32>
    %add3A_1512 = arith.addi %iota3A_1509, %add3A_1511 : vector<16xi32>
    %get3A_1513 = arith.constant 288 : index
    %get3A_1514 = tpu.vector_load %arg17[%get3A_1513] {strides = array<i32>} : memref<512xf32, #tpu.memory_space<vmem>>, vector<16xf32>,
    %get3A_1515 = arith.constant 2 : i32
    %get3A_1516 = arith.index_cast %get3A_1515 : i32 to index
    %get3A_1517 = arith.constant 32 : index
    %get3A_1518 = tpu.vector_load %arg11[%get3A_1516, %get3A_1517] {strides = array<i32>} : memref<4x128xi32, #tpu.memory_space<vmem>>, vector<16xi32>,
    %and3A_1519 = arith.constant 127 : i32
    %and3A_1520 = vector.broadcast %and3A_1519 : i32 to vector<16xi32>
    %and3A_1521 = arith.andi %get3A_1518, %and3A_1520 : vector<16xi32>
    %gather3A_1522 = tpu.vector_load_idx %arg16[%add3A_1512, %and3A_1521] : memref<128x128xf32, #tpu.memory_space<vmem>>[vector<16xi32>, vector<16xi32>], vector<16xf32>,
    %add3A_1523 = arith.addf %get3A_1514, %gather3A_1522 : vector<16xf32>
    %swap3A_1524 = arith.constant 288 : index
    %swap3A_1525 = tpu.vector_load %arg17[%swap3A_1524] {strides = array<i32>} : memref<512xf32, #tpu.memory_space<vmem>>, vector<16xf32>,
    tpu.vector_store %arg17[%swap3A_1524], %add3A_1523 {strides = array<i32>} : memref<512xf32, #tpu.memory_space<vmem>>, vector<16xf32>,
    %iota3A_1526 = tpu.iota {dimensions = array<i32: 0>} : vector<16xi32>
    %add3A_1527 = arith.constant 48 : i32
    %add3A_1528 = vector.broadcast %add3A_1527 : i32 to vector<16xi32>
    %add3A_1529 = arith.addi %iota3A_1526, %add3A_1528 : vector<16xi32>
    %get3A_1530 = arith.constant 304 : index
    %get3A_1531 = tpu.vector_load %arg17[%get3A_1530] {strides = array<i32>} : memref<512xf32, #tpu.memory_space<vmem>>, vector<16xf32>,
    %get3A_1532 = arith.constant 2 : i32
    %get3A_1533 = arith.index_cast %get3A_1532 : i32 to index
    %get3A_1534 = arith.constant 48 : index
    %get3A_1535 = tpu.vector_load %arg11[%get3A_1533, %get3A_1534] {strides = array<i32>} : memref<4x128xi32, #tpu.memory_space<vmem>>, vector<16xi32>,
    %and3A_1536 = arith.constant 127 : i32
    %and3A_1537 = vector.broadcast %and3A_1536 : i32 to vector<16xi32>
    %and3A_1538 = arith.andi %get3A_1535, %and3A_1537 : vector<16xi32>
    %gather3A_1539 = tpu.vector_load_idx %arg16[%add3A_1529, %and3A_1538] : memref<128x128xf32, #tpu.memory_space<vmem>>[vector<16xi32>, vector<16xi32>], vector<16xf32>,
    %add3A_1540 = arith.addf %get3A_1531, %gather3A_1539 : vector<16xf32>
    %swap3A_1541 = arith.constant 304 : index
    %swap3A_1542 = tpu.vector_load %arg17[%swap3A_1541] {strides = array<i32>} : memref<512xf32, #tpu.memory_space<vmem>>, vector<16xf32>,
    tpu.vector_store %arg17[%swap3A_1541], %add3A_1540 {strides = array<i32>} : memref<512xf32, #tpu.memory_space<vmem>>, vector<16xf32>,
    %iota3A_1543 = tpu.iota {dimensions = array<i32: 0>} : vector<16xi32>
    %add3A_1544 = arith.constant 64 : i32
    %add3A_1545 = vector.broadcast %add3A_1544 : i32 to vector<16xi32>
    %add3A_1546 = arith.addi %iota3A_1543, %add3A_1545 : vector<16xi32>
    %get3A_1547 = arith.constant 320 : index
    %get3A_1548 = tpu.vector_load %arg17[%get3A_1547] {strides = array<i32>} : memref<512xf32, #tpu.memory_space<vmem>>, vector<16xf32>,
    %get3A_1549 = arith.constant 2 : i32
    %get3A_1550 = arith.index_cast %get3A_1549 : i32 to index
    %get3A_1551 = arith.constant 64 : index
    %get3A_1552 = tpu.vector_load %arg11[%get3A_1550, %get3A_1551] {strides = array<i32>} : memref<4x128xi32, #tpu.memory_space<vmem>>, vector<16xi32>,
    %and3A_1553 = arith.constant 127 : i32
    %and3A_1554 = vector.broadcast %and3A_1553 : i32 to vector<16xi32>
    %and3A_1555 = arith.andi %get3A_1552, %and3A_1554 : vector<16xi32>
    %gather3A_1556 = tpu.vector_load_idx %arg16[%add3A_1546, %and3A_1555] : memref<128x128xf32, #tpu.memory_space<vmem>>[vector<16xi32>, vector<16xi32>], vector<16xf32>,
    %add3A_1557 = arith.addf %get3A_1548, %gather3A_1556 : vector<16xf32>
    %swap3A_1558 = arith.constant 320 : index
    %swap3A_1559 = tpu.vector_load %arg17[%swap3A_1558] {strides = array<i32>} : memref<512xf32, #tpu.memory_space<vmem>>, vector<16xf32>,
    tpu.vector_store %arg17[%swap3A_1558], %add3A_1557 {strides = array<i32>} : memref<512xf32, #tpu.memory_space<vmem>>, vector<16xf32>,
    %iota3A_1560 = tpu.iota {dimensions = array<i32: 0>} : vector<16xi32>
    %add3A_1561 = arith.constant 80 : i32
    %add3A_1562 = vector.broadcast %add3A_1561 : i32 to vector<16xi32>
    %add3A_1563 = arith.addi %iota3A_1560, %add3A_1562 : vector<16xi32>
    %get3A_1564 = arith.constant 336 : index
    %get3A_1565 = tpu.vector_load %arg17[%get3A_1564] {strides = array<i32>} : memref<512xf32, #tpu.memory_space<vmem>>, vector<16xf32>,
    %get3A_1566 = arith.constant 2 : i32
    %get3A_1567 = arith.index_cast %get3A_1566 : i32 to index
    %get3A_1568 = arith.constant 80 : index
    %get3A_1569 = tpu.vector_load %arg11[%get3A_1567, %get3A_1568] {strides = array<i32>} : memref<4x128xi32, #tpu.memory_space<vmem>>, vector<16xi32>,
    %and3A_1570 = arith.constant 127 : i32
    %and3A_1571 = vector.broadcast %and3A_1570 : i32 to vector<16xi32>
    %and3A_1572 = arith.andi %get3A_1569, %and3A_1571 : vector<16xi32>
    %gather3A_1573 = tpu.vector_load_idx %arg16[%add3A_1563, %and3A_1572] : memref<128x128xf32, #tpu.memory_space<vmem>>[vector<16xi32>, vector<16xi32>], vector<16xf32>,
    %add3A_1574 = arith.addf %get3A_1565, %gather3A_1573 : vector<16xf32>
    %swap3A_1575 = arith.constant 336 : index
    %swap3A_1576 = tpu.vector_load %arg17[%swap3A_1575] {strides = array<i32>} : memref<512xf32, #tpu.memory_space<vmem>>, vector<16xf32>,
    tpu.vector_store %arg17[%swap3A_1575], %add3A_1574 {strides = array<i32>} : memref<512xf32, #tpu.memory_space<vmem>>, vector<16xf32>,
    %iota3A_1577 = tpu.iota {dimensions = array<i32: 0>} : vector<16xi32>
    %add3A_1578 = arith.constant 96 : i32
    %add3A_1579 = vector.broadcast %add3A_1578 : i32 to vector<16xi32>
    %add3A_1580 = arith.addi %iota3A_1577, %add3A_1579 : vector<16xi32>
    %get3A_1581 = arith.constant 352 : index
    %get3A_1582 = tpu.vector_load %arg17[%get3A_1581] {strides = array<i32>} : memref<512xf32, #tpu.memory_space<vmem>>, vector<16xf32>,
    %get3A_1583 = arith.constant 2 : i32
    %get3A_1584 = arith.index_cast %get3A_1583 : i32 to index
    %get3A_1585 = arith.constant 96 : index
    %get3A_1586 = tpu.vector_load %arg11[%get3A_1584, %get3A_1585] {strides = array<i32>} : memref<4x128xi32, #tpu.memory_space<vmem>>, vector<16xi32>,
    %and3A_1587 = arith.constant 127 : i32
    %and3A_1588 = vector.broadcast %and3A_1587 : i32 to vector<16xi32>
    %and3A_1589 = arith.andi %get3A_1586, %and3A_1588 : vector<16xi32>
    %gather3A_1590 = tpu.vector_load_idx %arg16[%add3A_1580, %and3A_1589] : memref<128x128xf32, #tpu.memory_space<vmem>>[vector<16xi32>, vector<16xi32>], vector<16xf32>,
    %add3A_1591 = arith.addf %get3A_1582, %gather3A_1590 : vector<16xf32>
    %swap3A_1592 = arith.constant 352 : index
    %swap3A_1593 = tpu.vector_load %arg17[%swap3A_1592] {strides = array<i32>} : memref<512xf32, #tpu.memory_space<vmem>>, vector<16xf32>,
    tpu.vector_store %arg17[%swap3A_1592], %add3A_1591 {strides = array<i32>} : memref<512xf32, #tpu.memory_space<vmem>>, vector<16xf32>,
    %iota3A_1594 = tpu.iota {dimensions = array<i32: 0>} : vector<16xi32>
    %add3A_1595 = arith.constant 112 : i32
    %add3A_1596 = vector.broadcast %add3A_1595 : i32 to vector<16xi32>
    %add3A_1597 = arith.addi %iota3A_1594, %add3A_1596 : vector<16xi32>
    %get3A_1598 = arith.constant 368 : index
    %get3A_1599 = tpu.vector_load %arg17[%get3A_1598] {strides = array<i32>} : memref<512xf32, #tpu.memory_space<vmem>>, vector<16xf32>,
    %get3A_1600 = arith.constant 2 : i32
    %get3A_1601 = arith.index_cast %get3A_1600 : i32 to index
    %get3A_1602 = arith.constant 112 : index
    %get3A_1603 = tpu.vector_load %arg11[%get3A_1601, %get3A_1602] {strides = array<i32>} : memref<4x128xi32, #tpu.memory_space<vmem>>, vector<16xi32>,
    %and3A_1604 = arith.constant 127 : i32
    %and3A_1605 = vector.broadcast %and3A_1604 : i32 to vector<16xi32>
    %and3A_1606 = arith.andi %get3A_1603, %and3A_1605 : vector<16xi32>
    %gather3A_1607 = tpu.vector_load_idx %arg16[%add3A_1597, %and3A_1606] : memref<128x128xf32, #tpu.memory_space<vmem>>[vector<16xi32>, vector<16xi32>], vector<16xf32>,
    %add3A_1608 = arith.addf %get3A_1599, %gather3A_1607 : vector<16xf32>
    %swap3A_1609 = arith.constant 368 : index
    %swap3A_1610 = tpu.vector_load %arg17[%swap3A_1609] {strides = array<i32>} : memref<512xf32, #tpu.memory_space<vmem>>, vector<16xf32>,
    tpu.vector_store %arg17[%swap3A_1609], %add3A_1608 {strides = array<i32>} : memref<512xf32, #tpu.memory_space<vmem>>, vector<16xf32>,
    %dma_start3A_1611 = arith.constant 3 : i32
    %dma_start3A_1612 = arith.constant 0 : i32
    %dma_start3A_1613 = tpu.memref_slice %arg12[%dma_start3A_1611, %dma_start3A_1612] : memref<4x128xi32, #tpu.memory_space<vmem>> -> memref<1x128xi32, #tpu.memory_space<vmem>>
    %dma_start3A_1614 = tpu.memref_squeeze %dma_start3A_1613 : memref<1x128xi32, #tpu.memory_space<vmem>> -> memref<128xi32, #tpu.memory_space<vmem>>
    %dma_start3A_1615 = arith.constant 0 : i32
    %dma_start3A_1616 = arith.constant 0 : i32
    %dma_start3A_1617 = tpu.memref_slice %arg6[%dma_start3A_1615, %dma_start3A_1616] : memref<7813x128xf32, #tpu.memory_space<hbm>> -> memref<7813x128xf32, #tpu.memory_space<hbm>>
    tpu.enqueue_indirect_dma source(%dma_start3A_1617 : memref<7813x128xf32, #tpu.memory_space<hbm>>) target(%arg16 : memref<128x128xf32, #tpu.memory_space<vmem>>) offsets(%dma_start3A_1614 : memref<128xi32, #tpu.memory_space<vmem>>) semaphore(%arg19 : memref<!tpu.dma_semaphore, #tpu.memory_space<semaphore_mem>>)
    %dma_wait3A_1618 = arith.constant 3 : i32
    %dma_wait3A_1619 = arith.constant 0 : i32
    %dma_wait3A_1620 = tpu.memref_slice %arg12[%dma_wait3A_1618, %dma_wait3A_1619] : memref<4x128xi32, #tpu.memory_space<vmem>> -> memref<1x128xi32, #tpu.memory_space<vmem>>
    %dma_wait3A_1621 = tpu.memref_squeeze %dma_wait3A_1620 : memref<1x128xi32, #tpu.memory_space<vmem>> -> memref<128xi32, #tpu.memory_space<vmem>>
    %dma_wait3A_1622 = arith.constant 0 : i32
    %dma_wait3A_1623 = arith.constant 0 : i32
    %dma_wait3A_1624 = tpu.memref_slice %arg6[%dma_wait3A_1622, %dma_wait3A_1623] : memref<7813x128xf32, #tpu.memory_space<hbm>> -> memref<7813x128xf32, #tpu.memory_space<hbm>>
    tpu.wait_indirect_dma semaphore(%arg19 : memref<!tpu.dma_semaphore, #tpu.memory_space<semaphore_mem>>) src(%dma_wait3A_1624 : memref<7813x128xf32, #tpu.memory_space<hbm>>) dst(%arg16 : memref<128x128xf32, #tpu.memory_space<vmem>>)
    %iota3A_1625 = tpu.iota {dimensions = array<i32: 0>} : vector<16xi32>
    %add3A_1626 = arith.constant 0 : i32
    %add3A_1627 = vector.broadcast %add3A_1626 : i32 to vector<16xi32>
    %add3A_1628 = arith.addi %iota3A_1625, %add3A_1627 : vector<16xi32>
    %get3A_1629 = arith.constant 3 : i32
    %get3A_1630 = arith.index_cast %get3A_1629 : i32 to index
    %get3A_1631 = arith.constant 0 : index
    %get3A_1632 = tpu.vector_load %arg10[%get3A_1630, %get3A_1631] {strides = array<i32>} : memref<4x128xi32, #tpu.memory_space<vmem>>, vector<16xi32>,
    %and3A_1633 = arith.constant 127 : i32
    %and3A_1634 = vector.broadcast %and3A_1633 : i32 to vector<16xi32>
    %and3A_1635 = arith.andi %get3A_1632, %and3A_1634 : vector<16xi32>
    %gather3A_1636 = tpu.vector_load_idx %arg16[%add3A_1628, %and3A_1635] : memref<128x128xf32, #tpu.memory_space<vmem>>[vector<16xi32>, vector<16xi32>], vector<16xf32>,
    %swap3A_1637 = arith.constant 384 : index
    %swap3A_1638 = tpu.vector_load %arg17[%swap3A_1637] {strides = array<i32>} : memref<512xf32, #tpu.memory_space<vmem>>, vector<16xf32>,
    tpu.vector_store %arg17[%swap3A_1637], %gather3A_1636 {strides = array<i32>} : memref<512xf32, #tpu.memory_space<vmem>>, vector<16xf32>,
    %iota3A_1639 = tpu.iota {dimensions = array<i32: 0>} : vector<16xi32>
    %add3A_1640 = arith.constant 16 : i32
    %add3A_1641 = vector.broadcast %add3A_1640 : i32 to vector<16xi32>
    %add3A_1642 = arith.addi %iota3A_1639, %add3A_1641 : vector<16xi32>
    %get3A_1643 = arith.constant 3 : i32
    %get3A_1644 = arith.index_cast %get3A_1643 : i32 to index
    %get3A_1645 = arith.constant 16 : index
    %get3A_1646 = tpu.vector_load %arg10[%get3A_1644, %get3A_1645] {strides = array<i32>} : memref<4x128xi32, #tpu.memory_space<vmem>>, vector<16xi32>,
    %and3A_1647 = arith.constant 127 : i32
    %and3A_1648 = vector.broadcast %and3A_1647 : i32 to vector<16xi32>
    %and3A_1649 = arith.andi %get3A_1646, %and3A_1648 : vector<16xi32>
    %gather3A_1650 = tpu.vector_load_idx %arg16[%add3A_1642, %and3A_1649] : memref<128x128xf32, #tpu.memory_space<vmem>>[vector<16xi32>, vector<16xi32>], vector<16xf32>,
    %swap3A_1651 = arith.constant 400 : index
    %swap3A_1652 = tpu.vector_load %arg17[%swap3A_1651] {strides = array<i32>} : memref<512xf32, #tpu.memory_space<vmem>>, vector<16xf32>,
    tpu.vector_store %arg17[%swap3A_1651], %gather3A_1650 {strides = array<i32>} : memref<512xf32, #tpu.memory_space<vmem>>, vector<16xf32>,
    %iota3A_1653 = tpu.iota {dimensions = array<i32: 0>} : vector<16xi32>
    %add3A_1654 = arith.constant 32 : i32
    %add3A_1655 = vector.broadcast %add3A_1654 : i32 to vector<16xi32>
    %add3A_1656 = arith.addi %iota3A_1653, %add3A_1655 : vector<16xi32>
    %get3A_1657 = arith.constant 3 : i32
    %get3A_1658 = arith.index_cast %get3A_1657 : i32 to index
    %get3A_1659 = arith.constant 32 : index
    %get3A_1660 = tpu.vector_load %arg10[%get3A_1658, %get3A_1659] {strides = array<i32>} : memref<4x128xi32, #tpu.memory_space<vmem>>, vector<16xi32>,
    %and3A_1661 = arith.constant 127 : i32
    %and3A_1662 = vector.broadcast %and3A_1661 : i32 to vector<16xi32>
    %and3A_1663 = arith.andi %get3A_1660, %and3A_1662 : vector<16xi32>
    %gather3A_1664 = tpu.vector_load_idx %arg16[%add3A_1656, %and3A_1663] : memref<128x128xf32, #tpu.memory_space<vmem>>[vector<16xi32>, vector<16xi32>], vector<16xf32>,
    %swap3A_1665 = arith.constant 416 : index
    %swap3A_1666 = tpu.vector_load %arg17[%swap3A_1665] {strides = array<i32>} : memref<512xf32, #tpu.memory_space<vmem>>, vector<16xf32>,
    tpu.vector_store %arg17[%swap3A_1665], %gather3A_1664 {strides = array<i32>} : memref<512xf32, #tpu.memory_space<vmem>>, vector<16xf32>,
    %iota3A_1667 = tpu.iota {dimensions = array<i32: 0>} : vector<16xi32>
    %add3A_1668 = arith.constant 48 : i32
    %add3A_1669 = vector.broadcast %add3A_1668 : i32 to vector<16xi32>
    %add3A_1670 = arith.addi %iota3A_1667, %add3A_1669 : vector<16xi32>
    %get3A_1671 = arith.constant 3 : i32
    %get3A_1672 = arith.index_cast %get3A_1671 : i32 to index
    %get3A_1673 = arith.constant 48 : index
    %get3A_1674 = tpu.vector_load %arg10[%get3A_1672, %get3A_1673] {strides = array<i32>} : memref<4x128xi32, #tpu.memory_space<vmem>>, vector<16xi32>,
    %and3A_1675 = arith.constant 127 : i32
    %and3A_1676 = vector.broadcast %and3A_1675 : i32 to vector<16xi32>
    %and3A_1677 = arith.andi %get3A_1674, %and3A_1676 : vector<16xi32>
    %gather3A_1678 = tpu.vector_load_idx %arg16[%add3A_1670, %and3A_1677] : memref<128x128xf32, #tpu.memory_space<vmem>>[vector<16xi32>, vector<16xi32>], vector<16xf32>,
    %swap3A_1679 = arith.constant 432 : index
    %swap3A_1680 = tpu.vector_load %arg17[%swap3A_1679] {strides = array<i32>} : memref<512xf32, #tpu.memory_space<vmem>>, vector<16xf32>,
    tpu.vector_store %arg17[%swap3A_1679], %gather3A_1678 {strides = array<i32>} : memref<512xf32, #tpu.memory_space<vmem>>, vector<16xf32>,
    %iota3A_1681 = tpu.iota {dimensions = array<i32: 0>} : vector<16xi32>
    %add3A_1682 = arith.constant 64 : i32
    %add3A_1683 = vector.broadcast %add3A_1682 : i32 to vector<16xi32>
    %add3A_1684 = arith.addi %iota3A_1681, %add3A_1683 : vector<16xi32>
    %get3A_1685 = arith.constant 3 : i32
    %get3A_1686 = arith.index_cast %get3A_1685 : i32 to index
    %get3A_1687 = arith.constant 64 : index
    %get3A_1688 = tpu.vector_load %arg10[%get3A_1686, %get3A_1687] {strides = array<i32>} : memref<4x128xi32, #tpu.memory_space<vmem>>, vector<16xi32>,
    %and3A_1689 = arith.constant 127 : i32
    %and3A_1690 = vector.broadcast %and3A_1689 : i32 to vector<16xi32>
    %and3A_1691 = arith.andi %get3A_1688, %and3A_1690 : vector<16xi32>
    %gather3A_1692 = tpu.vector_load_idx %arg16[%add3A_1684, %and3A_1691] : memref<128x128xf32, #tpu.memory_space<vmem>>[vector<16xi32>, vector<16xi32>], vector<16xf32>,
    %swap3A_1693 = arith.constant 448 : index
    %swap3A_1694 = tpu.vector_load %arg17[%swap3A_1693] {strides = array<i32>} : memref<512xf32, #tpu.memory_space<vmem>>, vector<16xf32>,
    tpu.vector_store %arg17[%swap3A_1693], %gather3A_1692 {strides = array<i32>} : memref<512xf32, #tpu.memory_space<vmem>>, vector<16xf32>,
    %iota3A_1695 = tpu.iota {dimensions = array<i32: 0>} : vector<16xi32>
    %add3A_1696 = arith.constant 80 : i32
    %add3A_1697 = vector.broadcast %add3A_1696 : i32 to vector<16xi32>
    %add3A_1698 = arith.addi %iota3A_1695, %add3A_1697 : vector<16xi32>
    %get3A_1699 = arith.constant 3 : i32
    %get3A_1700 = arith.index_cast %get3A_1699 : i32 to index
    %get3A_1701 = arith.constant 80 : index
    %get3A_1702 = tpu.vector_load %arg10[%get3A_1700, %get3A_1701] {strides = array<i32>} : memref<4x128xi32, #tpu.memory_space<vmem>>, vector<16xi32>,
    %and3A_1703 = arith.constant 127 : i32
    %and3A_1704 = vector.broadcast %and3A_1703 : i32 to vector<16xi32>
    %and3A_1705 = arith.andi %get3A_1702, %and3A_1704 : vector<16xi32>
    %gather3A_1706 = tpu.vector_load_idx %arg16[%add3A_1698, %and3A_1705] : memref<128x128xf32, #tpu.memory_space<vmem>>[vector<16xi32>, vector<16xi32>], vector<16xf32>,
    %swap3A_1707 = arith.constant 464 : index
    %swap3A_1708 = tpu.vector_load %arg17[%swap3A_1707] {strides = array<i32>} : memref<512xf32, #tpu.memory_space<vmem>>, vector<16xf32>,
    tpu.vector_store %arg17[%swap3A_1707], %gather3A_1706 {strides = array<i32>} : memref<512xf32, #tpu.memory_space<vmem>>, vector<16xf32>,
    %iota3A_1709 = tpu.iota {dimensions = array<i32: 0>} : vector<16xi32>
    %add3A_1710 = arith.constant 96 : i32
    %add3A_1711 = vector.broadcast %add3A_1710 : i32 to vector<16xi32>
    %add3A_1712 = arith.addi %iota3A_1709, %add3A_1711 : vector<16xi32>
    %get3A_1713 = arith.constant 3 : i32
    %get3A_1714 = arith.index_cast %get3A_1713 : i32 to index
    %get3A_1715 = arith.constant 96 : index
    %get3A_1716 = tpu.vector_load %arg10[%get3A_1714, %get3A_1715] {strides = array<i32>} : memref<4x128xi32, #tpu.memory_space<vmem>>, vector<16xi32>,
    %and3A_1717 = arith.constant 127 : i32
    %and3A_1718 = vector.broadcast %and3A_1717 : i32 to vector<16xi32>
    %and3A_1719 = arith.andi %get3A_1716, %and3A_1718 : vector<16xi32>
    %gather3A_1720 = tpu.vector_load_idx %arg16[%add3A_1712, %and3A_1719] : memref<128x128xf32, #tpu.memory_space<vmem>>[vector<16xi32>, vector<16xi32>], vector<16xf32>,
    %swap3A_1721 = arith.constant 480 : index
    %swap3A_1722 = tpu.vector_load %arg17[%swap3A_1721] {strides = array<i32>} : memref<512xf32, #tpu.memory_space<vmem>>, vector<16xf32>,
    tpu.vector_store %arg17[%swap3A_1721], %gather3A_1720 {strides = array<i32>} : memref<512xf32, #tpu.memory_space<vmem>>, vector<16xf32>,
    %iota3A_1723 = tpu.iota {dimensions = array<i32: 0>} : vector<16xi32>
    %add3A_1724 = arith.constant 112 : i32
    %add3A_1725 = vector.broadcast %add3A_1724 : i32 to vector<16xi32>
    %add3A_1726 = arith.addi %iota3A_1723, %add3A_1725 : vector<16xi32>
    %get3A_1727 = arith.constant 3 : i32
    %get3A_1728 = arith.index_cast %get3A_1727 : i32 to index
    %get3A_1729 = arith.constant 112 : index
    %get3A_1730 = tpu.vector_load %arg10[%get3A_1728, %get3A_1729] {strides = array<i32>} : memref<4x128xi32, #tpu.memory_space<vmem>>, vector<16xi32>,
    %and3A_1731 = arith.constant 127 : i32
    %and3A_1732 = vector.broadcast %and3A_1731 : i32 to vector<16xi32>
    %and3A_1733 = arith.andi %get3A_1730, %and3A_1732 : vector<16xi32>
    %gather3A_1734 = tpu.vector_load_idx %arg16[%add3A_1726, %and3A_1733] : memref<128x128xf32, #tpu.memory_space<vmem>>[vector<16xi32>, vector<16xi32>], vector<16xf32>,
    %swap3A_1735 = arith.constant 496 : index
    %swap3A_1736 = tpu.vector_load %arg17[%swap3A_1735] {strides = array<i32>} : memref<512xf32, #tpu.memory_space<vmem>>, vector<16xf32>,
    tpu.vector_store %arg17[%swap3A_1735], %gather3A_1734 {strides = array<i32>} : memref<512xf32, #tpu.memory_space<vmem>>, vector<16xf32>,
    %dma_start3A_1737 = arith.constant 3 : i32
    %dma_start3A_1738 = arith.constant 0 : i32
    %dma_start3A_1739 = tpu.memref_slice %arg13[%dma_start3A_1737, %dma_start3A_1738] : memref<4x128xi32, #tpu.memory_space<vmem>> -> memref<1x128xi32, #tpu.memory_space<vmem>>
    %dma_start3A_1740 = tpu.memref_squeeze %dma_start3A_1739 : memref<1x128xi32, #tpu.memory_space<vmem>> -> memref<128xi32, #tpu.memory_space<vmem>>
    %dma_start3A_1741 = arith.constant 0 : i32
    %dma_start3A_1742 = arith.constant 0 : i32
    %dma_start3A_1743 = tpu.memref_slice %arg7[%dma_start3A_1741, %dma_start3A_1742] : memref<7813x128xf32, #tpu.memory_space<hbm>> -> memref<7813x128xf32, #tpu.memory_space<hbm>>
    tpu.enqueue_indirect_dma source(%dma_start3A_1743 : memref<7813x128xf32, #tpu.memory_space<hbm>>) target(%arg16 : memref<128x128xf32, #tpu.memory_space<vmem>>) offsets(%dma_start3A_1740 : memref<128xi32, #tpu.memory_space<vmem>>) semaphore(%arg19 : memref<!tpu.dma_semaphore, #tpu.memory_space<semaphore_mem>>)
    %dma_wait3A_1744 = arith.constant 3 : i32
    %dma_wait3A_1745 = arith.constant 0 : i32
    %dma_wait3A_1746 = tpu.memref_slice %arg13[%dma_wait3A_1744, %dma_wait3A_1745] : memref<4x128xi32, #tpu.memory_space<vmem>> -> memref<1x128xi32, #tpu.memory_space<vmem>>
    %dma_wait3A_1747 = tpu.memref_squeeze %dma_wait3A_1746 : memref<1x128xi32, #tpu.memory_space<vmem>> -> memref<128xi32, #tpu.memory_space<vmem>>
    %dma_wait3A_1748 = arith.constant 0 : i32
    %dma_wait3A_1749 = arith.constant 0 : i32
    %dma_wait3A_1750 = tpu.memref_slice %arg7[%dma_wait3A_1748, %dma_wait3A_1749] : memref<7813x128xf32, #tpu.memory_space<hbm>> -> memref<7813x128xf32, #tpu.memory_space<hbm>>
    tpu.wait_indirect_dma semaphore(%arg19 : memref<!tpu.dma_semaphore, #tpu.memory_space<semaphore_mem>>) src(%dma_wait3A_1750 : memref<7813x128xf32, #tpu.memory_space<hbm>>) dst(%arg16 : memref<128x128xf32, #tpu.memory_space<vmem>>)
    %iota3A_1751 = tpu.iota {dimensions = array<i32: 0>} : vector<16xi32>
    %add3A_1752 = arith.constant 0 : i32
    %add3A_1753 = vector.broadcast %add3A_1752 : i32 to vector<16xi32>
    %add3A_1754 = arith.addi %iota3A_1751, %add3A_1753 : vector<16xi32>
    %get3A_1755 = arith.constant 384 : index
    %get3A_1756 = tpu.vector_load %arg17[%get3A_1755] {strides = array<i32>} : memref<512xf32, #tpu.memory_space<vmem>>, vector<16xf32>,
    %get3A_1757 = arith.constant 3 : i32
    %get3A_1758 = arith.index_cast %get3A_1757 : i32 to index
    %get3A_1759 = arith.constant 0 : index
    %get3A_1760 = tpu.vector_load %arg11[%get3A_1758, %get3A_1759] {strides = array<i32>} : memref<4x128xi32, #tpu.memory_space<vmem>>, vector<16xi32>,
    %and3A_1761 = arith.constant 127 : i32
    %and3A_1762 = vector.broadcast %and3A_1761 : i32 to vector<16xi32>
    %and3A_1763 = arith.andi %get3A_1760, %and3A_1762 : vector<16xi32>
    %gather3A_1764 = tpu.vector_load_idx %arg16[%add3A_1754, %and3A_1763] : memref<128x128xf32, #tpu.memory_space<vmem>>[vector<16xi32>, vector<16xi32>], vector<16xf32>,
    %add3A_1765 = arith.addf %get3A_1756, %gather3A_1764 : vector<16xf32>
    %swap3A_1766 = arith.constant 384 : index
    %swap3A_1767 = tpu.vector_load %arg17[%swap3A_1766] {strides = array<i32>} : memref<512xf32, #tpu.memory_space<vmem>>, vector<16xf32>,
    tpu.vector_store %arg17[%swap3A_1766], %add3A_1765 {strides = array<i32>} : memref<512xf32, #tpu.memory_space<vmem>>, vector<16xf32>,
    %iota3A_1768 = tpu.iota {dimensions = array<i32: 0>} : vector<16xi32>
    %add3A_1769 = arith.constant 16 : i32
    %add3A_1770 = vector.broadcast %add3A_1769 : i32 to vector<16xi32>
    %add3A_1771 = arith.addi %iota3A_1768, %add3A_1770 : vector<16xi32>
    %get3A_1772 = arith.constant 400 : index
    %get3A_1773 = tpu.vector_load %arg17[%get3A_1772] {strides = array<i32>} : memref<512xf32, #tpu.memory_space<vmem>>, vector<16xf32>,
    %get3A_1774 = arith.constant 3 : i32
    %get3A_1775 = arith.index_cast %get3A_1774 : i32 to index
    %get3A_1776 = arith.constant 16 : index
    %get3A_1777 = tpu.vector_load %arg11[%get3A_1775, %get3A_1776] {strides = array<i32>} : memref<4x128xi32, #tpu.memory_space<vmem>>, vector<16xi32>,
    %and3A_1778 = arith.constant 127 : i32
    %and3A_1779 = vector.broadcast %and3A_1778 : i32 to vector<16xi32>
    %and3A_1780 = arith.andi %get3A_1777, %and3A_1779 : vector<16xi32>
    %gather3A_1781 = tpu.vector_load_idx %arg16[%add3A_1771, %and3A_1780] : memref<128x128xf32, #tpu.memory_space<vmem>>[vector<16xi32>, vector<16xi32>], vector<16xf32>,
    %add3A_1782 = arith.addf %get3A_1773, %gather3A_1781 : vector<16xf32>
    %swap3A_1783 = arith.constant 400 : index
    %swap3A_1784 = tpu.vector_load %arg17[%swap3A_1783] {strides = array<i32>} : memref<512xf32, #tpu.memory_space<vmem>>, vector<16xf32>,
    tpu.vector_store %arg17[%swap3A_1783], %add3A_1782 {strides = array<i32>} : memref<512xf32, #tpu.memory_space<vmem>>, vector<16xf32>,
    %iota3A_1785 = tpu.iota {dimensions = array<i32: 0>} : vector<16xi32>
    %add3A_1786 = arith.constant 32 : i32
    %add3A_1787 = vector.broadcast %add3A_1786 : i32 to vector<16xi32>
    %add3A_1788 = arith.addi %iota3A_1785, %add3A_1787 : vector<16xi32>
    %get3A_1789 = arith.constant 416 : index
    %get3A_1790 = tpu.vector_load %arg17[%get3A_1789] {strides = array<i32>} : memref<512xf32, #tpu.memory_space<vmem>>, vector<16xf32>,
    %get3A_1791 = arith.constant 3 : i32
    %get3A_1792 = arith.index_cast %get3A_1791 : i32 to index
    %get3A_1793 = arith.constant 32 : index
    %get3A_1794 = tpu.vector_load %arg11[%get3A_1792, %get3A_1793] {strides = array<i32>} : memref<4x128xi32, #tpu.memory_space<vmem>>, vector<16xi32>,
    %and3A_1795 = arith.constant 127 : i32
    %and3A_1796 = vector.broadcast %and3A_1795 : i32 to vector<16xi32>
    %and3A_1797 = arith.andi %get3A_1794, %and3A_1796 : vector<16xi32>
    %gather3A_1798 = tpu.vector_load_idx %arg16[%add3A_1788, %and3A_1797] : memref<128x128xf32, #tpu.memory_space<vmem>>[vector<16xi32>, vector<16xi32>], vector<16xf32>,
    %add3A_1799 = arith.addf %get3A_1790, %gather3A_1798 : vector<16xf32>
    %swap3A_1800 = arith.constant 416 : index
    %swap3A_1801 = tpu.vector_load %arg17[%swap3A_1800] {strides = array<i32>} : memref<512xf32, #tpu.memory_space<vmem>>, vector<16xf32>,
    tpu.vector_store %arg17[%swap3A_1800], %add3A_1799 {strides = array<i32>} : memref<512xf32, #tpu.memory_space<vmem>>, vector<16xf32>,
    %iota3A_1802 = tpu.iota {dimensions = array<i32: 0>} : vector<16xi32>
    %add3A_1803 = arith.constant 48 : i32
    %add3A_1804 = vector.broadcast %add3A_1803 : i32 to vector<16xi32>
    %add3A_1805 = arith.addi %iota3A_1802, %add3A_1804 : vector<16xi32>
    %get3A_1806 = arith.constant 432 : index
    %get3A_1807 = tpu.vector_load %arg17[%get3A_1806] {strides = array<i32>} : memref<512xf32, #tpu.memory_space<vmem>>, vector<16xf32>,
    %get3A_1808 = arith.constant 3 : i32
    %get3A_1809 = arith.index_cast %get3A_1808 : i32 to index
    %get3A_1810 = arith.constant 48 : index
    %get3A_1811 = tpu.vector_load %arg11[%get3A_1809, %get3A_1810] {strides = array<i32>} : memref<4x128xi32, #tpu.memory_space<vmem>>, vector<16xi32>,
    %and3A_1812 = arith.constant 127 : i32
    %and3A_1813 = vector.broadcast %and3A_1812 : i32 to vector<16xi32>
    %and3A_1814 = arith.andi %get3A_1811, %and3A_1813 : vector<16xi32>
    %gather3A_1815 = tpu.vector_load_idx %arg16[%add3A_1805, %and3A_1814] : memref<128x128xf32, #tpu.memory_space<vmem>>[vector<16xi32>, vector<16xi32>], vector<16xf32>,
    %add3A_1816 = arith.addf %get3A_1807, %gather3A_1815 : vector<16xf32>
    %swap3A_1817 = arith.constant 432 : index
    %swap3A_1818 = tpu.vector_load %arg17[%swap3A_1817] {strides = array<i32>} : memref<512xf32, #tpu.memory_space<vmem>>, vector<16xf32>,
    tpu.vector_store %arg17[%swap3A_1817], %add3A_1816 {strides = array<i32>} : memref<512xf32, #tpu.memory_space<vmem>>, vector<16xf32>,
    %iota3A_1819 = tpu.iota {dimensions = array<i32: 0>} : vector<16xi32>
    %add3A_1820 = arith.constant 64 : i32
    %add3A_1821 = vector.broadcast %add3A_1820 : i32 to vector<16xi32>
    %add3A_1822 = arith.addi %iota3A_1819, %add3A_1821 : vector<16xi32>
    %get3A_1823 = arith.constant 448 : index
    %get3A_1824 = tpu.vector_load %arg17[%get3A_1823] {strides = array<i32>} : memref<512xf32, #tpu.memory_space<vmem>>, vector<16xf32>,
    %get3A_1825 = arith.constant 3 : i32
    %get3A_1826 = arith.index_cast %get3A_1825 : i32 to index
    %get3A_1827 = arith.constant 64 : index
    %get3A_1828 = tpu.vector_load %arg11[%get3A_1826, %get3A_1827] {strides = array<i32>} : memref<4x128xi32, #tpu.memory_space<vmem>>, vector<16xi32>,
    %and3A_1829 = arith.constant 127 : i32
    %and3A_1830 = vector.broadcast %and3A_1829 : i32 to vector<16xi32>
    %and3A_1831 = arith.andi %get3A_1828, %and3A_1830 : vector<16xi32>
    %gather3A_1832 = tpu.vector_load_idx %arg16[%add3A_1822, %and3A_1831] : memref<128x128xf32, #tpu.memory_space<vmem>>[vector<16xi32>, vector<16xi32>], vector<16xf32>,
    %add3A_1833 = arith.addf %get3A_1824, %gather3A_1832 : vector<16xf32>
    %swap3A_1834 = arith.constant 448 : index
    %swap3A_1835 = tpu.vector_load %arg17[%swap3A_1834] {strides = array<i32>} : memref<512xf32, #tpu.memory_space<vmem>>, vector<16xf32>,
    tpu.vector_store %arg17[%swap3A_1834], %add3A_1833 {strides = array<i32>} : memref<512xf32, #tpu.memory_space<vmem>>, vector<16xf32>,
    %iota3A_1836 = tpu.iota {dimensions = array<i32: 0>} : vector<16xi32>
    %add3A_1837 = arith.constant 80 : i32
    %add3A_1838 = vector.broadcast %add3A_1837 : i32 to vector<16xi32>
    %add3A_1839 = arith.addi %iota3A_1836, %add3A_1838 : vector<16xi32>
    %get3A_1840 = arith.constant 464 : index
    %get3A_1841 = tpu.vector_load %arg17[%get3A_1840] {strides = array<i32>} : memref<512xf32, #tpu.memory_space<vmem>>, vector<16xf32>,
    %get3A_1842 = arith.constant 3 : i32
    %get3A_1843 = arith.index_cast %get3A_1842 : i32 to index
    %get3A_1844 = arith.constant 80 : index
    %get3A_1845 = tpu.vector_load %arg11[%get3A_1843, %get3A_1844] {strides = array<i32>} : memref<4x128xi32, #tpu.memory_space<vmem>>, vector<16xi32>,
    %and3A_1846 = arith.constant 127 : i32
    %and3A_1847 = vector.broadcast %and3A_1846 : i32 to vector<16xi32>
    %and3A_1848 = arith.andi %get3A_1845, %and3A_1847 : vector<16xi32>
    %gather3A_1849 = tpu.vector_load_idx %arg16[%add3A_1839, %and3A_1848] : memref<128x128xf32, #tpu.memory_space<vmem>>[vector<16xi32>, vector<16xi32>], vector<16xf32>,
    %add3A_1850 = arith.addf %get3A_1841, %gather3A_1849 : vector<16xf32>
    %swap3A_1851 = arith.constant 464 : index
    %swap3A_1852 = tpu.vector_load %arg17[%swap3A_1851] {strides = array<i32>} : memref<512xf32, #tpu.memory_space<vmem>>, vector<16xf32>,
    tpu.vector_store %arg17[%swap3A_1851], %add3A_1850 {strides = array<i32>} : memref<512xf32, #tpu.memory_space<vmem>>, vector<16xf32>,
    %iota3A_1853 = tpu.iota {dimensions = array<i32: 0>} : vector<16xi32>
    %add3A_1854 = arith.constant 96 : i32
    %add3A_1855 = vector.broadcast %add3A_1854 : i32 to vector<16xi32>
    %add3A_1856 = arith.addi %iota3A_1853, %add3A_1855 : vector<16xi32>
    %get3A_1857 = arith.constant 480 : index
    %get3A_1858 = tpu.vector_load %arg17[%get3A_1857] {strides = array<i32>} : memref<512xf32, #tpu.memory_space<vmem>>, vector<16xf32>,
    %get3A_1859 = arith.constant 3 : i32
    %get3A_1860 = arith.index_cast %get3A_1859 : i32 to index
    %get3A_1861 = arith.constant 96 : index
    %get3A_1862 = tpu.vector_load %arg11[%get3A_1860, %get3A_1861] {strides = array<i32>} : memref<4x128xi32, #tpu.memory_space<vmem>>, vector<16xi32>,
    %and3A_1863 = arith.constant 127 : i32
    %and3A_1864 = vector.broadcast %and3A_1863 : i32 to vector<16xi32>
    %and3A_1865 = arith.andi %get3A_1862, %and3A_1864 : vector<16xi32>
    %gather3A_1866 = tpu.vector_load_idx %arg16[%add3A_1856, %and3A_1865] : memref<128x128xf32, #tpu.memory_space<vmem>>[vector<16xi32>, vector<16xi32>], vector<16xf32>,
    %add3A_1867 = arith.addf %get3A_1858, %gather3A_1866 : vector<16xf32>
    %swap3A_1868 = arith.constant 480 : index
    %swap3A_1869 = tpu.vector_load %arg17[%swap3A_1868] {strides = array<i32>} : memref<512xf32, #tpu.memory_space<vmem>>, vector<16xf32>,
    tpu.vector_store %arg17[%swap3A_1868], %add3A_1867 {strides = array<i32>} : memref<512xf32, #tpu.memory_space<vmem>>, vector<16xf32>,
    %iota3A_1870 = tpu.iota {dimensions = array<i32: 0>} : vector<16xi32>
    %add3A_1871 = arith.constant 112 : i32
    %add3A_1872 = vector.broadcast %add3A_1871 : i32 to vector<16xi32>
    %add3A_1873 = arith.addi %iota3A_1870, %add3A_1872 : vector<16xi32>
    %get3A_1874 = arith.constant 496 : index
    %get3A_1875 = tpu.vector_load %arg17[%get3A_1874] {strides = array<i32>} : memref<512xf32, #tpu.memory_space<vmem>>, vector<16xf32>,
    %get3A_1876 = arith.constant 3 : i32
    %get3A_1877 = arith.index_cast %get3A_1876 : i32 to index
    %get3A_1878 = arith.constant 112 : index
    %get3A_1879 = tpu.vector_load %arg11[%get3A_1877, %get3A_1878] {strides = array<i32>} : memref<4x128xi32, #tpu.memory_space<vmem>>, vector<16xi32>,
    %and3A_1880 = arith.constant 127 : i32
    %and3A_1881 = vector.broadcast %and3A_1880 : i32 to vector<16xi32>
    %and3A_1882 = arith.andi %get3A_1879, %and3A_1881 : vector<16xi32>
    %gather3A_1883 = tpu.vector_load_idx %arg16[%add3A_1873, %and3A_1882] : memref<128x128xf32, #tpu.memory_space<vmem>>[vector<16xi32>, vector<16xi32>], vector<16xf32>,
    %add3A_1884 = arith.addf %get3A_1875, %gather3A_1883 : vector<16xf32>
    %swap3A_1885 = arith.constant 496 : index
    %swap3A_1886 = tpu.vector_load %arg17[%swap3A_1885] {strides = array<i32>} : memref<512xf32, #tpu.memory_space<vmem>>, vector<16xf32>,
    tpu.vector_store %arg17[%swap3A_1885], %add3A_1884 {strides = array<i32>} : memref<512xf32, #tpu.memory_space<vmem>>, vector<16xf32>,
    %dma_wait3A_1887 = arith.constant 0 : i32
    %dma_wait3A_1888 = arith.constant 0 : i32
    %dma_wait3A_1889 = arith.constant 0 : i32
    %dma_wait3A_1890 = tpu.memref_slice %arg14[%dma_wait3A_1888, %dma_wait3A_1889] : memref<512x64xf32, #tpu.memory_space<vmem>> -> memref<128x64xf32, #tpu.memory_space<vmem>>
    %dma_wait3A_1891 = arith.constant 0 : i32
    %dma_wait3A_1892 = tpu.memref_slice %arg10[%dma_wait3A_1887, %dma_wait3A_1891] : memref<4x128xi32, #tpu.memory_space<vmem>> -> memref<1x128xi32, #tpu.memory_space<vmem>>
    %dma_wait3A_1893 = tpu.memref_squeeze %dma_wait3A_1892 : memref<1x128xi32, #tpu.memory_space<vmem>> -> memref<128xi32, #tpu.memory_space<vmem>>
    %dma_wait3A_1894 = arith.constant 0 : i32
    %dma_wait3A_1895 = arith.constant 0 : i32
    %dma_wait3A_1896 = tpu.memref_slice %arg4[%dma_wait3A_1894, %dma_wait3A_1895] : memref<1000001x64xf32, #tpu.memory_space<hbm>> -> memref<1000001x64xf32, #tpu.memory_space<hbm>>
    tpu.wait_indirect_dma semaphore(%arg18 : memref<!tpu.dma_semaphore, #tpu.memory_space<semaphore_mem>>) src(%dma_wait3A_1896 : memref<1000001x64xf32, #tpu.memory_space<hbm>>) dst(%dma_wait3A_1890 : memref<128x64xf32, #tpu.memory_space<vmem>>)
    %dma_wait3A_1897 = arith.constant 0 : i32
    %dma_wait3A_1898 = arith.constant 0 : i32
    %dma_wait3A_1899 = arith.constant 0 : i32
    %dma_wait3A_1900 = tpu.memref_slice %arg15[%dma_wait3A_1898, %dma_wait3A_1899] : memref<512x64xf32, #tpu.memory_space<vmem>> -> memref<128x64xf32, #tpu.memory_space<vmem>>
    %dma_wait3A_1901 = arith.constant 0 : i32
    %dma_wait3A_1902 = tpu.memref_slice %arg11[%dma_wait3A_1897, %dma_wait3A_1901] : memref<4x128xi32, #tpu.memory_space<vmem>> -> memref<1x128xi32, #tpu.memory_space<vmem>>
    %dma_wait3A_1903 = tpu.memref_squeeze %dma_wait3A_1902 : memref<1x128xi32, #tpu.memory_space<vmem>> -> memref<128xi32, #tpu.memory_space<vmem>>
    %dma_wait3A_1904 = arith.constant 0 : i32
    %dma_wait3A_1905 = arith.constant 0 : i32
    %dma_wait3A_1906 = tpu.memref_slice %arg5[%dma_wait3A_1904, %dma_wait3A_1905] : memref<1000001x64xf32, #tpu.memory_space<hbm>> -> memref<1000001x64xf32, #tpu.memory_space<hbm>>
    tpu.wait_indirect_dma semaphore(%arg18 : memref<!tpu.dma_semaphore, #tpu.memory_space<semaphore_mem>>) src(%dma_wait3A_1906 : memref<1000001x64xf32, #tpu.memory_space<hbm>>) dst(%dma_wait3A_1900 : memref<128x64xf32, #tpu.memory_space<vmem>>)
    %dma_wait3A_1907 = arith.constant 1 : i32
    %dma_wait3A_1908 = arith.constant 128 : i32
    %dma_wait3A_1909 = arith.constant 0 : i32
    %dma_wait3A_1910 = tpu.memref_slice %arg14[%dma_wait3A_1908, %dma_wait3A_1909] : memref<512x64xf32, #tpu.memory_space<vmem>> -> memref<128x64xf32, #tpu.memory_space<vmem>>
    %dma_wait3A_1911 = arith.constant 0 : i32
    %dma_wait3A_1912 = tpu.memref_slice %arg10[%dma_wait3A_1907, %dma_wait3A_1911] : memref<4x128xi32, #tpu.memory_space<vmem>> -> memref<1x128xi32, #tpu.memory_space<vmem>>
    %dma_wait3A_1913 = tpu.memref_squeeze %dma_wait3A_1912 : memref<1x128xi32, #tpu.memory_space<vmem>> -> memref<128xi32, #tpu.memory_space<vmem>>
    %dma_wait3A_1914 = arith.constant 0 : i32
    %dma_wait3A_1915 = arith.constant 0 : i32
    %dma_wait3A_1916 = tpu.memref_slice %arg4[%dma_wait3A_1914, %dma_wait3A_1915] : memref<1000001x64xf32, #tpu.memory_space<hbm>> -> memref<1000001x64xf32, #tpu.memory_space<hbm>>
    tpu.wait_indirect_dma semaphore(%arg18 : memref<!tpu.dma_semaphore, #tpu.memory_space<semaphore_mem>>) src(%dma_wait3A_1916 : memref<1000001x64xf32, #tpu.memory_space<hbm>>) dst(%dma_wait3A_1910 : memref<128x64xf32, #tpu.memory_space<vmem>>)
    %dma_wait3A_1917 = arith.constant 1 : i32
    %dma_wait3A_1918 = arith.constant 128 : i32
    %dma_wait3A_1919 = arith.constant 0 : i32
    %dma_wait3A_1920 = tpu.memref_slice %arg15[%dma_wait3A_1918, %dma_wait3A_1919] : memref<512x64xf32, #tpu.memory_space<vmem>> -> memref<128x64xf32, #tpu.memory_space<vmem>>
    %dma_wait3A_1921 = arith.constant 0 : i32
    %dma_wait3A_1922 = tpu.memref_slice %arg11[%dma_wait3A_1917, %dma_wait3A_1921] : memref<4x128xi32, #tpu.memory_space<vmem>> -> memref<1x128xi32, #tpu.memory_space<vmem>>
    %dma_wait3A_1923 = tpu.memref_squeeze %dma_wait3A_1922 : memref<1x128xi32, #tpu.memory_space<vmem>> -> memref<128xi32, #tpu.memory_space<vmem>>
    %dma_wait3A_1924 = arith.constant 0 : i32
    %dma_wait3A_1925 = arith.constant 0 : i32
    %dma_wait3A_1926 = tpu.memref_slice %arg5[%dma_wait3A_1924, %dma_wait3A_1925] : memref<1000001x64xf32, #tpu.memory_space<hbm>> -> memref<1000001x64xf32, #tpu.memory_space<hbm>>
    tpu.wait_indirect_dma semaphore(%arg18 : memref<!tpu.dma_semaphore, #tpu.memory_space<semaphore_mem>>) src(%dma_wait3A_1926 : memref<1000001x64xf32, #tpu.memory_space<hbm>>) dst(%dma_wait3A_1920 : memref<128x64xf32, #tpu.memory_space<vmem>>)
    %dma_wait3A_1927 = arith.constant 2 : i32
    %dma_wait3A_1928 = arith.constant 256 : i32
    %dma_wait3A_1929 = arith.constant 0 : i32
    %dma_wait3A_1930 = tpu.memref_slice %arg14[%dma_wait3A_1928, %dma_wait3A_1929] : memref<512x64xf32, #tpu.memory_space<vmem>> -> memref<128x64xf32, #tpu.memory_space<vmem>>
    %dma_wait3A_1931 = arith.constant 0 : i32
    %dma_wait3A_1932 = tpu.memref_slice %arg10[%dma_wait3A_1927, %dma_wait3A_1931] : memref<4x128xi32, #tpu.memory_space<vmem>> -> memref<1x128xi32, #tpu.memory_space<vmem>>
    %dma_wait3A_1933 = tpu.memref_squeeze %dma_wait3A_1932 : memref<1x128xi32, #tpu.memory_space<vmem>> -> memref<128xi32, #tpu.memory_space<vmem>>
    %dma_wait3A_1934 = arith.constant 0 : i32
    %dma_wait3A_1935 = arith.constant 0 : i32
    %dma_wait3A_1936 = tpu.memref_slice %arg4[%dma_wait3A_1934, %dma_wait3A_1935] : memref<1000001x64xf32, #tpu.memory_space<hbm>> -> memref<1000001x64xf32, #tpu.memory_space<hbm>>
    tpu.wait_indirect_dma semaphore(%arg18 : memref<!tpu.dma_semaphore, #tpu.memory_space<semaphore_mem>>) src(%dma_wait3A_1936 : memref<1000001x64xf32, #tpu.memory_space<hbm>>) dst(%dma_wait3A_1930 : memref<128x64xf32, #tpu.memory_space<vmem>>)
    %dma_wait3A_1937 = arith.constant 2 : i32
    %dma_wait3A_1938 = arith.constant 256 : i32
    %dma_wait3A_1939 = arith.constant 0 : i32
    %dma_wait3A_1940 = tpu.memref_slice %arg15[%dma_wait3A_1938, %dma_wait3A_1939] : memref<512x64xf32, #tpu.memory_space<vmem>> -> memref<128x64xf32, #tpu.memory_space<vmem>>
    %dma_wait3A_1941 = arith.constant 0 : i32
    %dma_wait3A_1942 = tpu.memref_slice %arg11[%dma_wait3A_1937, %dma_wait3A_1941] : memref<4x128xi32, #tpu.memory_space<vmem>> -> memref<1x128xi32, #tpu.memory_space<vmem>>
    %dma_wait3A_1943 = tpu.memref_squeeze %dma_wait3A_1942 : memref<1x128xi32, #tpu.memory_space<vmem>> -> memref<128xi32, #tpu.memory_space<vmem>>
    %dma_wait3A_1944 = arith.constant 0 : i32
    %dma_wait3A_1945 = arith.constant 0 : i32
    %dma_wait3A_1946 = tpu.memref_slice %arg5[%dma_wait3A_1944, %dma_wait3A_1945] : memref<1000001x64xf32, #tpu.memory_space<hbm>> -> memref<1000001x64xf32, #tpu.memory_space<hbm>>
    tpu.wait_indirect_dma semaphore(%arg18 : memref<!tpu.dma_semaphore, #tpu.memory_space<semaphore_mem>>) src(%dma_wait3A_1946 : memref<1000001x64xf32, #tpu.memory_space<hbm>>) dst(%dma_wait3A_1940 : memref<128x64xf32, #tpu.memory_space<vmem>>)
    %dma_wait3A_1947 = arith.constant 3 : i32
    %dma_wait3A_1948 = arith.constant 384 : i32
    %dma_wait3A_1949 = arith.constant 0 : i32
    %dma_wait3A_1950 = tpu.memref_slice %arg14[%dma_wait3A_1948, %dma_wait3A_1949] : memref<512x64xf32, #tpu.memory_space<vmem>> -> memref<128x64xf32, #tpu.memory_space<vmem>>
    %dma_wait3A_1951 = arith.constant 0 : i32
    %dma_wait3A_1952 = tpu.memref_slice %arg10[%dma_wait3A_1947, %dma_wait3A_1951] : memref<4x128xi32, #tpu.memory_space<vmem>> -> memref<1x128xi32, #tpu.memory_space<vmem>>
    %dma_wait3A_1953 = tpu.memref_squeeze %dma_wait3A_1952 : memref<1x128xi32, #tpu.memory_space<vmem>> -> memref<128xi32, #tpu.memory_space<vmem>>
    %dma_wait3A_1954 = arith.constant 0 : i32
    %dma_wait3A_1955 = arith.constant 0 : i32
    %dma_wait3A_1956 = tpu.memref_slice %arg4[%dma_wait3A_1954, %dma_wait3A_1955] : memref<1000001x64xf32, #tpu.memory_space<hbm>> -> memref<1000001x64xf32, #tpu.memory_space<hbm>>
    tpu.wait_indirect_dma semaphore(%arg18 : memref<!tpu.dma_semaphore, #tpu.memory_space<semaphore_mem>>) src(%dma_wait3A_1956 : memref<1000001x64xf32, #tpu.memory_space<hbm>>) dst(%dma_wait3A_1950 : memref<128x64xf32, #tpu.memory_space<vmem>>)
    %dma_wait3A_1957 = arith.constant 3 : i32
    %dma_wait3A_1958 = arith.constant 384 : i32
    %dma_wait3A_1959 = arith.constant 0 : i32
    %dma_wait3A_1960 = tpu.memref_slice %arg15[%dma_wait3A_1958, %dma_wait3A_1959] : memref<512x64xf32, #tpu.memory_space<vmem>> -> memref<128x64xf32, #tpu.memory_space<vmem>>
    %dma_wait3A_1961 = arith.constant 0 : i32
    %dma_wait3A_1962 = tpu.memref_slice %arg11[%dma_wait3A_1957, %dma_wait3A_1961] : memref<4x128xi32, #tpu.memory_space<vmem>> -> memref<1x128xi32, #tpu.memory_space<vmem>>
    %dma_wait3A_1963 = tpu.memref_squeeze %dma_wait3A_1962 : memref<1x128xi32, #tpu.memory_space<vmem>> -> memref<128xi32, #tpu.memory_space<vmem>>
    %dma_wait3A_1964 = arith.constant 0 : i32
    %dma_wait3A_1965 = arith.constant 0 : i32
    %dma_wait3A_1966 = tpu.memref_slice %arg5[%dma_wait3A_1964, %dma_wait3A_1965] : memref<1000001x64xf32, #tpu.memory_space<hbm>> -> memref<1000001x64xf32, #tpu.memory_space<hbm>>
    tpu.wait_indirect_dma semaphore(%arg18 : memref<!tpu.dma_semaphore, #tpu.memory_space<semaphore_mem>>) src(%dma_wait3A_1966 : memref<1000001x64xf32, #tpu.memory_space<hbm>>) dst(%dma_wait3A_1960 : memref<128x64xf32, #tpu.memory_space<vmem>>)
    "tpu.region"() ({
      %run_scoped3A = tpu.sem_alloc : memref<!tpu.dma_semaphore, #tpu.memory_space<semaphore_mem>>
      %dma_start3A_1967 = arith.constant 0 : i32
      %dma_start3A_1968 = tpu.memref_slice %arg8[%mul3A_2, %dma_start3A_1967] : memref<16384x128xf32, #tpu.memory_space<hbm>> -> memref<512x64xf32, #tpu.memory_space<hbm>>
      %dma_start3A_1969 = arith.constant 0 : i32
      %dma_start3A_1970 = tpu.memref_slice %arg8[%mul3A_2, %dma_start3A_1969] : memref<16384x128xf32, #tpu.memory_space<hbm>> -> memref<512x64xf32, #tpu.memory_space<hbm>>
      tpu.enqueue_dma source(%arg14 : memref<512x64xf32, #tpu.memory_space<vmem>>) target(%dma_start3A_1970 : memref<512x64xf32, #tpu.memory_space<hbm>>) target_semaphore(%run_scoped3A : memref<!tpu.dma_semaphore, #tpu.memory_space<semaphore_mem>>)
      %dma_wait3A_1971 = arith.constant 0 : i32
      %dma_wait3A_1972 = tpu.memref_slice %arg8[%mul3A_2, %dma_wait3A_1971] : memref<16384x128xf32, #tpu.memory_space<hbm>> -> memref<512x64xf32, #tpu.memory_space<hbm>>
      %dma_wait3A_1973 = arith.constant 0 : i32
      %dma_wait3A_1974 = tpu.memref_slice %arg8[%mul3A_2, %dma_wait3A_1973] : memref<16384x128xf32, #tpu.memory_space<hbm>> -> memref<512x64xf32, #tpu.memory_space<hbm>>
      tpu.wait_dma2 semaphore(%run_scoped3A : memref<!tpu.dma_semaphore, #tpu.memory_space<semaphore_mem>>) src(%arg14 : memref<512x64xf32, #tpu.memory_space<vmem>>) dst(%dma_wait3A_1974 : memref<512x64xf32, #tpu.memory_space<hbm>>)
      tpu.yield
    }) : () -> ()
    "tpu.region"() ({
      %run_scoped3A = tpu.sem_alloc : memref<!tpu.dma_semaphore, #tpu.memory_space<semaphore_mem>>
      %dma_start3A_1967 = arith.constant 64 : i32
      %dma_start3A_1968 = tpu.memref_slice %arg8[%mul3A_2, %dma_start3A_1967] : memref<16384x128xf32, #tpu.memory_space<hbm>> -> memref<512x64xf32, #tpu.memory_space<hbm>>
      %dma_start3A_1969 = arith.constant 64 : i32
      %dma_start3A_1970 = tpu.memref_slice %arg8[%mul3A_2, %dma_start3A_1969] : memref<16384x128xf32, #tpu.memory_space<hbm>> -> memref<512x64xf32, #tpu.memory_space<hbm>>
      tpu.enqueue_dma source(%arg15 : memref<512x64xf32, #tpu.memory_space<vmem>>) target(%dma_start3A_1970 : memref<512x64xf32, #tpu.memory_space<hbm>>) target_semaphore(%run_scoped3A : memref<!tpu.dma_semaphore, #tpu.memory_space<semaphore_mem>>)
      %dma_wait3A_1971 = arith.constant 64 : i32
      %dma_wait3A_1972 = tpu.memref_slice %arg8[%mul3A_2, %dma_wait3A_1971] : memref<16384x128xf32, #tpu.memory_space<hbm>> -> memref<512x64xf32, #tpu.memory_space<hbm>>
      %dma_wait3A_1973 = arith.constant 64 : i32
      %dma_wait3A_1974 = tpu.memref_slice %arg8[%mul3A_2, %dma_wait3A_1973] : memref<16384x128xf32, #tpu.memory_space<hbm>> -> memref<512x64xf32, #tpu.memory_space<hbm>>
      tpu.wait_dma2 semaphore(%run_scoped3A : memref<!tpu.dma_semaphore, #tpu.memory_space<semaphore_mem>>) src(%arg15 : memref<512x64xf32, #tpu.memory_space<vmem>>) dst(%dma_wait3A_1974 : memref<512x64xf32, #tpu.memory_space<hbm>>)
      tpu.yield
    }) : () -> ()
    "tpu.region"() ({
      %run_scoped3A = tpu.sem_alloc : memref<!tpu.dma_semaphore, #tpu.memory_space<semaphore_mem>>
      %dma_start3A_1967 = tpu.memref_slice %arg9[%mul3A_2] : memref<16384xf32, #tpu.memory_space<hbm>> -> memref<512xf32, #tpu.memory_space<hbm>>
      %dma_start3A_1968 = tpu.memref_slice %arg9[%mul3A_2] : memref<16384xf32, #tpu.memory_space<hbm>> -> memref<512xf32, #tpu.memory_space<hbm>>
      tpu.enqueue_dma source(%arg17 : memref<512xf32, #tpu.memory_space<vmem>>) target(%dma_start3A_1968 : memref<512xf32, #tpu.memory_space<hbm>>) target_semaphore(%run_scoped3A : memref<!tpu.dma_semaphore, #tpu.memory_space<semaphore_mem>>)
      %dma_wait3A_1969 = tpu.memref_slice %arg9[%mul3A_2] : memref<16384xf32, #tpu.memory_space<hbm>> -> memref<512xf32, #tpu.memory_space<hbm>>
      %dma_wait3A_1970 = tpu.memref_slice %arg9[%mul3A_2] : memref<16384xf32, #tpu.memory_space<hbm>> -> memref<512xf32, #tpu.memory_space<hbm>>
      tpu.wait_dma2 semaphore(%run_scoped3A : memref<!tpu.dma_semaphore, #tpu.memory_space<semaphore_mem>>) src(%arg17 : memref<512xf32, #tpu.memory_space<vmem>>) dst(%dma_wait3A_1970 : memref<512xf32, #tpu.memory_space<hbm>>)
      tpu.yield
    }) : () -> ()
    return
  }
}

module attributes {stable_mosaic.version = 14 : i64} {
  func.func @_repack_body(%arg0: i32, %arg1: memref<131072xf32, #tpu.memory_space<vmem>>, %arg2: memref<131072xf32, #tpu.memory_space<vmem>>, %arg3: memref<131072xf32, #tpu.memory_space<vmem>>, %arg4: memref<131072xf32, #tpu.memory_space<vmem>>) attributes {dimension_semantics = [#tpu.dimension_semantics<arbitrary>], iteration_bounds = array<i64: 8>, scalar_prefetch = 0 : i64, scratch_operands = 0 : i64, tpu.core_type = #tpu.core_type<tc>, window_params = [{transform_indices = @transform_0, window_bounds = array<i64: 131072>}, {transform_indices = @transform_1, window_bounds = array<i64: 131072>}, {transform_indices = @transform_2, window_bounds = array<i64: 131072>}, {transform_indices = @transform_3, window_bounds = array<i64: 131072>}]} {
    %get3A = arith.constant 0 : index
    %get3A_0 = vector.load %arg1[%get3A] : memref<131072xf32, #tpu.memory_space<vmem>>, vector<131072xf32>
    %swap3A = arith.constant 0 : index
    %swap3A_1 = vector.load %arg3[%swap3A] : memref<131072xf32, #tpu.memory_space<vmem>>, vector<131072xf32>
    tpu.vector_store %arg3[%swap3A], %get3A_0 {strides = array<i32>} : memref<131072xf32, #tpu.memory_space<vmem>>, vector<131072xf32>,
    %get3A_2 = arith.constant 0 : index
    %get3A_3 = vector.load %arg2[%get3A_2] : memref<131072xf32, #tpu.memory_space<vmem>>, vector<131072xf32>
    %swap3A_4 = arith.constant 0 : index
    %swap3A_5 = vector.load %arg4[%swap3A_4] : memref<131072xf32, #tpu.memory_space<vmem>>, vector<131072xf32>
    tpu.vector_store %arg4[%swap3A_4], %get3A_3 {strides = array<i32>} : memref<131072xf32, #tpu.memory_space<vmem>>, vector<131072xf32>,
    return
  }
  func.func @transform_0(%arg0: i32) -> i32 {
    %c0_i32 = arith.constant 0 : i32
    return %arg0 : i32
  }
  func.func @transform_1(%arg0: i32) -> i32 {
    %c0_i32 = arith.constant 0 : i32
    return %arg0 : i32
  }
  func.func @transform_2(%arg0: i32) -> i32 {
    %c0_i32 = arith.constant 0 : i32
    return %arg0 : i32
  }
  func.func @transform_3(%arg0: i32) -> i32 {
    %c0_i32 = arith.constant 0 : i32
    return %arg0 : i32
  }
}

module attributes {stable_mosaic.version = 14 : i64} {
  func.func @_mlp_body(%arg0: i32, %arg1: memref<2048x128xf32, #tpu.memory_space<vmem>>, %arg2: memref<2048x1xf32, #tpu.memory_space<vmem>>, %arg3: memref<128x128xf32, #tpu.memory_space<vmem>>, %arg4: memref<1x128xf32, #tpu.memory_space<vmem>>, %arg5: memref<128x64xf32, #tpu.memory_space<vmem>>, %arg6: memref<1x64xf32, #tpu.memory_space<vmem>>, %arg7: memref<1x64xf32, #tpu.memory_space<vmem>>, %arg8: memref<1x1xf32, #tpu.memory_space<vmem>>, %arg9: memref<2048x1xf32, #tpu.memory_space<vmem>>) attributes {dimension_semantics = [#tpu.dimension_semantics<arbitrary>], iteration_bounds = array<i64: 8>, scalar_prefetch = 0 : i64, scratch_operands = 0 : i64, tpu.core_type = #tpu.core_type<tc>, window_params = [{transform_indices = @transform_0, window_bounds = array<i64: 2048, 128>}, {transform_indices = @transform_1, window_bounds = array<i64: 2048, 1>}, {pipeline_mode = #tpu.pipeline_mode<synchronous>, transform_indices = @transform_2, window_bounds = array<i64: 128, 128>}, {pipeline_mode = #tpu.pipeline_mode<synchronous>, transform_indices = @transform_3, window_bounds = array<i64: 1, 128>}, {pipeline_mode = #tpu.pipeline_mode<synchronous>, transform_indices = @transform_4, window_bounds = array<i64: 128, 64>}, {pipeline_mode = #tpu.pipeline_mode<synchronous>, transform_indices = @transform_5, window_bounds = array<i64: 1, 64>}, {pipeline_mode = #tpu.pipeline_mode<synchronous>, transform_indices = @transform_6, window_bounds = array<i64: 1, 64>}, {pipeline_mode = #tpu.pipeline_mode<synchronous>, transform_indices = @transform_7, window_bounds = array<i64: 1, 1>}, {transform_indices = @transform_8, window_bounds = array<i64: 2048, 1>}]} {
    %get3A = arith.constant 0 : index
    %get3A_0 = arith.constant 0 : index
    %get3A_1 = vector.load %arg1[%get3A, %get3A_0] : memref<2048x128xf32, #tpu.memory_space<vmem>>, vector<2048x128xf32>
    %get3A_2 = arith.constant 0 : index
    %get3A_3 = arith.constant 0 : index
    %get3A_4 = vector.load %arg3[%get3A_2, %get3A_3] : memref<128x128xf32, #tpu.memory_space<vmem>>, vector<128x128xf32>
    %dot_general3A = arith.constant dense<0.000000e+00> : vector<2048x128xf32>
    %dot_general3A_5 = tpu.matmul %get3A_1, %get3A_4, %dot_general3A {dimension_numbers = #tpu.dot_dimension_numbers<[1], [0], [0], [1], [0, 0, 1, 1], [], []>, transpose_lhs_hint = false} : vector<2048x128xf32>, vector<128x128xf32>, vector<2048x128xf32> -> vector<2048x128xf32>
    %get3A_6 = arith.constant 0 : index
    %get3A_7 = arith.constant 0 : index
    %get3A_8 = vector.load %arg4[%get3A_6, %get3A_7] : memref<1x128xf32, #tpu.memory_space<vmem>>, vector<1x128xf32>
    %add3A = vector.broadcast %get3A_8 : vector<1x128xf32> to vector<2048x128xf32>
    %add3A_9 = arith.addf %dot_general3A_5, %add3A : vector<2048x128xf32>
    %max3A = arith.constant 0.000000e+00 : f32
    %max3A_10 = vector.broadcast %max3A : f32 to vector<2048x128xf32>
    %max3A_11 = arith.maximumf %add3A_9, %max3A_10 : vector<2048x128xf32>
    %get3A_12 = arith.constant 0 : index
    %get3A_13 = arith.constant 0 : index
    %get3A_14 = vector.load %arg5[%get3A_12, %get3A_13] : memref<128x64xf32, #tpu.memory_space<vmem>>, vector<128x64xf32>
    %dot_general3A_15 = arith.constant dense<0.000000e+00> : vector<2048x64xf32>
    %dot_general3A_16 = tpu.matmul %max3A_11, %get3A_14, %dot_general3A_15 {dimension_numbers = #tpu.dot_dimension_numbers<[1], [0], [0], [1], [0, 0, 1, 1], [], []>, transpose_lhs_hint = false} : vector<2048x128xf32>, vector<128x64xf32>, vector<2048x64xf32> -> vector<2048x64xf32>
    %get3A_17 = arith.constant 0 : index
    %get3A_18 = arith.constant 0 : index
    %get3A_19 = vector.load %arg6[%get3A_17, %get3A_18] : memref<1x64xf32, #tpu.memory_space<vmem>>, vector<1x64xf32>
    %add3A_20 = vector.broadcast %get3A_19 : vector<1x64xf32> to vector<2048x64xf32>
    %add3A_21 = arith.addf %dot_general3A_16, %add3A_20 : vector<2048x64xf32>
    %max3A_22 = arith.constant 0.000000e+00 : f32
    %max3A_23 = vector.broadcast %max3A_22 : f32 to vector<2048x64xf32>
    %max3A_24 = arith.maximumf %add3A_21, %max3A_23 : vector<2048x64xf32>
    %get3A_25 = arith.constant 0 : index
    %get3A_26 = arith.constant 0 : index
    %get3A_27 = vector.load %arg7[%get3A_25, %get3A_26] : memref<1x64xf32, #tpu.memory_space<vmem>>, vector<1x64xf32>
    %mul3A = vector.broadcast %get3A_27 : vector<1x64xf32> to vector<2048x64xf32>
    %mul3A_28 = arith.mulf %max3A_24, %mul3A : vector<2048x64xf32>
    %reduce_sum3A = arith.constant dense<0.000000e+00> : vector<2048xf32>
    %reduce_sum3A_29 = vector.multi_reduction <add>, %mul3A_28, %reduce_sum3A [1] : vector<2048x64xf32> to vector<2048xf32>
    %broadcast_in_dim3A = vector.shape_cast %reduce_sum3A_29 : vector<2048xf32> to vector<2048x1xf32>
    %get3A_30 = arith.constant 0 : index
    %get3A_31 = arith.constant 0 : index
    %get3A_32 = vector.load %arg8[%get3A_30, %get3A_31] : memref<1x1xf32, #tpu.memory_space<vmem>>, vector<1x1xf32>
    %add3A_33 = vector.broadcast %get3A_32 : vector<1x1xf32> to vector<2048x1xf32>
    %add3A_34 = arith.addf %broadcast_in_dim3A, %add3A_33 : vector<2048x1xf32>
    %get3A_35 = arith.constant 0 : index
    %get3A_36 = arith.constant 0 : index
    %get3A_37 = vector.load %arg2[%get3A_35, %get3A_36] : memref<2048x1xf32, #tpu.memory_space<vmem>>, vector<2048x1xf32>
    %add3A_38 = arith.addf %add3A_34, %get3A_37 : vector<2048x1xf32>
    %swap3A = arith.constant 0 : index
    %swap3A_39 = arith.constant 0 : index
    %swap3A_40 = vector.load %arg9[%swap3A, %swap3A_39] : memref<2048x1xf32, #tpu.memory_space<vmem>>, vector<2048x1xf32>
    tpu.vector_store %arg9[%swap3A, %swap3A_39], %add3A_38 {strides = array<i32>} : memref<2048x1xf32, #tpu.memory_space<vmem>>, vector<2048x1xf32>,
    return
  }
  func.func @transform_0(%arg0: i32) -> (i32, i32) {
    %c0_i32 = arith.constant 0 : i32
    %c0_i32_0 = arith.constant 0 : i32
    return %arg0, %c0_i32 : i32, i32
  }
  func.func @transform_1(%arg0: i32) -> (i32, i32) {
    %c0_i32 = arith.constant 0 : i32
    %c0_i32_0 = arith.constant 0 : i32
    return %arg0, %c0_i32 : i32, i32
  }
  func.func @transform_2(%arg0: i32) -> (i32, i32) {
    %c0_i32 = arith.constant 0 : i32
    %c0_i32_0 = arith.constant 0 : i32
    %c0_i32_1 = arith.constant 0 : i32
    return %c0_i32, %c0_i32_0 : i32, i32
  }
  func.func @transform_3(%arg0: i32) -> (i32, i32) {
    %c0_i32 = arith.constant 0 : i32
    %c0_i32_0 = arith.constant 0 : i32
    %c0_i32_1 = arith.constant 0 : i32
    return %c0_i32, %c0_i32_0 : i32, i32
  }
  func.func @transform_4(%arg0: i32) -> (i32, i32) {
    %c0_i32 = arith.constant 0 : i32
    %c0_i32_0 = arith.constant 0 : i32
    %c0_i32_1 = arith.constant 0 : i32
    return %c0_i32, %c0_i32_0 : i32, i32
  }
  func.func @transform_5(%arg0: i32) -> (i32, i32) {
    %c0_i32 = arith.constant 0 : i32
    %c0_i32_0 = arith.constant 0 : i32
    %c0_i32_1 = arith.constant 0 : i32
    return %c0_i32, %c0_i32_0 : i32, i32
  }
  func.func @transform_6(%arg0: i32) -> (i32, i32) {
    %c0_i32 = arith.constant 0 : i32
    %c0_i32_0 = arith.constant 0 : i32
    %c0_i32_1 = arith.constant 0 : i32
    return %c0_i32, %c0_i32_0 : i32, i32
  }
  func.func @transform_7(%arg0: i32) -> (i32, i32) {
    %c0_i32 = arith.constant 0 : i32
    %c0_i32_0 = arith.constant 0 : i32
    %c0_i32_1 = arith.constant 0 : i32
    return %c0_i32, %c0_i32_0 : i32, i32
  }
  func.func @transform_8(%arg0: i32) -> (i32, i32) {
    %c0_i32 = arith.constant 0 : i32
    %c0_i32_0 = arith.constant 0 : i32
    return %arg0, %c0_i32 : i32, i32
  }
}

</mosaic_0001>

<sc_bundles>
// kernel: kernel.5.cloned.1.call-start
scs
__scs_entry_jumppad:
0x0: {  	(pc) =	sbr.rel $0x88, $3  }
0x1: {  	(tag) =	ssettag $0x0;
	lr =	simm.s32 $0x1  }
0x2: {  	[smem:$0x3F95] =	sst lr;
	_ =	strace $0xD0000000  }
0x3: {  	_ = 	snop  }
0x4: {  	_ = 	snop  }
0x5: {  	_ = 	snop  }
0x6: {  	_ = 	snop  }
0x7: {  	_ = 	snop  }
__scs_overlays_trampoline_lowered:
0x8: {  	[smem:$0x3FA4] =	sst s0  }
0x9: {  	[smem:$0x3FA5] =	sst s1  }
0xa: {  	[smem:$0x3FA6] =	sst s2  }
0xb: {  	[smem:$0x3FA7] =	sst s3  }
0xc: {  	[smem:$0x3FA8] =	sst s4  }
0xd: {  	[smem:$0x3FA9] =	sst s5  }
0xe: {  	[smem:$0x3FAA] =	sst s6  }
0xf: {  	[smem:$0x3FAB] =	sst s7  }
0x10: {  	[smem:$0x3FAC] =	sst s8  }
0x11: {  	[smem:$0x3FAD] =	sst s9;
	s0 =	simm.s32 @!p0 $0x0  }
0x12: {  	s1 =	sld [smem:$0x3F93];
	s0 =	simm.s32 @p0 $0x1  }
0x13: {  	[smem:$0x3FAE] =	sst s0;
	s0 =	simm.s32 @!p1 $0x0  }
0x14: {  	s2 =	sld [smem:$0x3F92];
	s0 =	simm.s32 @p1 $0x1  }
0x15: {  	[smem:$0x3FAF] =	sst s0;
	s0 =	simm.s32 @!p2 $0x0  }
0x16: {  	s3 =	sld [smem:$0x3FDB];
	s0 =	simm.s32 @p2 $0x1  }
0x17: {  	s4 =	simm.s32 $0x1BF5;
	[smem:$0x3FB1] =	sst s0  }
0x18: {  	s0 =	sld [smem:$0x3F94];
	_ =	swait.ge [sflag:s4], $0x0  }
0x19: {  	s7 =	sld [smem:$0x3F95]  }
0x1a: {  	s8 =	sadd.s32 $0xFFFFE003, lr  }
0x1b: {  	s9 =	sadd.s32 $0xFFFFFEF7, lr;
	s5 =	simm.s32 $0xFFFFFFFF;
	p2 =	slt.u32 s8, $0xFFFFF086  }
0x1c: {  	p1 =	slt.u32 s9, $0xF7A;
	s5 =	simm.s32 @!p2 $0x0  }
0x1d: {  	s5 =	simm.s32 @p1 $0x1;
	p0 =	seq.s32 s7, s2  }
0x1e: {  	s7 =	smul.u32 @!p0 $0xF7A, s2;
	p2 =	seq.s32 @!p0 s5, $0x0  }
0x1f: {  	s9 =	smul.u32 $0xF7A, s1;
	s8 =	simm.s32 @!p0 $0x1BF5;
	p2 =	por !p2, p0  }
0x20: {  	[sflag:s8] =	ssyncset.s32 @!p0 $0xFFFFF086;
	s6 =	sadd.s32 @!p0 s3, s7;
	s7 =	simm.s32 @!p0 $0x108  }
0x21: {  	s3 =	sadd.s32 s3, s9;
	s6 =	sadd.s32 @!p0 $0x88, s6;
	s7 =	simm.s32 @p2 $0x1082  }
0x22: {  	[simem:s7], [sflag:s8] =	dma.local @!p0 [hbm:s6], $0xF7A  }
0x23: {  	s9 =	sor.u32 $0xD0000000, s2;
	s6 =	simm.s32 $0x108;
	_ =	swait.ge @!p0 [sflag:s8], $0x0  }
0x24: {  	s3 =	sadd.s32 $0x88, s3;
	s6 =	simm.s32 @!p1 $0x1082;
	[sflag:s4] =	ssyncset.s32 $0xFFFFF086  }
0x25: {  	[simem:s6], [sflag:s4] =	dma.local [hbm:s3], $0xF7A  }
0x26: {  	[smem:$0x3F95] =	sst s1;
	(tag) =	ssettag s2;
	_ =	strace s9  }
0x27: {  	s1 =	sld [smem:$0x3FA5]  }
0x28: {  	s2 =	sld [smem:$0x3FA6]  }
0x29: {  	s4 =	sld [smem:$0x3FA8]  }
0x2a: {  	p0 =	seq.s32 s5, $0x0;
	s5 =	sld [smem:$0x3FA9]  }
0x2b: {  	s6 =	sld [smem:$0x3FAA]  }
0x2c: {  	s7 =	sld [smem:$0x3FAB]  }
0x2d: {  	s3 =	simm.s32 $0x108;
	s8 =	sld [smem:$0x3FAC]  }
0x2e: {  	s3 =	simm.s32 @!p0 $0x1082;
	s9 =	sld [smem:$0x3FAD]  }
0x2f: {  	lr =	sadd.s32 s0, s3;
	s0 =	sld [smem:$0x3FA4]  }
0x30: {  	s3 =	sld [smem:$0x3FA7]  }
0x31: {  	[smem:$0x3FB0] =	sst s10  }
0x32: {  	s10 =	sld [smem:$0x3FAE];
	_ =	sdelay $0x3  }
0x33: {  	p0 =	seq.s32 s10, $0x1;
	s10 =	sld [smem:$0x3FB0];
	_ =	sdelay $0x3  }
0x34: {  	[smem:$0x3FB0] =	sst s10  }
0x35: {  	s10 =	sld [smem:$0x3FAF];
	_ =	sdelay $0x3  }
0x36: {  	p1 =	seq.s32 s10, $0x1;
	s10 =	sld [smem:$0x3FB0];
	_ =	sdelay $0x3  }
0x37: {  	[smem:$0x3FB0] =	sst s10  }
0x38: {  	s10 =	sld [smem:$0x3FB1]  }
0x39: {  	_ = 	snop;
	(pc) =	sbr.ind lr, $3  }
0x3a: {  	_ = 	snop  }
0x3b: {  	_ = 	snop  }
0x3c: {  	p2 =	seq.s32 s10, $0x1;
	s10 =	sld [smem:$0x3FB0]  }
0x3d: {  	_ =	shalt  }
0x3e: {  	_ =	shalt  }
0x3f: {  	_ =	shalt  }
0x40: {  	_ =	shalt  }
0x41: {  	_ =	shalt  }
0x42: {  	_ =	shalt  }
0x43: {  	_ =	shalt  }
0x44: {  	_ =	shalt  }
0x45: {  	_ =	shalt  }
0x46: {  	_ =	shalt  }
0x47: {  	_ =	shalt  }
0x48: {  	_ =	shalt  }
0x49: {  	_ =	shalt  }
0x4a: {  	_ =	shalt  }
0x4b: {  	_ =	shalt  }
0x4c: {  	_ =	shalt  }
0x4d: {  	_ =	shalt  }
0x4e: {  	_ =	shalt  }
0x4f: {  	_ =	shalt  }
0x50: {  	_ =	shalt  }
0x51: {  	_ =	shalt  }
0x52: {  	_ =	shalt  }
0x53: {  	_ =	shalt  }
0x54: {  	_ =	shalt  }
0x55: {  	_ =	shalt  }
0x56: {  	_ =	shalt  }
0x57: {  	_ =	shalt  }
0x58: {  	_ =	shalt  }
0x59: {  	_ =	shalt  }
0x5a: {  	_ =	shalt  }
0x5b: {  	_ =	shalt  }
0x5c: {  	_ =	shalt  }
0x5d: {  	_ =	shalt  }
0x5e: {  	_ =	shalt  }
0x5f: {  	_ =	shalt  }
0x60: {  	_ =	shalt  }
0x61: {  	_ =	shalt  }
0x62: {  	_ =	shalt  }
0x63: {  	_ =	shalt  }
0x64: {  	_ =	shalt  }
0x65: {  	_ =	shalt  }
0x66: {  	_ =	shalt  }
0x67: {  	_ =	shalt  }
0x68: {  	_ =	shalt  }
0x69: {  	_ =	shalt  }
0x6a: {  	_ =	shalt  }
0x6b: {  	_ =	shalt  }
0x6c: {  	_ =	shalt  }
0x6d: {  	_ =	shalt  }
0x6e: {  	_ =	shalt  }
0x6f: {  	_ =	shalt  }
0x70: {  	_ =	shalt  }
0x71: {  	_ =	shalt  }
0x72: {  	_ =	shalt  }
0x73: {  	_ =	shalt  }
0x74: {  	_ =	shalt  }
0x75: {  	_ =	shalt  }
0x76: {  	_ =	shalt  }
0x77: {  	_ =	shalt  }
0x78: {  	_ =	shalt  }
0x79: {  	_ =	shalt  }
0x7a: {  	_ =	shalt  }
0x7b: {  	_ =	shalt  }
0x7c: {  	_ =	shalt  }
0x7d: {  	_ =	shalt  }
0x7e: {  	_ =	shalt  }
0x7f: {  	_ =	shalt  }
0x80: {  	_ =	shalt  }
0x81: {  	_ =	shalt  }
0x82: {  	_ =	shalt  }
0x83: {  	_ =	shalt  }
0x84: {  	_ =	shalt  }
0x85: {  	_ =	shalt  }
0x86: {  	_ =	shalt  }
0x87: {  	_ =	shalt  }
.Lfunc_end0:
.L_simem_size_0:
called_computation_lowered:
.L_overlay_start_0:
0x88: {  	s2 =	sld [smem:$0x3FD9]  }
0x89: {  	s3 =	sld [smem:$0x3FFE];
	_ =	sdelay $0x1  }
0x8a: {  	s1 =	srdreg.scid  }
0x8b: {  	s0 =	sand.u32 $0x1, s1  }
0x8c: {  	s17 =	sshll.u32 s0, $0xA;
	s2 =	sadd.s32 s3, s2  }
0x8d: {  	s2 =	sadd.s32 s2, s17  }
0x8e: {  	[smem:$0x3FBC] =	sst s2  }
0x8f: {  	_ = 	snop  }
0x90: {  	s2 =	sld [smem:$0x3FC9]  }
0x91: {  	s18 =	sld [smem:$0x3FC8]  }
0x92: {  	s4 =	sld [smem:$0x3FD0];
	(tm) =	ssettm $0x1  }
0x93: {  	s5 =	sld [smem:$0x3FFB];
	_ =	sdelay $0x3  }
0x94: {  	_ =	strace s5  }
0x95: {  	s5 =	sld [smem:$0x3FFC];
	_ =	sdelay $0x3  }
0x96: {  	_ =	strace s5  }
0x97: {  	s5 =	sld [smem:$0x3FFD];
	_ =	sdelay $0x3  }
0x98: {  	_ =	strace s5  }
0x99: {  	_ =	strace $0x8FFFFFFF  }
0x9a: {  	s19 =	sld [smem:$0x3FDB];
	_ =	sdelay $0x1  }
0x9b: {  	s6 =	simm.s32 $_scs_section_size  }
0x9c: {  	s7 =	simm.s32 $_size__tile_overlayer_lowered;
	s8 =	simm.s32 $_tile_overlayer_lowered  }
0x9d: {  	s22 =	simm.s32 $0x1BFF;
	s21 =	sshll.u32 s8, $0x1;
	s5 =	sadd.s32 s6, s19  }
0x9e: {  	s9 =	simm.s32 $0x0;
	s20 =	sshll.u32 s7, $0x1;
	s7 =	sadd.s32 s21, s5  }
0x9f: {  	[timem:s9], [sflag:s22] =	dma.local [hbm:s7], s20  }
0xa0: {  	_ =	swait.ge [sflag:s22], s20  }
0xa1: {  	s6 =	ssub.s32 $0x0, s20;
	[sflag:s22] =	ssyncset.done $0x0  }
0xa2: {  	[sflag:s22] =	ssyncadd.s32 s6;
	_ =	sdelay $0x1  }
0xa3: {  	s23 =	simm.s32 $0x1B8B  }
0xa4: {  	_ =	swait.ge [sflag:s23], $0x1  }
0xa5: {  	[sflag:s23] =	ssyncset.done $0x0  }
0xa6: {  	s25 =	simm.s32 $0x1B8E;
	s24 =	sld [smem:$0x3FFE];
	[sflag:s23] =	ssyncadd.s32 $0xFFFFFFFF  }
0xa7: {  	s26 =	simm.s32 $execute0_lowered;
	[smem:$0x3FD2] =	sst s25  }
0xa8: {  	s7 =	sshll.u32 s26, $0x1;
	_ =	strace $0x80000046;
	[dreg:$0x1] =	wrdreg $0xFFFFFFFF  }
0xa9: {  	s28 =	simm.s32 $_size_execute0_lowered;
	s5 =	sadd.s32 s5, s7;
	[dreg:$0x0] =	wrdreg $0x0  }
0xaa: {  	s7 =	sshll.u32 s28, $0x1;
	[dreg:$0x2] =	wrdreg s5  }
0xab: {  	[dreg:$0x3] =	wrdreg s7  }
0xac: {  	[dreg:$0x4] =	wrdreg $0xC0  }
0xad: {  	_ =	task [dreg:s9], $0x5FFFF  }
0xae: {  	[dreg:$0x1] =	wrdreg $0xFFFFFFFF  }
0xaf: {  	[dreg:$0x0] =	wrdreg $0x60  }
0xb0: {  	[dreg:$0x2] =	wrdreg s2  }
0xb1: {  	[dreg:$0x3] =	wrdreg s18  }
0xb2: {  	[dreg:$0x4] =	wrdreg s24  }
0xb3: {  	[dreg:$0x5] =	wrdreg s4  }
0xb4: {  	[dreg:$0x6] =	wrdreg $0x9  }
0xb5: {  	_ =	task.clear_ibuf [dreg:s9], $0x7FFFF;
	_ =	strace $0x90000046  }
0xb6: {  	s29 =	simm.s32 $0x9;
	_ =	strace $0x80000048  }
0xb7: {  	_ =	swait.ge [sflag:s29], $0x1  }
0xb8: {  	[sflag:s29] =	ssyncadd.s32 $0xFFFFFFFF  }
0xb9: {  	_ =	strace $0x90000048  }
0xba: {  	_ =	sfence  }
0xbb: {  	s30 =	sld [smem:$0x0];
	_ =	sdelay $0x2  }
0xbc: {  	s31 =	sshll.u32 s1, $0xD;
	s1 =	sshrl.u32 s1, $0x2  }
0xbd: {  	s3 =	sand.u32 $0x4000, s31;
	s1 =	sadd.s32 s1, s30  }
0xbe: {  	s0 =	sor.u32 s3, s0;
	s1 =	sshll.u32 s1, $0x11  }
0xbf: {  	s0 =	sor.u32 s1, s0  }
0xc0: {  	s0 =	sadd.s32 $0x8F2B, s0  }
0xc1: {  	[sflag:s0] =	ssyncadd.remote.s32 $0x1  }
0xc2: {  	_ =	sfence.sel $0xFFFF  }
0xc3: {  	[dreg:$0x0] =	wrdreg $0xFFFFFFFF;
	(pc) =	sbr.abs _section_cstart, $3  }
0xc4: {  	[dreg:$0x1] =	wrdreg $0xFFFFFFFF  }
0xc5: {  	_ =	task.clear_ibuf [dreg:s9], $0x2FFFF;
	_ =	strace $0x9FFFFFFF  }
0xc6: {  	(tm) =	ssettm $0x7FFFFFFF  }
0xc7: {  	_ =	shalt  }
tec
execute0_lowered:
.L_overlay_start_1:
0x0: {  	(tag) =	ssettag $0x1  }
0x1: {  	s0 =	rddreg [dreg:$0x0]  }
0x2: {  	s7 =	rddreg [dreg:$0x1]  }
0x3: {  	s8 =	rddreg [dreg:$0x2]  }
0x4: {  	s9 =	rddreg [dreg:$0x3]  }
0x5: {  	s2 =	simm.s32 $0x0;
	s3 =	srdreg.scid;
	s1 =	stileid.u32  }
0x6: {  	s22 =	simm.s32 $0x2800;
	s23 =	simm.s32 $0x280;
	s24 =	simm.s32 $0xA800  }
0x7: {  	s25 =	simm.s32 $0x100;
	s26 =	simm.s32 $0x4800;
	s16 =	simm.s32 $0x6800  }
0x8: {  	s28 =	simm.s32 $0x580;
	s29 =	simm.s32 $0x780;
	s30 =	simm.s32 $0x1  }
0x9: {  	s31 =	simm.s32 $0x40;
	[smem:$0x7FF] =	sst s2;
	s10 =	sand.u32 $0x1, s3  }
0xa: {  	s4 =	sshll.u32 s1, $0x1;
	_ =	strace $0x80000047;
	[dreg:$0xa] =	wrdreg s22  }
0xb: {  	s3 =	sadd.s32 $0xF43400, s8;
	s5 =	sadd.s32 $0xE00, s8;
	[dreg:$0xb] =	wrdreg s23  }
0xc: {  	s6 =	sadd.s32 $0x1F800, s8;
	s11 =	sor.u32 s10, s4;
	[dreg:$0xc] =	wrdreg s24  }
0xd: {  	s4 =	sadd.s32 $0x16E4800, s8;
	s18 =	ssub.s32 $0x2, s10;
	[dreg:$0xd] =	wrdreg s25  }
0xe: {  	[dreg:$0xe] =	wrdreg s26;
	s22 =	simm.s32 $0x600;
	s23 =	simm.s32 $0x480  }
0xf: {  	s24 =	simm.s32 $0x680;
	s25 =	simm.s32 $0x500;
	s26 =	simm.s32 $0x700  }
0x10: {  	s12 =	sshll.u32 s11, $0x6;
	s11 =	sshll.u32 s11, $0xD;
	s10 =	sshrl.u32 s18, $0x1  }
0x11: {  	s0 =	sadd.s32 s0, s12;
	s8 =	sadd.s32 s11, s8;
	s17 =	sadd.s32 s7, s12  }
0x12: {  	s7 =	ssub.s32 s18, s10;
	s21 =	sadd.s32 s9, s12;
	s9 =	simm.s32 $0x200  }
0x13: {  	v0 =	vlaneseq.u32;
	s10 =	simm.s32 $0x80;
	s11 =	simm.s32 $0x800;
	[dreg:$0x5] =	wrdreg s0  }
0x14: {  	v0 =	vmul.u32 $0x80, v0;
	s12 =	simm.s32 $0x8800;
	s18 =	simm.s32 $0xE800;
	[dreg:$0x6] =	wrdreg s17  }
0x15: {  	s19 =	sadd.s32 $0x3E200, s8;
	s20 =	sadd.s32 $0x3E208, s8;
	[dreg:$0x9] =	wrdreg s21  }
0x16: {  	v1 =	vor.u32 $0x800, v0;
	s7 =	smax.u32 s7, $0x1;
	s8 =	simm.s32 $0x3;
	s17 =	simm.s32 $0x380  }
0x17: {  	v2 =	vor.u32 $0x1000, v0;
	v3 =	vor.u32 $0x1800, v0;
	v4 =	vor.u32 $0x2000, v0;
	s21 =	simm.s32 $0x2;
	s0 =	simm.s32 $0x14800;
	[dreg:$0x7] =	wrdreg s19  }
0x18: {  	v5 =	vor.u32 $0x2800, v0;
	v6 =	vor.u32 $0x3000, v0;
	v7 =	vor.u32 $0x3800, v0;
	[dreg:$0x8] =	wrdreg s20;
	s19 =	simm.s32 $0x400;
	s20 =	simm.s32 $0x10800  }
.LBB2_1:
0x19: {  	s1 =	rddreg [dreg:$0x5]  }
0x1a: {  	[tilespmem:s2], [sflag:$0x3] =	stream.linear.gather [hbm4b:s1+s2], $0x200, $0x38;
	[tilespmem:$0x14A00] =	vst v63  }
0x1b: {  	_ =	swait.ge [sflag:s8], $0x200  }
0x1c: {  	[sflag:s8] =	ssyncset.done $0x0  }
0x1d: {  	s14 =	rddreg [dreg:$0x6];
	[sflag:s8] =	ssyncadd.s32 $0xFFFFFE00  }
0x1e: {  	[tilespmem:s9], [sflag:$0x3] =	stream.linear.gather [hbm4b:s14+s2], $0x200, $0x38;
	[tilespmem:$0x14A00] =	vst v63  }
0x1f: {  	_ =	swait.ge [sflag:s8], $0x200  }
0x20: {  	[sflag:s8] =	ssyncset.done $0x0  }
0x21: {  	[sflag:s8] =	ssyncadd.s32 $0xFFFFFE00  }
0x22: {  	v8 =	vld [tilespmem:$0x0]  }
0x23: {  	v9 =	vld [tilespmem:$0x200]  }
0x24: {  	v10 =	vld [tilespmem:$0x10]  }
0x25: {  	v11 =	vld [tilespmem:$0x210]  }
0x26: {  	v12 =	vld [tilespmem:$0x20]  }
0x27: {  	v13 =	vld [tilespmem:$0x220];
	v8 =	vshra.s32 v8, $0x7  }
0x28: {  	v22 =	vld [tilespmem:$0x30];
	[tilespmem:$0x400] =	vst v8;
	v8 =	vshra.s32 v9, $0x7  }
0x29: {  	v23 =	vld [tilespmem:$0x230];
	[tilespmem:$0x600] =	vst v8;
	v8 =	vshra.s32 v10, $0x7  }
0x2a: {  	v24 =	vld [tilespmem:$0x40];
	[tilespmem:$0x410] =	vst v8;
	v8 =	vshra.s32 v11, $0x7  }
0x2b: {  	v25 =	vld [tilespmem:$0x240];
	[tilespmem:$0x610] =	vst v8;
	v8 =	vshra.s32 v12, $0x7  }
0x2c: {  	v26 =	vld [tilespmem:$0x50];
	[tilespmem:$0x420] =	vst v8;
	v8 =	vshra.s32 v13, $0x7  }
0x2d: {  	v27 =	vld [tilespmem:$0x250];
	[tilespmem:$0x620] =	vst v8;
	v8 =	vshra.s32 v22, $0x7  }
0x2e: {  	v28 =	vld [tilespmem:$0x60];
	[tilespmem:$0x430] =	vst v8;
	v8 =	vshra.s32 v23, $0x7  }
0x2f: {  	v29 =	vld [tilespmem:$0x260];
	[tilespmem:$0x630] =	vst v8;
	v8 =	vshra.s32 v24, $0x7  }
0x30: {  	v30 =	vld [tilespmem:$0x70];
	[tilespmem:$0x440] =	vst v8;
	v8 =	vshra.s32 v25, $0x7  }
0x31: {  	v31 =	vld [tilespmem:$0x270];
	[tilespmem:$0x640] =	vst v8;
	v8 =	vshra.s32 v26, $0x7  }
0x32: {  	v32 =	vld [tilespmem:$0x80];
	[tilespmem:$0x450] =	vst v8;
	v8 =	vshra.s32 v27, $0x7  }
0x33: {  	v33 =	vld [tilespmem:$0x280];
	[tilespmem:$0x650] =	vst v8;
	v8 =	vshra.s32 v28, $0x7  }
0x34: {  	v34 =	vld [tilespmem:$0x90];
	[tilespmem:$0x460] =	vst v8;
	v8 =	vshra.s32 v29, $0x7  }
0x35: {  	v35 =	vld [tilespmem:$0x290];
	[tilespmem:$0x660] =	vst v8;
	v8 =	vshra.s32 v30, $0x7  }
0x36: {  	v36 =	vld [tilespmem:$0xA0];
	[tilespmem:$0x470] =	vst v8;
	v8 =	vshra.s32 v31, $0x7  }
0x37: {  	v37 =	vld [tilespmem:$0x2A0];
	[tilespmem:$0x670] =	vst v8;
	v8 =	vshra.s32 v32, $0x7  }
0x38: {  	v38 =	vld [tilespmem:$0xB0];
	[tilespmem:$0x480] =	vst v8;
	v8 =	vshra.s32 v33, $0x7  }
0x39: {  	v39 =	vld [tilespmem:$0x2B0];
	[tilespmem:$0x680] =	vst v8;
	v8 =	vshra.s32 v34, $0x7  }
0x3a: {  	v40 =	vld [tilespmem:$0xC0];
	[tilespmem:$0x490] =	vst v8;
	v8 =	vshra.s32 v35, $0x7  }
0x3b: {  	v41 =	vld [tilespmem:$0x2C0];
	[tilespmem:$0x690] =	vst v8;
	v8 =	vshra.s32 v36, $0x7  }
0x3c: {  	v42 =	vld [tilespmem:$0xD0];
	[tilespmem:$0x4A0] =	vst v8;
	v8 =	vshra.s32 v37, $0x7  }
0x3d: {  	v43 =	vld [tilespmem:$0x2D0];
	[tilespmem:$0x6A0] =	vst v8;
	v8 =	vshra.s32 v38, $0x7  }
0x3e: {  	v44 =	vld [tilespmem:$0xE0];
	[tilespmem:$0x4B0] =	vst v8;
	v8 =	vshra.s32 v39, $0x7  }
0x3f: {  	v45 =	vld [tilespmem:$0x2E0];
	[tilespmem:$0x6B0] =	vst v8;
	v8 =	vshra.s32 v40, $0x7  }
0x40: {  	v46 =	vld [tilespmem:$0xF0];
	[tilespmem:$0x4C0] =	vst v8;
	v8 =	vshra.s32 v41, $0x7  }
0x41: {  	v47 =	vld [tilespmem:$0x2F0];
	[tilespmem:$0x6C0] =	vst v8;
	v8 =	vshra.s32 v42, $0x7  }
0x42: {  	v48 =	vld [tilespmem:$0x100];
	[tilespmem:$0x4D0] =	vst v8;
	v8 =	vshra.s32 v43, $0x7  }
0x43: {  	v49 =	vld [tilespmem:$0x300];
	[tilespmem:$0x6D0] =	vst v8;
	v8 =	vshra.s32 v44, $0x7  }
0x44: {  	v50 =	vld [tilespmem:$0x110];
	[tilespmem:$0x4E0] =	vst v8;
	v8 =	vshra.s32 v45, $0x7  }
0x45: {  	v51 =	vld [tilespmem:$0x310];
	[tilespmem:$0x6E0] =	vst v8;
	v8 =	vshra.s32 v46, $0x7  }
0x46: {  	v52 =	vld [tilespmem:$0x120];
	[tilespmem:$0x4F0] =	vst v8;
	v8 =	vshra.s32 v47, $0x7  }
0x47: {  	v53 =	vld [tilespmem:$0x320];
	[tilespmem:$0x6F0] =	vst v8;
	v8 =	vshra.s32 v48, $0x7  }
0x48: {  	v54 =	vld [tilespmem:$0x130];
	[tilespmem:$0x500] =	vst v8;
	v8 =	vshra.s32 v49, $0x7  }
0x49: {  	v55 =	vld [tilespmem:$0x330];
	[tilespmem:$0x700] =	vst v8;
	v8 =	vshra.s32 v50, $0x7  }
0x4a: {  	v56 =	vld [tilespmem:$0x140];
	[tilespmem:$0x510] =	vst v8;
	v8 =	vshra.s32 v51, $0x7  }
0x4b: {  	v57 =	vld [tilespmem:$0x340];
	[tilespmem:$0x710] =	vst v8;
	v8 =	vshra.s32 v52, $0x7  }
0x4c: {  	v58 =	vld [tilespmem:$0x150];
	[tilespmem:$0x520] =	vst v8;
	v8 =	vshra.s32 v53, $0x7  }
0x4d: {  	v59 =	vld [tilespmem:$0x350];
	[tilespmem:$0x720] =	vst v8;
	v8 =	vshra.s32 v54, $0x7  }
0x4e: {  	v60 =	vld [tilespmem:$0x160];
	[tilespmem:$0x530] =	vst v8;
	v8 =	vshra.s32 v55, $0x7  }
0x4f: {  	v61 =	vld [tilespmem:$0x360];
	[tilespmem:$0x730] =	vst v8;
	v8 =	vshra.s32 v56, $0x7  }
0x50: {  	v62 =	vld [tilespmem:$0x170];
	[tilespmem:$0x540] =	vst v8;
	v8 =	vshra.s32 v57, $0x7  }
0x51: {  	v63 =	vld [tilespmem:$0x370];
	[tilespmem:$0x740] =	vst v8;
	v8 =	vshra.s32 v58, $0x7  }
0x52: {  	v16 =	vld [tilespmem:$0x180];
	[tilespmem:$0x550] =	vst v8;
	v8 =	vshra.s32 v59, $0x7  }
0x53: {  	v17 =	vld [tilespmem:$0x380];
	[tilespmem:$0x750] =	vst v8;
	v8 =	vshra.s32 v60, $0x7  }
0x54: {  	v18 =	vld [tilespmem:$0x190];
	[tilespmem:$0x560] =	vst v8;
	v8 =	vshra.s32 v61, $0x7  }
0x55: {  	v19 =	vld [tilespmem:$0x390];
	[tilespmem:$0x760] =	vst v8;
	v8 =	vshra.s32 v62, $0x7  }
0x56: {  	v20 =	vld [tilespmem:$0x1A0];
	[tilespmem:$0x570] =	vst v8;
	v8 =	vshra.s32 v63, $0x7  }
0x57: {  	v21 =	vld [tilespmem:$0x3A0];
	[tilespmem:$0x770] =	vst v8;
	v8 =	vshra.s32 v16, $0x7  }
0x58: {  	v22 =	vld [tilespmem:$0x1B0];
	[tilespmem:$0x580] =	vst v8;
	v8 =	vshra.s32 v17, $0x7  }
0x59: {  	v23 =	vld [tilespmem:$0x3B0];
	[tilespmem:$0x780] =	vst v8;
	v8 =	vshra.s32 v18, $0x7  }
0x5a: {  	v24 =	vld [tilespmem:$0x1C0];
	[tilespmem:$0x590] =	vst v8;
	v8 =	vshra.s32 v19, $0x7  }
0x5b: {  	v25 =	vld [tilespmem:$0x3C0];
	[tilespmem:$0x790] =	vst v8;
	v8 =	vshra.s32 v20, $0x7  }
0x5c: {  	v26 =	vld [tilespmem:$0x1D0];
	[tilespmem:$0x5A0] =	vst v8;
	v8 =	vshra.s32 v21, $0x7  }
0x5d: {  	v27 =	vld [tilespmem:$0x3D0];
	[tilespmem:$0x7A0] =	vst v8;
	v8 =	vshra.s32 v22, $0x7  }
0x5e: {  	v28 =	vld [tilespmem:$0x1E0];
	[tilespmem:$0x5B0] =	vst v8;
	v8 =	vshra.s32 v23, $0x7  }
0x5f: {  	v29 =	vld [tilespmem:$0x3E0];
	[tilespmem:$0x7B0] =	vst v8;
	v8 =	vshra.s32 v24, $0x7  }
0x60: {  	v30 =	vld [tilespmem:$0x1F0];
	[tilespmem:$0x5C0] =	vst v8;
	v8 =	vshra.s32 v25, $0x7  }
0x61: {  	v31 =	vld [tilespmem:$0x3F0];
	[tilespmem:$0x7C0] =	vst v8;
	v8 =	vshra.s32 v26, $0x7  }
0x62: {  	[tilespmem:$0x5D0] =	vst v8;
	v8 =	vshra.s32 v27, $0x7  }
0x63: {  	[tilespmem:$0x7D0] =	vst v8;
	v8 =	vshra.s32 v28, $0x7  }
0x64: {  	[tilespmem:$0x5E0] =	vst v8;
	v8 =	vshra.s32 v29, $0x7  }
0x65: {  	[tilespmem:$0x7E0] =	vst v8;
	v8 =	vshra.s32 v30, $0x7  }
0x66: {  	[tilespmem:$0x5F0] =	vst v8;
	v8 =	vshra.s32 v31, $0x7  }
0x67: {  	s15 =	rddreg [dreg:$0xa];
	[tilespmem:$0x7F0] =	vst v8  }
0x68: {  	[tilespmem:s11], [sflag:$0x1] =	stream.indirect.gather [hbm4b:s3+s10], $0x40, s2, s10, $0xb8;
	[tilespmem:$0x14A00] =	vst v63  }
0x69: {  	s1 =	rddreg [dreg:$0xb]  }
0x6a: {  	[tilespmem:s12], [sflag:$0x1] =	stream.indirect.gather [hbm4b:s4+s10], $0x40, s9, s10, $0xb8;
	[tilespmem:$0x14A00] =	vst v63  }
0x6b: {  	s13 =	rddreg [dreg:$0xc]  }
0x6c: {  	[tilespmem:s15], [sflag:$0x1] =	stream.indirect.gather [hbm4b:s3+s10], $0x40, s10, s10, $0xb8;
	[tilespmem:$0x14A00] =	vst v63  }
0x6d: {  	s14 =	rddreg [dreg:$0xd]  }
0x6e: {  	[tilespmem:s13], [sflag:$0x1] =	stream.indirect.gather [hbm4b:s4+s10], $0x40, s1, s10, $0xb8;
	[tilespmem:$0x14A00] =	vst v63  }
0x6f: {  	s15 =	rddreg [dreg:$0xe]  }
0x70: {  	[tilespmem:s15], [sflag:$0x1] =	stream.indirect.gather [hbm4b:s3+s10], $0x40, s14, s10, $0xb8;
	[tilespmem:$0x14A00] =	vst v63  }
0x71: {  	s13 =	simm.s32 $0x300;
	s14 =	simm.s32 $0xC800  }
0x72: {  	[tilespmem:s14], [sflag:$0x1] =	stream.indirect.gather [hbm4b:s4+s10], $0x40, s13, s10, $0xb8;
	[tilespmem:$0x14A00] =	vst v63  }
0x73: {  	s15 =	simm.s32 $0x180  }
0x74: {  	[tilespmem:s16], [sflag:$0x1] =	stream.indirect.gather [hbm4b:s3+s10], $0x40, s15, s10, $0xb8;
	[tilespmem:$0x14A00] =	vst v63  }
0x75: {  	_ = 	snop  }
0x76: {  	[tilespmem:s18], [sflag:$0x1] =	stream.indirect.gather [hbm4b:s4+s10], $0x40, s17, s10, $0xb8;
	[tilespmem:$0x14A00] =	vst v63  }
0x77: {  	_ = 	snop  }
0x78: {  	[tilespmem:s20], [sflag:$0x2] =	stream.indirect.gather [hbm4b:s5+s10], $0x80, s19, s10, $0xb8;
	[tilespmem:$0x14A00] =	vst v63  }
0x79: {  	_ =	swait.ge [sflag:s21], $0x4000  }
0x7a: {  	[sflag:s21] =	ssyncset.done $0x0  }
0x7b: {  	[sflag:s21] =	ssyncadd.s32 $0xFFFFC000  }
0x7c: {  	v8 =	vld [tilespmem:$0x0];
	_ =	sdelay $0x4  }
0x7d: {  	v8 =	vand.u32 $0x7F, v8  }
0x7e: {  	v32 =	vld [tilespmem:$0x10];
	v8 =	vor.u32 v0, v8;
	_ =	sdelay $0x4  }
0x7f: {  	v9 =	vand.u32 $0x7F, v32;
	v8 =	vld.idx.msk [tilespmem:v8+s20+$0x0], $0xffff  }
0x80: {  	v33 =	vld [tilespmem:$0x20];
	v9 =	vor.u32 v1, v9;
	_ =	sdelay $0x3  }
0x81: {  	[tilespmem:$0x14800] =	vst v8  }
0x82: {  	v34 =	vand.u32 $0x7F, v33;
	v8 =	vld.idx.msk [tilespmem:v9+s20+$0x0], $0xffff  }
0x83: {  	v35 =	vld [tilespmem:$0x30];
	v9 =	vor.u32 v2, v34;
	_ =	sdelay $0x3  }
0x84: {  	[tilespmem:$0x14810] =	vst v8  }
0x85: {  	v36 =	vand.u32 $0x7F, v35;
	v8 =	vld.idx.msk [tilespmem:v9+s20+$0x0], $0xffff  }
0x86: {  	v37 =	vld [tilespmem:$0x40];
	v9 =	vor.u32 v3, v36;
	_ =	sdelay $0x3  }
0x87: {  	[tilespmem:$0x14820] =	vst v8  }
0x88: {  	v38 =	vand.u32 $0x7F, v37;
	v8 =	vld.idx.msk [tilespmem:v9+s20+$0x0], $0xffff  }
0x89: {  	v39 =	vld [tilespmem:$0x50];
	v9 =	vor.u32 v4, v38;
	_ =	sdelay $0x3  }
0x8a: {  	[tilespmem:$0x14830] =	vst v8  }
0x8b: {  	v40 =	vand.u32 $0x7F, v39;
	v8 =	vld.idx.msk [tilespmem:v9+s20+$0x0], $0xffff  }
0x8c: {  	v41 =	vld [tilespmem:$0x60];
	v9 =	vor.u32 v5, v40;
	_ =	sdelay $0x3  }
0x8d: {  	[tilespmem:$0x14840] =	vst v8  }
0x8e: {  	v42 =	vand.u32 $0x7F, v41;
	v8 =	vld.idx.msk [tilespmem:v9+s20+$0x0], $0xffff  }
0x8f: {  	v43 =	vld [tilespmem:$0x70];
	v9 =	vor.u32 v6, v42;
	_ =	sdelay $0x3  }
0x90: {  	[tilespmem:$0x14850] =	vst v8  }
0x91: {  	v44 =	vand.u32 $0x7F, v43;
	v8 =	vld.idx.msk [tilespmem:v9+s20+$0x0], $0xffff  }
0x92: {  	v9 =	vor.u32 v7, v44;
	_ =	sdelay $0x3  }
0x93: {  	[tilespmem:$0x14860] =	vst v8  }
0x94: {  	v8 =	vld.idx.msk [tilespmem:v9+s20+$0x0], $0xffff;
	_ =	sdelay $0x4  }
0x95: {  	[tilespmem:$0x14870] =	vst v8  }
0x96: {  	[tilespmem:s20], [sflag:$0x2] =	stream.indirect.gather [hbm4b:s6+s10], $0x80, s22, s10, $0xb8;
	[tilespmem:$0x14A00] =	vst v63  }
0x97: {  	_ =	swait.ge [sflag:s21], $0x4000  }
0x98: {  	[sflag:s21] =	ssyncset.done $0x0  }
0x99: {  	[sflag:s21] =	ssyncadd.s32 $0xFFFFC000  }
0x9a: {  	v8 =	vld [tilespmem:$0x200];
	_ =	sdelay $0x4  }
0x9b: {  	v8 =	vand.u32 $0x7F, v8  }
0x9c: {  	v8 =	vor.u32 v0, v8;
	_ =	sdelay $0x1  }
0x9d: {  	v45 =	vld [tilespmem:$0x210];
	_ =	sdelay $0x1  }
0x9e: {  	v46 =	vld [tilespmem:$0x14800]  }
0x9f: {  	v8 =	vld.idx.msk [tilespmem:v8+s20+$0x0], $0xffff;
	_ =	sdelay $0x1  }
0xa0: {  	v9 =	vand.u32 $0x7F, v45  }
0xa1: {  	v9 =	vor.u32 v1, v9;
	_ =	sdelay $0x1  }
0xa2: {  	v47 =	vld [tilespmem:$0x220];
	v8 =	vadd.f32 v8, v46;
	_ =	sdelay $0x1  }
0xa3: {  	[tilespmem:$0x14800] =	vst v8;
	v8 =	vld [tilespmem:$0x14810]  }
0xa4: {  	v9 =	vld.idx.msk [tilespmem:v9+s20+$0x0], $0xffff;
	_ =	sdelay $0x1  }
0xa5: {  	v10 =	vand.u32 $0x7F, v47  }
0xa6: {  	v10 =	vor.u32 v2, v10;
	_ =	sdelay $0x1  }
0xa7: {  	v48 =	vld [tilespmem:$0x230];
	v8 =	vadd.f32 v9, v8;
	_ =	sdelay $0x1  }
0xa8: {  	[tilespmem:$0x14810] =	vst v8;
	v8 =	vld [tilespmem:$0x14820]  }
0xa9: {  	v10 =	vld.idx.msk [tilespmem:v10+s20+$0x0], $0xffff;
	_ =	sdelay $0x1  }
0xaa: {  	v9 =	vand.u32 $0x7F, v48  }
0xab: {  	v9 =	vor.u32 v3, v9;
	_ =	sdelay $0x1  }
0xac: {  	v49 =	vld [tilespmem:$0x240];
	v8 =	vadd.f32 v10, v8;
	_ =	sdelay $0x1  }
0xad: {  	[tilespmem:$0x14820] =	vst v8;
	v8 =	vld [tilespmem:$0x14830]  }
0xae: {  	v9 =	vld.idx.msk [tilespmem:v9+s20+$0x0], $0xffff;
	_ =	sdelay $0x1  }
0xaf: {  	v10 =	vand.u32 $0x7F, v49  }
0xb0: {  	v10 =	vor.u32 v4, v10;
	_ =	sdelay $0x1  }
0xb1: {  	v50 =	vld [tilespmem:$0x250];
	v8 =	vadd.f32 v9, v8;
	_ =	sdelay $0x1  }
0xb2: {  	[tilespmem:$0x14830] =	vst v8;
	v8 =	vld [tilespmem:$0x14840]  }
0xb3: {  	v10 =	vld.idx.msk [tilespmem:v10+s20+$0x0], $0xffff;
	_ =	sdelay $0x1  }
0xb4: {  	v9 =	vand.u32 $0x7F, v50  }
0xb5: {  	v9 =	vor.u32 v5, v9;
	_ =	sdelay $0x1  }
0xb6: {  	v51 =	vld [tilespmem:$0x260];
	v8 =	vadd.f32 v10, v8;
	_ =	sdelay $0x1  }
0xb7: {  	[tilespmem:$0x14840] =	vst v8;
	v8 =	vld [tilespmem:$0x14850]  }
0xb8: {  	v9 =	vld.idx.msk [tilespmem:v9+s20+$0x0], $0xffff;
	_ =	sdelay $0x1  }
0xb9: {  	v10 =	vand.u32 $0x7F, v51  }
0xba: {  	v10 =	vor.u32 v6, v10;
	_ =	sdelay $0x1  }
0xbb: {  	v52 =	vld [tilespmem:$0x270];
	v8 =	vadd.f32 v9, v8;
	_ =	sdelay $0x1  }
0xbc: {  	[tilespmem:$0x14850] =	vst v8;
	v8 =	vld [tilespmem:$0x14860]  }
0xbd: {  	v10 =	vld.idx.msk [tilespmem:v10+s20+$0x0], $0xffff;
	_ =	sdelay $0x1  }
0xbe: {  	v9 =	vand.u32 $0x7F, v52  }
0xbf: {  	v9 =	vor.u32 v7, v9;
	_ =	sdelay $0x1  }
0xc0: {  	v8 =	vadd.f32 v10, v8;
	_ =	sdelay $0x1  }
0xc1: {  	[tilespmem:$0x14860] =	vst v8;
	v8 =	vld [tilespmem:$0x14870]  }
0xc2: {  	v9 =	vld.idx.msk [tilespmem:v9+s20+$0x0], $0xffff;
	_ =	sdelay $0x4  }
0xc3: {  	v8 =	vadd.f32 v9, v8;
	_ =	sdelay $0x1  }
0xc4: {  	[tilespmem:$0x14870] =	vst v8  }
0xc5: {  	[tilespmem:s20], [sflag:$0x2] =	stream.indirect.gather [hbm4b:s5+s10], $0x80, s23, s10, $0xb8;
	[tilespmem:$0x14A00] =	vst v63  }
0xc6: {  	_ =	swait.ge [sflag:s21], $0x4000  }
0xc7: {  	[sflag:s21] =	ssyncset.done $0x0  }
0xc8: {  	[sflag:s21] =	ssyncadd.s32 $0xFFFFC000  }
0xc9: {  	v8 =	vld [tilespmem:$0x80];
	_ =	sdelay $0x4  }
0xca: {  	v8 =	vand.u32 $0x7F, v8  }
0xcb: {  	v53 =	vld [tilespmem:$0x90];
	v8 =	vor.u32 v0, v8;
	_ =	sdelay $0x4  }
0xcc: {  	v9 =	vand.u32 $0x7F, v53;
	v8 =	vld.idx.msk [tilespmem:v8+s20+$0x0], $0xffff  }
0xcd: {  	v54 =	vld [tilespmem:$0xA0];
	v9 =	vor.u32 v1, v9;
	_ =	sdelay $0x3  }
0xce: {  	[tilespmem:$0x14880] =	vst v8  }
0xcf: {  	v55 =	vand.u32 $0x7F, v54;
	v8 =	vld.idx.msk [tilespmem:v9+s20+$0x0], $0xffff  }
0xd0: {  	v56 =	vld [tilespmem:$0xB0];
	v9 =	vor.u32 v2, v55;
	_ =	sdelay $0x3  }
0xd1: {  	[tilespmem:$0x14890] =	vst v8  }
0xd2: {  	v57 =	vand.u32 $0x7F, v56;
	v8 =	vld.idx.msk [tilespmem:v9+s20+$0x0], $0xffff  }
0xd3: {  	v58 =	vld [tilespmem:$0xC0];
	v9 =	vor.u32 v3, v57;
	_ =	sdelay $0x3  }
0xd4: {  	[tilespmem:$0x148A0] =	vst v8  }
0xd5: {  	v59 =	vand.u32 $0x7F, v58;
	v8 =	vld.idx.msk [tilespmem:v9+s20+$0x0], $0xffff  }
0xd6: {  	v60 =	vld [tilespmem:$0xD0];
	v9 =	vor.u32 v4, v59;
	_ =	sdelay $0x3  }
0xd7: {  	[tilespmem:$0x148B0] =	vst v8  }
0xd8: {  	v61 =	vand.u32 $0x7F, v60;
	v8 =	vld.idx.msk [tilespmem:v9+s20+$0x0], $0xffff  }
0xd9: {  	v62 =	vld [tilespmem:$0xE0];
	v9 =	vor.u32 v5, v61;
	_ =	sdelay $0x3  }
0xda: {  	[tilespmem:$0x148C0] =	vst v8  }
0xdb: {  	v63 =	vand.u32 $0x7F, v62;
	v8 =	vld.idx.msk [tilespmem:v9+s20+$0x0], $0xffff  }
0xdc: {  	v12 =	vld [tilespmem:$0xF0];
	v9 =	vor.u32 v6, v63;
	_ =	sdelay $0x3  }
0xdd: {  	[tilespmem:$0x148D0] =	vst v8  }
0xde: {  	v13 =	vand.u32 $0x7F, v12;
	v8 =	vld.idx.msk [tilespmem:v9+s20+$0x0], $0xffff  }
0xdf: {  	v9 =	vor.u32 v7, v13;
	_ =	sdelay $0x3  }
0xe0: {  	[tilespmem:$0x148E0] =	vst v8  }
0xe1: {  	v8 =	vld.idx.msk [tilespmem:v9+s20+$0x0], $0xffff;
	_ =	sdelay $0x4  }
0xe2: {  	[tilespmem:$0x148F0] =	vst v8  }
0xe3: {  	[tilespmem:s20], [sflag:$0x2] =	stream.indirect.gather [hbm4b:s6+s10], $0x80, s24, s10, $0xb8;
	[tilespmem:$0x14A00] =	vst v63  }
0xe4: {  	_ =	swait.ge [sflag:s21], $0x4000  }
0xe5: {  	[sflag:s21] =	ssyncset.done $0x0  }
0xe6: {  	[sflag:s21] =	ssyncadd.s32 $0xFFFFC000  }
0xe7: {  	v8 =	vld [tilespmem:$0x280];
	_ =	sdelay $0x4  }
0xe8: {  	v8 =	vand.u32 $0x7F, v8  }
0xe9: {  	v8 =	vor.u32 v0, v8;
	_ =	sdelay $0x1  }
0xea: {  	v14 =	vld [tilespmem:$0x290];
	_ =	sdelay $0x1  }
0xeb: {  	v15 =	vld [tilespmem:$0x14880]  }
0xec: {  	v8 =	vld.idx.msk [tilespmem:v8+s20+$0x0], $0xffff;
	_ =	sdelay $0x1  }
0xed: {  	v9 =	vand.u32 $0x7F, v14  }
0xee: {  	v9 =	vor.u32 v1, v9;
	_ =	sdelay $0x1  }
0xef: {  	v16 =	vld [tilespmem:$0x2A0];
	v8 =	vadd.f32 v8, v15;
	_ =	sdelay $0x1  }
0xf0: {  	[tilespmem:$0x14880] =	vst v8;
	v8 =	vld [tilespmem:$0x14890]  }
0xf1: {  	v9 =	vld.idx.msk [tilespmem:v9+s20+$0x0], $0xffff;
	_ =	sdelay $0x1  }
0xf2: {  	v10 =	vand.u32 $0x7F, v16  }
0xf3: {  	v10 =	vor.u32 v2, v10;
	_ =	sdelay $0x1  }
0xf4: {  	v17 =	vld [tilespmem:$0x2B0];
	v8 =	vadd.f32 v9, v8;
	_ =	sdelay $0x1  }
0xf5: {  	[tilespmem:$0x14890] =	vst v8;
	v8 =	vld [tilespmem:$0x148A0]  }
0xf6: {  	v10 =	vld.idx.msk [tilespmem:v10+s20+$0x0], $0xffff;
	_ =	sdelay $0x1  }
0xf7: {  	v9 =	vand.u32 $0x7F, v17  }
0xf8: {  	v9 =	vor.u32 v3, v9;
	_ =	sdelay $0x1  }
0xf9: {  	v18 =	vld [tilespmem:$0x2C0];
	v8 =	vadd.f32 v10, v8;
	_ =	sdelay $0x1  }
0xfa: {  	[tilespmem:$0x148A0] =	vst v8;
	v8 =	vld [tilespmem:$0x148B0]  }
0xfb: {  	v9 =	vld.idx.msk [tilespmem:v9+s20+$0x0], $0xffff;
	_ =	sdelay $0x1  }
0xfc: {  	v10 =	vand.u32 $0x7F, v18  }
0xfd: {  	v10 =	vor.u32 v4, v10;
	_ =	sdelay $0x1  }
0xfe: {  	v19 =	vld [tilespmem:$0x2D0];
	v8 =	vadd.f32 v9, v8;
	_ =	sdelay $0x1  }
0xff: {  	[tilespmem:$0x148B0] =	vst v8;
	v8 =	vld [tilespmem:$0x148C0]  }
0x100: {  	v10 =	vld.idx.msk [tilespmem:v10+s20+$0x0], $0xffff;
	_ =	sdelay $0x1  }
0x101: {  	v9 =	vand.u32 $0x7F, v19  }
0x102: {  	v9 =	vor.u32 v5, v9;
	_ =	sdelay $0x1  }
0x103: {  	v20 =	vld [tilespmem:$0x2E0];
	v8 =	vadd.f32 v10, v8;
	_ =	sdelay $0x1  }
0x104: {  	[tilespmem:$0x148C0] =	vst v8;
	v8 =	vld [tilespmem:$0x148D0]  }
0x105: {  	v9 =	vld.idx.msk [tilespmem:v9+s20+$0x0], $0xffff;
	_ =	sdelay $0x1  }
0x106: {  	v10 =	vand.u32 $0x7F, v20  }
0x107: {  	v10 =	vor.u32 v6, v10;
	_ =	sdelay $0x1  }
0x108: {  	v21 =	vld [tilespmem:$0x2F0];
	v8 =	vadd.f32 v9, v8;
	_ =	sdelay $0x1  }
0x109: {  	[tilespmem:$0x148D0] =	vst v8;
	v8 =	vld [tilespmem:$0x148E0]  }
0x10a: {  	v10 =	vld.idx.msk [tilespmem:v10+s20+$0x0], $0xffff;
	_ =	sdelay $0x1  }
0x10b: {  	v9 =	vand.u32 $0x7F, v21  }
0x10c: {  	v9 =	vor.u32 v7, v9;
	_ =	sdelay $0x1  }
0x10d: {  	v8 =	vadd.f32 v10, v8;
	_ =	sdelay $0x1  }
0x10e: {  	[tilespmem:$0x148E0] =	vst v8;
	v8 =	vld [tilespmem:$0x148F0]  }
0x10f: {  	v9 =	vld.idx.msk [tilespmem:v9+s20+$0x0], $0xffff;
	_ =	sdelay $0x4  }
0x110: {  	v8 =	vadd.f32 v9, v8;
	_ =	sdelay $0x1  }
0x111: {  	[tilespmem:$0x148F0] =	vst v8  }
0x112: {  	[tilespmem:s20], [sflag:$0x2] =	stream.indirect.gather [hbm4b:s5+s10], $0x80, s25, s10, $0xb8;
	[tilespmem:$0x14A00] =	vst v63  }
0x113: {  	_ =	swait.ge [sflag:s21], $0x4000  }
0x114: {  	[sflag:s21] =	ssyncset.done $0x0  }
0x115: {  	[sflag:s21] =	ssyncadd.s32 $0xFFFFC000  }
0x116: {  	v8 =	vld [tilespmem:$0x100];
	_ =	sdelay $0x4  }
0x117: {  	v8 =	vand.u32 $0x7F, v8  }
0x118: {  	v22 =	vld [tilespmem:$0x110];
	v8 =	vor.u32 v0, v8;
	_ =	sdelay $0x4  }
0x119: {  	v9 =	vand.u32 $0x7F, v22;
	v8 =	vld.idx.msk [tilespmem:v8+s20+$0x0], $0xffff  }
0x11a: {  	v23 =	vld [tilespmem:$0x120];
	v9 =	vor.u32 v1, v9;
	_ =	sdelay $0x3  }
0x11b: {  	[tilespmem:$0x14900] =	vst v8  }
0x11c: {  	v24 =	vand.u32 $0x7F, v23;
	v8 =	vld.idx.msk [tilespmem:v9+s20+$0x0], $0xffff  }
0x11d: {  	v25 =	vld [tilespmem:$0x130];
	v9 =	vor.u32 v2, v24;
	_ =	sdelay $0x3  }
0x11e: {  	[tilespmem:$0x14910] =	vst v8  }
0x11f: {  	v26 =	vand.u32 $0x7F, v25;
	v8 =	vld.idx.msk [tilespmem:v9+s20+$0x0], $0xffff  }
0x120: {  	v27 =	vld [tilespmem:$0x140];
	v9 =	vor.u32 v3, v26;
	_ =	sdelay $0x3  }
0x121: {  	[tilespmem:$0x14920] =	vst v8  }
0x122: {  	v28 =	vand.u32 $0x7F, v27;
	v8 =	vld.idx.msk [tilespmem:v9+s20+$0x0], $0xffff  }
0x123: {  	v29 =	vld [tilespmem:$0x150];
	v9 =	vor.u32 v4, v28;
	_ =	sdelay $0x3  }
0x124: {  	[tilespmem:$0x14930] =	vst v8  }
0x125: {  	v30 =	vand.u32 $0x7F, v29;
	v8 =	vld.idx.msk [tilespmem:v9+s20+$0x0], $0xffff  }
0x126: {  	v31 =	vld [tilespmem:$0x160];
	v9 =	vor.u32 v5, v30;
	_ =	sdelay $0x3  }
0x127: {  	[tilespmem:$0x14940] =	vst v8  }
0x128: {  	v32 =	vand.u32 $0x7F, v31;
	v8 =	vld.idx.msk [tilespmem:v9+s20+$0x0], $0xffff  }
0x129: {  	v33 =	vld [tilespmem:$0x170];
	v9 =	vor.u32 v6, v32;
	_ =	sdelay $0x3  }
0x12a: {  	[tilespmem:$0x14950] =	vst v8  }
0x12b: {  	v34 =	vand.u32 $0x7F, v33;
	v8 =	vld.idx.msk [tilespmem:v9+s20+$0x0], $0xffff  }
0x12c: {  	v9 =	vor.u32 v7, v34;
	_ =	sdelay $0x3  }
0x12d: {  	[tilespmem:$0x14960] =	vst v8  }
0x12e: {  	v8 =	vld.idx.msk [tilespmem:v9+s20+$0x0], $0xffff;
	_ =	sdelay $0x4  }
0x12f: {  	[tilespmem:$0x14970] =	vst v8  }
0x130: {  	[tilespmem:s20], [sflag:$0x2] =	stream.indirect.gather [hbm4b:s6+s10], $0x80, s26, s10, $0xb8;
	[tilespmem:$0x14A00] =	vst v63  }
0x131: {  	_ =	swait.ge [sflag:s21], $0x4000  }
0x132: {  	[sflag:s21] =	ssyncset.done $0x0  }
0x133: {  	[sflag:s21] =	ssyncadd.s32 $0xFFFFC000  }
0x134: {  	v8 =	vld [tilespmem:$0x300];
	_ =	sdelay $0x4  }
0x135: {  	v8 =	vand.u32 $0x7F, v8  }
0x136: {  	v8 =	vor.u32 v0, v8;
	_ =	sdelay $0x1  }
0x137: {  	v35 =	vld [tilespmem:$0x310];
	_ =	sdelay $0x1  }
0x138: {  	v36 =	vld [tilespmem:$0x14900]  }
0x139: {  	v8 =	vld.idx.msk [tilespmem:v8+s20+$0x0], $0xffff;
	_ =	sdelay $0x1  }
0x13a: {  	v9 =	vand.u32 $0x7F, v35  }
0x13b: {  	v9 =	vor.u32 v1, v9;
	_ =	sdelay $0x1  }
0x13c: {  	v37 =	vld [tilespmem:$0x320];
	v8 =	vadd.f32 v8, v36;
	_ =	sdelay $0x1  }
0x13d: {  	[tilespmem:$0x14900] =	vst v8;
	v8 =	vld [tilespmem:$0x14910]  }
0x13e: {  	v9 =	vld.idx.msk [tilespmem:v9+s20+$0x0], $0xffff;
	_ =	sdelay $0x1  }
0x13f: {  	v10 =	vand.u32 $0x7F, v37  }
0x140: {  	v10 =	vor.u32 v2, v10;
	_ =	sdelay $0x1  }
0x141: {  	v38 =	vld [tilespmem:$0x330];
	v8 =	vadd.f32 v9, v8;
	_ =	sdelay $0x1  }
0x142: {  	[tilespmem:$0x14910] =	vst v8;
	v8 =	vld [tilespmem:$0x14920]  }
0x143: {  	v10 =	vld.idx.msk [tilespmem:v10+s20+$0x0], $0xffff;
	_ =	sdelay $0x1  }
0x144: {  	v9 =	vand.u32 $0x7F, v38  }
0x145: {  	v9 =	vor.u32 v3, v9;
	_ =	sdelay $0x1  }
0x146: {  	v39 =	vld [tilespmem:$0x340];
	v8 =	vadd.f32 v10, v8;
	_ =	sdelay $0x1  }
0x147: {  	[tilespmem:$0x14920] =	vst v8;
	v8 =	vld [tilespmem:$0x14930]  }
0x148: {  	v9 =	vld.idx.msk [tilespmem:v9+s20+$0x0], $0xffff;
	_ =	sdelay $0x1  }
0x149: {  	v10 =	vand.u32 $0x7F, v39  }
0x14a: {  	v10 =	vor.u32 v4, v10;
	_ =	sdelay $0x1  }
0x14b: {  	v40 =	vld [tilespmem:$0x350];
	v8 =	vadd.f32 v9, v8;
	_ =	sdelay $0x1  }
0x14c: {  	[tilespmem:$0x14930] =	vst v8;
	v8 =	vld [tilespmem:$0x14940]  }
0x14d: {  	v10 =	vld.idx.msk [tilespmem:v10+s20+$0x0], $0xffff;
	_ =	sdelay $0x1  }
0x14e: {  	v9 =	vand.u32 $0x7F, v40  }
0x14f: {  	v9 =	vor.u32 v5, v9;
	_ =	sdelay $0x1  }
0x150: {  	v41 =	vld [tilespmem:$0x360];
	v8 =	vadd.f32 v10, v8;
	_ =	sdelay $0x1  }
0x151: {  	[tilespmem:$0x14940] =	vst v8;
	v8 =	vld [tilespmem:$0x14950]  }
0x152: {  	v9 =	vld.idx.msk [tilespmem:v9+s20+$0x0], $0xffff;
	_ =	sdelay $0x1  }
0x153: {  	v10 =	vand.u32 $0x7F, v41  }
0x154: {  	v10 =	vor.u32 v6, v10;
	_ =	sdelay $0x1  }
0x155: {  	v42 =	vld [tilespmem:$0x370];
	v8 =	vadd.f32 v9, v8;
	_ =	sdelay $0x1  }
0x156: {  	[tilespmem:$0x14950] =	vst v8;
	v8 =	vld [tilespmem:$0x14960]  }
0x157: {  	v10 =	vld.idx.msk [tilespmem:v10+s20+$0x0], $0xffff;
	_ =	sdelay $0x1  }
0x158: {  	v9 =	vand.u32 $0x7F, v42  }
0x159: {  	v9 =	vor.u32 v7, v9;
	_ =	sdelay $0x1  }
0x15a: {  	v8 =	vadd.f32 v10, v8;
	_ =	sdelay $0x1  }
0x15b: {  	[tilespmem:$0x14960] =	vst v8;
	v8 =	vld [tilespmem:$0x14970]  }
0x15c: {  	v9 =	vld.idx.msk [tilespmem:v9+s20+$0x0], $0xffff;
	_ =	sdelay $0x4  }
0x15d: {  	v8 =	vadd.f32 v9, v8;
	_ =	sdelay $0x1  }
0x15e: {  	[tilespmem:$0x14970] =	vst v8  }
0x15f: {  	[tilespmem:s20], [sflag:$0x2] =	stream.indirect.gather [hbm4b:s5+s10], $0x80, s28, s10, $0xb8;
	[tilespmem:$0x14A00] =	vst v63  }
0x160: {  	_ =	swait.ge [sflag:s21], $0x4000  }
0x161: {  	[sflag:s21] =	ssyncset.done $0x0  }
0x162: {  	[sflag:s21] =	ssyncadd.s32 $0xFFFFC000  }
0x163: {  	v8 =	vld [tilespmem:$0x180];
	_ =	sdelay $0x4  }
0x164: {  	v8 =	vand.u32 $0x7F, v8  }
0x165: {  	v43 =	vld [tilespmem:$0x190];
	v8 =	vor.u32 v0, v8;
	_ =	sdelay $0x4  }
0x166: {  	v9 =	vand.u32 $0x7F, v43;
	v8 =	vld.idx.msk [tilespmem:v8+s20+$0x0], $0xffff  }
0x167: {  	v44 =	vld [tilespmem:$0x1A0];
	v9 =	vor.u32 v1, v9;
	_ =	sdelay $0x3  }
0x168: {  	[tilespmem:$0x14980] =	vst v8  }
0x169: {  	v45 =	vand.u32 $0x7F, v44;
	v8 =	vld.idx.msk [tilespmem:v9+s20+$0x0], $0xffff  }
0x16a: {  	v46 =	vld [tilespmem:$0x1B0];
	v9 =	vor.u32 v2, v45;
	_ =	sdelay $0x3  }
0x16b: {  	[tilespmem:$0x14990] =	vst v8  }
0x16c: {  	v47 =	vand.u32 $0x7F, v46;
	v8 =	vld.idx.msk [tilespmem:v9+s20+$0x0], $0xffff  }
0x16d: {  	v48 =	vld [tilespmem:$0x1C0];
	v9 =	vor.u32 v3, v47;
	_ =	sdelay $0x3  }
0x16e: {  	[tilespmem:$0x149A0] =	vst v8  }
0x16f: {  	v49 =	vand.u32 $0x7F, v48;
	v8 =	vld.idx.msk [tilespmem:v9+s20+$0x0], $0xffff  }
0x170: {  	v50 =	vld [tilespmem:$0x1D0];
	v9 =	vor.u32 v4, v49;
	_ =	sdelay $0x3  }
0x171: {  	[tilespmem:$0x149B0] =	vst v8  }
0x172: {  	v51 =	vand.u32 $0x7F, v50;
	v8 =	vld.idx.msk [tilespmem:v9+s20+$0x0], $0xffff  }
0x173: {  	v52 =	vld [tilespmem:$0x1E0];
	v9 =	vor.u32 v5, v51;
	_ =	sdelay $0x3  }
0x174: {  	[tilespmem:$0x149C0] =	vst v8  }
0x175: {  	v53 =	vand.u32 $0x7F, v52;
	v8 =	vld.idx.msk [tilespmem:v9+s20+$0x0], $0xffff  }
0x176: {  	v54 =	vld [tilespmem:$0x1F0];
	v9 =	vor.u32 v6, v53;
	_ =	sdelay $0x3  }
0x177: {  	[tilespmem:$0x149D0] =	vst v8  }
0x178: {  	v55 =	vand.u32 $0x7F, v54;
	v8 =	vld.idx.msk [tilespmem:v9+s20+$0x0], $0xffff  }
0x179: {  	v9 =	vor.u32 v7, v55;
	_ =	sdelay $0x3  }
0x17a: {  	[tilespmem:$0x149E0] =	vst v8  }
0x17b: {  	v8 =	vld.idx.msk [tilespmem:v9+s20+$0x0], $0xffff;
	_ =	sdelay $0x4  }
0x17c: {  	[tilespmem:$0x149F0] =	vst v8  }
0x17d: {  	[tilespmem:s20], [sflag:$0x2] =	stream.indirect.gather [hbm4b:s6+s10], $0x80, s29, s10, $0xb8;
	[tilespmem:$0x14A00] =	vst v63  }
0x17e: {  	_ =	swait.ge [sflag:s21], $0x4000  }
0x17f: {  	[sflag:s21] =	ssyncset.done $0x0  }
0x180: {  	[sflag:s21] =	ssyncadd.s32 $0xFFFFC000  }
0x181: {  	v8 =	vld [tilespmem:$0x380];
	_ =	sdelay $0x4  }
0x182: {  	v8 =	vand.u32 $0x7F, v8  }
0x183: {  	v8 =	vor.u32 v0, v8;
	_ =	sdelay $0x1  }
0x184: {  	v56 =	vld [tilespmem:$0x390];
	_ =	sdelay $0x1  }
0x185: {  	v57 =	vld [tilespmem:$0x14980]  }
0x186: {  	v8 =	vld.idx.msk [tilespmem:v8+s20+$0x0], $0xffff;
	_ =	sdelay $0x1  }
0x187: {  	v9 =	vand.u32 $0x7F, v56  }
0x188: {  	v9 =	vor.u32 v1, v9;
	_ =	sdelay $0x1  }
0x189: {  	v58 =	vld [tilespmem:$0x3A0];
	v8 =	vadd.f32 v8, v57;
	_ =	sdelay $0x1  }
0x18a: {  	[tilespmem:$0x14980] =	vst v8;
	v8 =	vld [tilespmem:$0x14990]  }
0x18b: {  	v9 =	vld.idx.msk [tilespmem:v9+s20+$0x0], $0xffff;
	_ =	sdelay $0x1  }
0x18c: {  	v10 =	vand.u32 $0x7F, v58  }
0x18d: {  	v10 =	vor.u32 v2, v10;
	_ =	sdelay $0x1  }
0x18e: {  	v59 =	vld [tilespmem:$0x3B0];
	v8 =	vadd.f32 v9, v8;
	_ =	sdelay $0x1  }
0x18f: {  	[tilespmem:$0x14990] =	vst v8;
	v8 =	vld [tilespmem:$0x149A0]  }
0x190: {  	v10 =	vld.idx.msk [tilespmem:v10+s20+$0x0], $0xffff;
	_ =	sdelay $0x1  }
0x191: {  	v9 =	vand.u32 $0x7F, v59  }
0x192: {  	v9 =	vor.u32 v3, v9;
	_ =	sdelay $0x1  }
0x193: {  	v60 =	vld [tilespmem:$0x3C0];
	v8 =	vadd.f32 v10, v8;
	_ =	sdelay $0x1  }
0x194: {  	[tilespmem:$0x149A0] =	vst v8;
	v8 =	vld [tilespmem:$0x149B0]  }
0x195: {  	v9 =	vld.idx.msk [tilespmem:v9+s20+$0x0], $0xffff;
	_ =	sdelay $0x1  }
0x196: {  	v10 =	vand.u32 $0x7F, v60  }
0x197: {  	v10 =	vor.u32 v4, v10;
	_ =	sdelay $0x1  }
0x198: {  	v61 =	vld [tilespmem:$0x3D0];
	v8 =	vadd.f32 v9, v8;
	_ =	sdelay $0x1  }
0x199: {  	[tilespmem:$0x149B0] =	vst v8;
	v8 =	vld [tilespmem:$0x149C0]  }
0x19a: {  	v10 =	vld.idx.msk [tilespmem:v10+s20+$0x0], $0xffff;
	_ =	sdelay $0x1  }
0x19b: {  	v9 =	vand.u32 $0x7F, v61  }
0x19c: {  	v9 =	vor.u32 v5, v9;
	_ =	sdelay $0x1  }
0x19d: {  	v62 =	vld [tilespmem:$0x3E0];
	v8 =	vadd.f32 v10, v8;
	_ =	sdelay $0x1  }
0x19e: {  	[tilespmem:$0x149C0] =	vst v8;
	v8 =	vld [tilespmem:$0x149D0]  }
0x19f: {  	v9 =	vld.idx.msk [tilespmem:v9+s20+$0x0], $0xffff;
	_ =	sdelay $0x1  }
0x1a0: {  	v10 =	vand.u32 $0x7F, v62  }
0x1a1: {  	v10 =	vor.u32 v6, v10;
	_ =	sdelay $0x1  }
0x1a2: {  	v63 =	vld [tilespmem:$0x3F0];
	v8 =	vadd.f32 v9, v8;
	_ =	sdelay $0x1  }
0x1a3: {  	[tilespmem:$0x149D0] =	vst v8;
	v8 =	vld [tilespmem:$0x149E0]  }
0x1a4: {  	v10 =	vld.idx.msk [tilespmem:v10+s20+$0x0], $0xffff;
	_ =	sdelay $0x1  }
0x1a5: {  	v9 =	vand.u32 $0x7F, v63  }
0x1a6: {  	v9 =	vor.u32 v7, v9;
	_ =	sdelay $0x1  }
0x1a7: {  	v8 =	vadd.f32 v10, v8;
	_ =	sdelay $0x1  }
0x1a8: {  	[tilespmem:$0x149E0] =	vst v8;
	v8 =	vld [tilespmem:$0x149F0]  }
0x1a9: {  	v9 =	vld.idx.msk [tilespmem:v9+s20+$0x0], $0xffff;
	_ =	sdelay $0x4  }
0x1aa: {  	v8 =	vadd.f32 v9, v8;
	_ =	sdelay $0x1  }
0x1ab: {  	[tilespmem:$0x149F0] =	vst v8  }
0x1ac: {  	_ =	swait.ge [sflag:s30], $0x2000  }
0x1ad: {  	[sflag:s30] =	ssyncset.done $0x0  }
0x1ae: {  	[sflag:s30] =	ssyncadd.s32 $0xFFFFE000  }
0x1af: {  	_ =	swait.ge [sflag:s30], $0x2000  }
0x1b0: {  	[sflag:s30] =	ssyncset.done $0x0  }
0x1b1: {  	[sflag:s30] =	ssyncadd.s32 $0xFFFFE000  }
0x1b2: {  	_ =	swait.ge [sflag:s30], $0x2000  }
0x1b3: {  	[sflag:s30] =	ssyncset.done $0x0  }
0x1b4: {  	[sflag:s30] =	ssyncadd.s32 $0xFFFFE000  }
0x1b5: {  	_ =	swait.ge [sflag:s30], $0x2000  }
0x1b6: {  	[sflag:s30] =	ssyncset.done $0x0  }
0x1b7: {  	[sflag:s30] =	ssyncadd.s32 $0xFFFFE000  }
0x1b8: {  	_ =	swait.ge [sflag:s30], $0x2000  }
0x1b9: {  	[sflag:s30] =	ssyncset.done $0x0  }
0x1ba: {  	[sflag:s30] =	ssyncadd.s32 $0xFFFFE000  }
0x1bb: {  	_ =	swait.ge [sflag:s30], $0x2000  }
0x1bc: {  	[sflag:s30] =	ssyncset.done $0x0  }
0x1bd: {  	[sflag:s30] =	ssyncadd.s32 $0xFFFFE000  }
0x1be: {  	_ =	swait.ge [sflag:s30], $0x2000  }
0x1bf: {  	[sflag:s30] =	ssyncset.done $0x0  }
0x1c0: {  	[sflag:s30] =	ssyncadd.s32 $0xFFFFE000  }
0x1c1: {  	_ =	swait.ge [sflag:s30], $0x2000  }
0x1c2: {  	[sflag:s30] =	ssyncset.done $0x0  }
0x1c3: {  	s13 =	rddreg [dreg:$0x7];
	[sflag:s30] =	ssyncadd.s32 $0xFFFFE000  }
0x1c4: {  	[hbm4b:s13+s31] =	stream.strided.scatter [tilespmem:s11], [sflag:$0x3], $0x8000, s10, s31, $0x38;
	[tilespmem:$0x14A00] =	vst v63  }
0x1c5: {  	_ =	swait.ge [sflag:s8], $0x8000  }
0x1c6: {  	[sflag:s8] =	ssyncset.done $0x0  }
0x1c7: {  	s14 =	rddreg [dreg:$0x8];
	[sflag:s8] =	ssyncadd.s32 $0xFFFF8000  }
0x1c8: {  	[hbm4b:s14+s31] =	stream.strided.scatter [tilespmem:s12], [sflag:$0x3], $0x8000, s10, s31, $0x38;
	[tilespmem:$0x14A00] =	vst v63  }
0x1c9: {  	_ =	swait.ge [sflag:s8], $0x8000  }
0x1ca: {  	p0 =	sne.s32 s7, $0x1;
	[sflag:s8] =	ssyncset.done $0x0  }
.Ltmp0:
0x1cb: {  	s15 =	rddreg [dreg:$0x9];
	[sflag:s8] =	ssyncadd.s32 $0xFFFF8000;
	(pc) =	sbr.rel @p0 .LBB2_1-.Ltmp0, $4  }
0x1cc: {  	[hbm4b:s15+s2] =	stream.linear.scatter [tilespmem:s0], [sflag:$0x3], $0x200, $0x38;
	[tilespmem:$0x14A00] =	vst v63  }
0x1cd: {  	_ =	swait.ge [sflag:s8], $0x200  }
0x1ce: {  	[sflag:s8] =	ssyncset.done $0x0  }
0x1cf: {  	s7 =	sadd.s32 $0xFFFFFFFF, s7;
	[sflag:s8] =	ssyncadd.s32 $0xFFFFFE00  }
0x1d0: {  	_ =	sfence.sel $0x180000  }
0x1d1: {  	[bflag:$0x0] =	sbarrier.arrive $0xFFFF  }
0x1d2: {  	_ =	strace $0x90000047  }
0x1d3: {  	s0 =	stileid.u32;
	[bflag:$0x2] =	sbarrier.arrive $0xFFFF  }
0x1d4: {  	p0 =	sne.s32 s0, $0x0;
	s0 =	rddreg [dreg:$0x4]  }
0x1d5: {  	s0 =	sadd.s32 @!p0 $0x100000, s0  }
0x1d6: {  	[sflag:s0] =	ssyncadd.tile.s32 @!p0 $0x1;
	_ =	shalt  }
.Lfunc_end2:
_tile_overlayer_lowered:
.L_overlay_start_2:
0x1d7: {  	(tag) =	ssettag $0x2  }
0x1d8: {  	s0 =	rddreg [dreg:$0x0];
	s2 =	stileid.u32  }
0x1d9: {  	s1 =	rddreg [dreg:$0x1];
	p0 =	sne.s32 s2, $0x0  }
0x1da: {  	s3 =	rddreg [dreg:$0x2];
	[bflag:$0x3] =	sbarrier.arrive $0xFFFF;
	s2 =	simm.s32 @!p0 $0x1C03  }
0x1db: {  	[timem:s3], [sflag:s2] =	dma.local @!p0 [hbm:s0], s1  }
0x1dc: {  	s0 =	simm.s32 @!p0 $0x3  }
0x1dd: {  	_ =	swait.ge @!p0 [sflag:s0], s1  }
0x1de: {  	s1 =	ssub.s32 @!p0 $0x0, s1;
	[sflag:s0] =	ssyncset.done @!p0 $0x0  }
0x1df: {  	[sflag:s0] =	ssyncadd.s32 @!p0 s1  }
0x1e0: {  	[bflag:$0x3] =	sbarrier.arrive $0xFFFF  }
0x1e1: {  	_ =	shalt  }

</sc_bundles>
